<compile_context>
chip_gen: v7x
topology: tpu7x:2x2x1
jax: 0.10.2.dev20260603
libtpu: 0.0.44.dev20260713+nightly
codegen_flags: <defaults>
</compile_context>

<pallas_src>
import functools

import jax
import jax.numpy as jnp
from jax import lax
from jax.experimental import pallas as pl
from jax.experimental.pallas import tpu as pltpu, tpu_sc as plsc

N_NODES = 10000
N_EDGES = 320000
D = 128

NC = 2
NS = 16
NW = NC * NS

H_CHUNK = 125
H_CHUNKS = (2 * N_EDGES) // NW // H_CHUNK
N_PAD = 640 * NS

_sc_mesh = plsc.VectorSubcoreMesh(core_axis_name="c", subcore_axis_name="s")


@functools.partial(
    pl.kernel,
    out_type=jax.ShapeDtypeStruct((NC * N_PAD,), jnp.float32),
    mesh=_sc_mesh,
    scratch_types=[
        pltpu.VMEM((H_CHUNKS // 4, H_CHUNK), jnp.int32),
        pltpu.VMEM((640,), jnp.float32),
        pltpu.VMEM_SHARED((N_PAD,), jnp.float32),
        pltpu.SemaphoreType.DMA,
    ],
)
def _hist_kernel(idx_hbm, out_hbm, idx_v, buf_v, hist_sh, hsem):
    cid = lax.axis_index("c")
    sid = lax.axis_index("s")
    wid = cid * NS + sid

    @pl.loop(0, 40)
    def _(i):
        buf_v[pl.ds(i * 16, 16)] = jnp.zeros((16,), jnp.float32)

    pltpu.sync_copy(buf_v, hist_sh.at[pl.ds(sid * 640, 640)])
    plsc.subcore_barrier()

    @pl.loop(0, 40)
    def _(i):
        buf_v[pl.ds(i * 16, 16)] = jnp.ones((16,), jnp.float32)

    GRP = 8
    for e in range(2):
        for h in range(2):
            pltpu.sync_copy(idx_hbm.at[e, wid, h], idx_v)

            @pl.loop(0, H_CHUNKS // 4 // GRP)
            def _(g):
                for j in range(GRP):
                    pltpu.async_copy(buf_v.at[pl.ds(0, H_CHUNK)],
                                     hist_sh.at[idx_v.at[g * GRP + j]],
                                     hsem, add=True)
                for j in range(GRP):
                    pltpu.make_async_copy(
                        buf_v.at[pl.ds(0, H_CHUNK)],
                        hist_sh.at[idx_v.at[g * GRP + j]], hsem).wait()

    plsc.subcore_barrier()
    pltpu.sync_copy(hist_sh.at[pl.ds(sid * 640, 640)], buf_v)
    pltpu.sync_copy(buf_v, out_hbm.at[pl.ds(cid * N_PAD + sid * 640, 640)])


E_CHUNK = 125
E_CHUNKS = N_EDGES // NW // E_CHUNK
ROWS_PER_TILE = N_PAD // NS
CP_CHUNK = 80


@functools.partial(
    pl.kernel,
    out_type=jax.ShapeDtypeStruct((NC, N_PAD, D), jnp.float32),
    mesh=_sc_mesh,
    scratch_types=[
        pltpu.VMEM((E_CHUNKS // 2, E_CHUNK), jnp.int32),
        pltpu.VMEM((E_CHUNKS // 2, E_CHUNK), jnp.int32),
        pltpu.VMEM((E_CHUNK, D), jnp.float32),
        pltpu.VMEM((E_CHUNK, D), jnp.float32),
        pltpu.VMEM_SHARED((N_PAD, D), jnp.float32),
        pltpu.SemaphoreType.DMA,
        pltpu.SemaphoreType.DMA,
    ],
)
def _agg_kernel(y_hbm, idx_hbm, out_hbm,
                src_v, dst_v, rows0_v, rows1_v, agg_sh, sem0, sem1):
    cid = lax.axis_index("c")
    sid = lax.axis_index("s")
    wid = cid * NS + sid

    @pl.loop(0, E_CHUNK)
    def _(r):
        @pl.loop(0, D // 16)
        def _(c):
            rows0_v[r, pl.ds(c * 16, 16)] = jnp.zeros((16,), jnp.float32)

    @pl.loop(0, ROWS_PER_TILE // CP_CHUNK)
    def _(k):
        pltpu.sync_copy(
            rows0_v.at[pl.ds(0, CP_CHUNK)],
            agg_sh.at[pl.ds(sid * ROWS_PER_TILE + k * CP_CHUNK, CP_CHUNK)])

    plsc.subcore_barrier()

    HALF = E_CHUNKS // 2

    def _start(j, buf, sem):
        pltpu.async_copy(y_hbm.at[src_v.at[j]], buf, sem)

    def _finish(j, buf, sem):
        pltpu.make_async_copy(y_hbm.at[src_v.at[j]], buf, sem).wait()
        pltpu.sync_copy(buf, agg_sh.at[dst_v.at[j]], add=True)

    for h in range(2):
        pltpu.sync_copy(idx_hbm.at[0, wid, h], src_v)
        pltpu.sync_copy(idx_hbm.at[1, wid, h], dst_v)

        _start(0, rows0_v, sem0)
        _start(1, rows1_v, sem1)

        @pl.loop(0, HALF // 2 - 1)
        def _(p):
            _finish(2 * p, rows0_v, sem0)
            _start(2 * p + 2, rows0_v, sem0)
            _finish(2 * p + 1, rows1_v, sem1)
            _start(2 * p + 3, rows1_v, sem1)

        _finish(HALF - 2, rows0_v, sem0)
        _finish(HALF - 1, rows1_v, sem1)

    plsc.subcore_barrier()

    base = sid * ROWS_PER_TILE
    pltpu.sync_copy(agg_sh.at[pl.ds(base, ROWS_PER_TILE)],
                    out_hbm.at[cid, pl.ds(base, ROWS_PER_TILE)])


ROW_BLK = 2000


def _scale_body(h0_ref, h1_ref, x_ref, y_ref, n_ref):
    deg = (h0_ref[...] + h1_ref[...]) * 0.5 + 1.0
    norm = lax.rsqrt(jnp.maximum(deg, 1e-12))
    n_ref[...] = norm
    y_ref[...] = x_ref[...] * norm


def _scale(h0, h1, x):
    return pl.pallas_call(
        _scale_body,
        out_shape=(jax.ShapeDtypeStruct((N_NODES, D), jnp.float32),
                   jax.ShapeDtypeStruct((N_NODES, 1), jnp.float32)),
        grid=(N_NODES // ROW_BLK,),
        in_specs=[
            pl.BlockSpec((ROW_BLK, 1), lambda i: (i, 0)),
            pl.BlockSpec((ROW_BLK, 1), lambda i: (i, 0)),
            pl.BlockSpec((ROW_BLK, D), lambda i: (i, 0)),
        ],
        out_specs=(pl.BlockSpec((ROW_BLK, D), lambda i: (i, 0)),
                   pl.BlockSpec((ROW_BLK, 1), lambda i: (i, 0))),
    )(h0, h1, x)


def _final_body(n_ref, y_ref, p_ref, w_ref, b_ref, o_ref):
    agg = (p_ref[0] + p_ref[1] + y_ref[...]) * n_ref[...]
    out = jnp.dot(agg, w_ref[...], preferred_element_type=jnp.float32)
    o_ref[...] = jnp.maximum(out + b_ref[...], 0.0)


def _final(norm, y, parts, W, b2):
    return pl.pallas_call(
        _final_body,
        out_shape=jax.ShapeDtypeStruct((N_NODES, D), jnp.float32),
        grid=(N_NODES // ROW_BLK,),
        in_specs=[
            pl.BlockSpec((ROW_BLK, 1), lambda i: (i, 0)),
            pl.BlockSpec((ROW_BLK, D), lambda i: (i, 0)),
            pl.BlockSpec((NC, ROW_BLK, D), lambda i: (0, i, 0)),
            pl.BlockSpec((D, D), lambda i: (0, 0)),
            pl.BlockSpec((1, D), lambda i: (0, 0)),
        ],
        out_specs=pl.BlockSpec((ROW_BLK, D), lambda i: (i, 0)),
    )(norm, y, parts, W, b2)


def kernel(x, edge_index, W, b):
    ei = edge_index.astype(jnp.int32)
    big = ei.reshape(2, NW, 2, E_CHUNKS // 2, E_CHUNK)

    hist = _hist_kernel(big)
    h0 = hist[:N_NODES].reshape(N_NODES, 1)
    h1 = hist[N_PAD:N_PAD + N_NODES].reshape(N_NODES, 1)

    y, norm = _scale(h0, h1, x)
    parts = _agg_kernel(y, big)

    return _final(norm, y, parts, W, b.reshape(1, D))

# --- scband reference (transcript-rebuilt; emitter-appended) ---
"""Pipeline reference for scband-graph-full-84112639525587 (READ-ONLY COPY).

The authoritative reference and input builder live on the scoring server;
editing this copy changes nothing except your own understanding.
"""

import jax, jax.numpy as jnp
import numpy as np

N_NODES = 10000
N_EDGES = 320000
D_IN = 128
D_OUT = 128

def setup_inputs(seed: int = 0) -> dict:
    key = jax.random.key(seed)
    k1, k2, k3, k4 = jax.random.split(key, 4)
    x = jax.random.normal(k1, (N_NODES, D_IN), dtype=jnp.float32)
    edge_index = jax.random.randint(k2, (2, N_EDGES), 0, N_NODES, dtype=jnp.int64)
    W = jax.random.normal(k3, (D_IN, D_OUT), dtype=jnp.float32) * (1.0 / np.sqrt(D_IN))
    b = jax.random.normal(k4, (D_OUT,), dtype=jnp.float32) * 0.01
    return {"x": x, "edge_index": edge_index, "W": W, "b": b}

def reference(x, edge_index, W, b):
    # GCN layer with symmetric degree normalization (A_hat @ X @ W), as used
    # inside GraphFull's gcn over the (attr, obj, pair) composition graph.
    src = edge_index[0]
    dst = edge_index[1]
    ones = jnp.ones((src.shape[0],), dtype=jnp.float32)
    deg = jax.ops.segment_sum(ones, dst, num_segments=N_NODES)
    deg = deg + jax.ops.segment_sum(ones, src, num_segments=N_NODES)
    # self-loops contribute 1 to every node's degree
    deg = deg * 0.5 + 1.0
    norm = jax.lax.rsqrt(jnp.maximum(deg, 1e-12))
    # gather source features (memory-bound gather)
    msg = jnp.take(x, src, axis=0) * (norm[src] * norm[dst])[:, None]
    # scatter-add aggregation by destination node
    agg = jax.ops.segment_sum(msg, dst, num_segments=N_NODES)
    # self-loop term
    agg = agg + x * (norm * norm)[:, None]
    out = agg @ W + b
    return jax.nn.relu(out)

if __name__ == "__main__":
    import jax
    _d = setup_inputs()
    print(jax.jit(kernel)(*tuple(_d.values())))

</pallas_src>

<mosaic_0001>
#map = affine_map<(d0, d1) -> (0, 0)>
#map1 = affine_map<(d0, d1) -> (0, 0, 0, 0, 0)>
#map2 = affine_map<(d0, d1) -> (0, 0, 0)>
module attributes {stable_mosaic.version = 14 : i64} {
  func.func @_agg_kernel(%arg0: i32, %arg1: i32, %arg2: memref<10000x128xf32, #tpu.memory_space<hbm>>, %arg3: memref<2x32x2x40x125xi32, #tpu.memory_space<hbm>>, %arg4: memref<2x10240x128xf32, #tpu.memory_space<hbm>>, %arg5: memref<40x125xi32, #tpu.memory_space<vmem>>, %arg6: memref<40x125xi32, #tpu.memory_space<vmem>>, %arg7: memref<125x128xf32, #tpu.memory_space<vmem>>, %arg8: memref<125x128xf32, #tpu.memory_space<vmem>>, %arg9: memref<10240x128xf32, #tpu.memory_space<vmem_shared>>, %arg10: memref<!tpu.dma_semaphore, #tpu.memory_space<semaphore_mem>>, %arg11: memref<!tpu.dma_semaphore, #tpu.memory_space<semaphore_mem>>) attributes {dimension_semantics = [#tpu.dimension_semantics<core_parallel>, #tpu.dimension_semantics<subcore_parallel>], iteration_bounds = array<i64: 2, 16>, scalar_prefetch = 0 : i64, scratch_operands = 7 : i64, tpu.core_type = #tpu.core_type<sc_vector_subcore>, window_params = [{transform_indices = #map}, {transform_indices = #map1}, {transform_indices = #map2}]} {
    %mul3A = arith.constant 16 : i32
    %mul3A_0 = arith.muli %arg0, %mul3A : i32
    %add3A = arith.addi %mul3A_0, %arg1 : i32
    %scan3A = arith.constant 0 : i32
    %scan3A_1 = arith.constant 125 : i32
    %scan3A_2 = arith.addi %scan3A, %scan3A_1 : i32
    %scan3A_3 = arith.constant 1 : i32
    scf.for %scan3A_88 = %scan3A to %scan3A_2 step %scan3A_3  : i32 {
      %mul3A_89 = arith.constant 1 : i32
      %mul3A_90 = arith.muli %scan3A_88, %mul3A_89 : i32
      %add3A_91 = arith.constant 0 : i32
      %add3A_92 = arith.addi %add3A_91, %mul3A_90 : i32
      %scan3A_93 = arith.constant 0 : i32
      %scan3A_94 = arith.constant 8 : i32
      %scan3A_95 = arith.addi %scan3A_93, %scan3A_94 : i32
      %scan3A_96 = arith.constant 1 : i32
      scf.for %scan3A_98 = %scan3A_93 to %scan3A_95 step %scan3A_96  : i32 {
        %mul3A_99 = arith.constant 1 : i32
        %mul3A_100 = arith.muli %scan3A_98, %mul3A_99 : i32
        %add3A_101 = arith.constant 0 : i32
        %add3A_102 = arith.addi %add3A_101, %mul3A_100 : i32
        %broadcast_in_dim3A = arith.constant 0.000000e+00 : f32
        %broadcast_in_dim3A_103 = vector.broadcast %broadcast_in_dim3A : f32 to vector<16xf32>
        %mul3A_104 = arith.constant 16 : i32
        %mul3A_105 = arith.muli %add3A_102, %mul3A_104 : i32
        %swap3A = arith.index_cast %add3A_92 : i32 to index
        %swap3A_106 = arith.index_cast %mul3A_105 : i32 to index
        %swap3A_107 = tpu.vector_load %arg7[%swap3A, %swap3A_106] {strides = array<i32>} : memref<125x128xf32, #tpu.memory_space<vmem>>, vector<1x16xf32>,
        %swap3A_108 = vector.shape_cast %swap3A_107 : vector<1x16xf32> to vector<16xf32>
        %swap3A_109 = vector.shape_cast %broadcast_in_dim3A_103 : vector<16xf32> to vector<1x16xf32>
        tpu.vector_store %arg7[%swap3A, %swap3A_106], %swap3A_109 {strides = array<i32>} : memref<125x128xf32, #tpu.memory_space<vmem>>, vector<1x16xf32>,
      }
      %scan3A_97 = arith.constant 8 : i32
    }
    %scan3A_4 = arith.constant 125 : i32
    %scan3A_5 = arith.constant 0 : i32
    %scan3A_6 = arith.constant 8 : i32
    %scan3A_7 = arith.addi %scan3A_5, %scan3A_6 : i32
    %scan3A_8 = arith.constant 1 : i32
    scf.for %scan3A_88 = %scan3A_5 to %scan3A_7 step %scan3A_8  : i32 {
      %mul3A_89 = arith.constant 1 : i32
      %mul3A_90 = arith.muli %scan3A_88, %mul3A_89 : i32
      %add3A_91 = arith.constant 0 : i32
      %add3A_92 = arith.addi %add3A_91, %mul3A_90 : i32
      %mul3A_93 = arith.constant 640 : i32
      %mul3A_94 = arith.muli %arg1, %mul3A_93 : i32
      %mul3A_95 = arith.constant 80 : i32
      %mul3A_96 = arith.muli %add3A_92, %mul3A_95 : i32
      %add3A_97 = arith.addi %mul3A_94, %mul3A_96 : i32
      "tpu.region"() ({
        %run_scoped3A_98 = tpu.sem_alloc : memref<!tpu.dma_semaphore, #tpu.memory_space<semaphore_mem>>
        %dma_start3A_99 = arith.constant 0 : i32
        %dma_start3A_100 = arith.constant 0 : i32
        %dma_start3A_101 = tpu.memref_slice %arg7[%dma_start3A_99, %dma_start3A_100] : memref<125x128xf32, #tpu.memory_space<vmem>> -> memref<80x128xf32, #tpu.memory_space<vmem>>
        %dma_start3A_102 = arith.constant 0 : i32
        %dma_start3A_103 = tpu.memref_slice %arg9[%add3A_97, %dma_start3A_102] : memref<10240x128xf32, #tpu.memory_space<vmem_shared>> -> memref<80x128xf32, #tpu.memory_space<vmem_shared>>
        %dma_start3A_104 = arith.constant 0 : i32
        %dma_start3A_105 = tpu.memref_slice %arg9[%add3A_97, %dma_start3A_104] : memref<10240x128xf32, #tpu.memory_space<vmem_shared>> -> memref<80x128xf32, #tpu.memory_space<vmem_shared>>
        %dma_start3A_106 = arith.constant 0 : i32
        %dma_start3A_107 = arith.constant 0 : i32
        %dma_start3A_108 = tpu.memref_slice %arg7[%dma_start3A_106, %dma_start3A_107] : memref<125x128xf32, #tpu.memory_space<vmem>> -> memref<80x128xf32, #tpu.memory_space<vmem>>
        tpu.enqueue_dma source(%dma_start3A_108 : memref<80x128xf32, #tpu.memory_space<vmem>>) target(%dma_start3A_105 : memref<80x128xf32, #tpu.memory_space<vmem_shared>>) target_semaphore(%run_scoped3A_98 : memref<!tpu.dma_semaphore, #tpu.memory_space<semaphore_mem>>)
        %dma_wait3A_109 = arith.constant 0 : i32
        %dma_wait3A_110 = arith.constant 0 : i32
        %dma_wait3A_111 = tpu.memref_slice %arg7[%dma_wait3A_109, %dma_wait3A_110] : memref<125x128xf32, #tpu.memory_space<vmem>> -> memref<80x128xf32, #tpu.memory_space<vmem>>
        %dma_wait3A_112 = arith.constant 0 : i32
        %dma_wait3A_113 = tpu.memref_slice %arg9[%add3A_97, %dma_wait3A_112] : memref<10240x128xf32, #tpu.memory_space<vmem_shared>> -> memref<80x128xf32, #tpu.memory_space<vmem_shared>>
        %dma_wait3A_114 = arith.constant 0 : i32
        %dma_wait3A_115 = tpu.memref_slice %arg9[%add3A_97, %dma_wait3A_114] : memref<10240x128xf32, #tpu.memory_space<vmem_shared>> -> memref<80x128xf32, #tpu.memory_space<vmem_shared>>
        %dma_wait3A_116 = arith.constant 0 : i32
        %dma_wait3A_117 = arith.constant 0 : i32
        %dma_wait3A_118 = tpu.memref_slice %arg7[%dma_wait3A_116, %dma_wait3A_117] : memref<125x128xf32, #tpu.memory_space<vmem>> -> memref<80x128xf32, #tpu.memory_space<vmem>>
        tpu.wait_dma2 semaphore(%run_scoped3A_98 : memref<!tpu.dma_semaphore, #tpu.memory_space<semaphore_mem>>) src(%dma_wait3A_118 : memref<80x128xf32, #tpu.memory_space<vmem>>) dst(%dma_wait3A_115 : memref<80x128xf32, #tpu.memory_space<vmem_shared>>)
        tpu.yield
      }) : () -> ()
    }
    %scan3A_9 = arith.constant 8 : i32
    %barrier3A = arith.constant 0 : index
    tpu.barrier barrier_id(%barrier3A)
    %run_scoped3A = arith.constant 0 : i32
    %run_scoped3A_10 = arith.constant 0 : i32
    "tpu.region"() ({
      %run_scoped3A_88 = tpu.sem_alloc : memref<!tpu.dma_semaphore, #tpu.memory_space<semaphore_mem>>
      %dma_start3A_89 = arith.constant 0 : i32
      %dma_start3A_90 = arith.constant 0 : i32
      %dma_start3A_91 = tpu.memref_slice %arg3[%run_scoped3A, %add3A, %run_scoped3A_10, %dma_start3A_89, %dma_start3A_90] : memref<2x32x2x40x125xi32, #tpu.memory_space<hbm>> -> memref<1x1x1x40x125xi32, #tpu.memory_space<hbm>>
      %dma_start3A_92 = tpu.memref_squeeze %dma_start3A_91 : memref<1x1x1x40x125xi32, #tpu.memory_space<hbm>> -> memref<40x125xi32, #tpu.memory_space<hbm>>
      %dma_start3A_93 = arith.constant 0 : i32
      %dma_start3A_94 = arith.constant 0 : i32
      %dma_start3A_95 = tpu.memref_slice %arg3[%run_scoped3A, %add3A, %run_scoped3A_10, %dma_start3A_93, %dma_start3A_94] : memref<2x32x2x40x125xi32, #tpu.memory_space<hbm>> -> memref<1x1x1x40x125xi32, #tpu.memory_space<hbm>>
      %dma_start3A_96 = tpu.memref_squeeze %dma_start3A_95 : memref<1x1x1x40x125xi32, #tpu.memory_space<hbm>> -> memref<40x125xi32, #tpu.memory_space<hbm>>
      tpu.enqueue_dma source(%dma_start3A_96 : memref<40x125xi32, #tpu.memory_space<hbm>>) target(%arg5 : memref<40x125xi32, #tpu.memory_space<vmem>>) target_semaphore(%run_scoped3A_88 : memref<!tpu.dma_semaphore, #tpu.memory_space<semaphore_mem>>)
      %dma_wait3A_97 = arith.constant 0 : i32
      %dma_wait3A_98 = arith.constant 0 : i32
      %dma_wait3A_99 = tpu.memref_slice %arg3[%run_scoped3A, %add3A, %run_scoped3A_10, %dma_wait3A_97, %dma_wait3A_98] : memref<2x32x2x40x125xi32, #tpu.memory_space<hbm>> -> memref<1x1x1x40x125xi32, #tpu.memory_space<hbm>>
      %dma_wait3A_100 = tpu.memref_squeeze %dma_wait3A_99 : memref<1x1x1x40x125xi32, #tpu.memory_space<hbm>> -> memref<40x125xi32, #tpu.memory_space<hbm>>
      %dma_wait3A_101 = arith.constant 0 : i32
      %dma_wait3A_102 = arith.constant 0 : i32
      %dma_wait3A_103 = tpu.memref_slice %arg3[%run_scoped3A, %add3A, %run_scoped3A_10, %dma_wait3A_101, %dma_wait3A_102] : memref<2x32x2x40x125xi32, #tpu.memory_space<hbm>> -> memref<1x1x1x40x125xi32, #tpu.memory_space<hbm>>
      %dma_wait3A_104 = tpu.memref_squeeze %dma_wait3A_103 : memref<1x1x1x40x125xi32, #tpu.memory_space<hbm>> -> memref<40x125xi32, #tpu.memory_space<hbm>>
      tpu.wait_dma2 semaphore(%run_scoped3A_88 : memref<!tpu.dma_semaphore, #tpu.memory_space<semaphore_mem>>) src(%dma_wait3A_104 : memref<40x125xi32, #tpu.memory_space<hbm>>) dst(%arg5 : memref<40x125xi32, #tpu.memory_space<vmem>>)
      tpu.yield
    }) : () -> ()
    %run_scoped3A_11 = arith.constant 1 : i32
    %run_scoped3A_12 = arith.constant 0 : i32
    "tpu.region"() ({
      %run_scoped3A_88 = tpu.sem_alloc : memref<!tpu.dma_semaphore, #tpu.memory_space<semaphore_mem>>
      %dma_start3A_89 = arith.constant 0 : i32
      %dma_start3A_90 = arith.constant 0 : i32
      %dma_start3A_91 = tpu.memref_slice %arg3[%run_scoped3A_11, %add3A, %run_scoped3A_12, %dma_start3A_89, %dma_start3A_90] : memref<2x32x2x40x125xi32, #tpu.memory_space<hbm>> -> memref<1x1x1x40x125xi32, #tpu.memory_space<hbm>>
      %dma_start3A_92 = tpu.memref_squeeze %dma_start3A_91 : memref<1x1x1x40x125xi32, #tpu.memory_space<hbm>> -> memref<40x125xi32, #tpu.memory_space<hbm>>
      %dma_start3A_93 = arith.constant 0 : i32
      %dma_start3A_94 = arith.constant 0 : i32
      %dma_start3A_95 = tpu.memref_slice %arg3[%run_scoped3A_11, %add3A, %run_scoped3A_12, %dma_start3A_93, %dma_start3A_94] : memref<2x32x2x40x125xi32, #tpu.memory_space<hbm>> -> memref<1x1x1x40x125xi32, #tpu.memory_space<hbm>>
      %dma_start3A_96 = tpu.memref_squeeze %dma_start3A_95 : memref<1x1x1x40x125xi32, #tpu.memory_space<hbm>> -> memref<40x125xi32, #tpu.memory_space<hbm>>
      tpu.enqueue_dma source(%dma_start3A_96 : memref<40x125xi32, #tpu.memory_space<hbm>>) target(%arg6 : memref<40x125xi32, #tpu.memory_space<vmem>>) target_semaphore(%run_scoped3A_88 : memref<!tpu.dma_semaphore, #tpu.memory_space<semaphore_mem>>)
      %dma_wait3A_97 = arith.constant 0 : i32
      %dma_wait3A_98 = arith.constant 0 : i32
      %dma_wait3A_99 = tpu.memref_slice %arg3[%run_scoped3A_11, %add3A, %run_scoped3A_12, %dma_wait3A_97, %dma_wait3A_98] : memref<2x32x2x40x125xi32, #tpu.memory_space<hbm>> -> memref<1x1x1x40x125xi32, #tpu.memory_space<hbm>>
      %dma_wait3A_100 = tpu.memref_squeeze %dma_wait3A_99 : memref<1x1x1x40x125xi32, #tpu.memory_space<hbm>> -> memref<40x125xi32, #tpu.memory_space<hbm>>
      %dma_wait3A_101 = arith.constant 0 : i32
      %dma_wait3A_102 = arith.constant 0 : i32
      %dma_wait3A_103 = tpu.memref_slice %arg3[%run_scoped3A_11, %add3A, %run_scoped3A_12, %dma_wait3A_101, %dma_wait3A_102] : memref<2x32x2x40x125xi32, #tpu.memory_space<hbm>> -> memref<1x1x1x40x125xi32, #tpu.memory_space<hbm>>
      %dma_wait3A_104 = tpu.memref_squeeze %dma_wait3A_103 : memref<1x1x1x40x125xi32, #tpu.memory_space<hbm>> -> memref<40x125xi32, #tpu.memory_space<hbm>>
      tpu.wait_dma2 semaphore(%run_scoped3A_88 : memref<!tpu.dma_semaphore, #tpu.memory_space<semaphore_mem>>) src(%dma_wait3A_104 : memref<40x125xi32, #tpu.memory_space<hbm>>) dst(%arg6 : memref<40x125xi32, #tpu.memory_space<vmem>>)
      tpu.yield
    }) : () -> ()
    %dma_start3A = arith.constant 0 : i32
    %dma_start3A_13 = arith.constant 0 : i32
    %dma_start3A_14 = tpu.memref_slice %arg5[%dma_start3A, %dma_start3A_13] : memref<40x125xi32, #tpu.memory_space<vmem>> -> memref<1x125xi32, #tpu.memory_space<vmem>>
    %dma_start3A_15 = tpu.memref_squeeze %dma_start3A_14 : memref<1x125xi32, #tpu.memory_space<vmem>> -> memref<125xi32, #tpu.memory_space<vmem>>
    %dma_start3A_16 = arith.constant 0 : i32
    %dma_start3A_17 = arith.constant 0 : i32
    %dma_start3A_18 = tpu.memref_slice %arg2[%dma_start3A_16, %dma_start3A_17] : memref<10000x128xf32, #tpu.memory_space<hbm>> -> memref<10000x128xf32, #tpu.memory_space<hbm>>
    tpu.enqueue_indirect_dma source(%dma_start3A_18 : memref<10000x128xf32, #tpu.memory_space<hbm>>) target(%arg7 : memref<125x128xf32, #tpu.memory_space<vmem>>) offsets(%dma_start3A_15 : memref<125xi32, #tpu.memory_space<vmem>>) semaphore(%arg10 : memref<!tpu.dma_semaphore, #tpu.memory_space<semaphore_mem>>)
    %dma_start3A_19 = arith.constant 1 : i32
    %dma_start3A_20 = arith.constant 0 : i32
    %dma_start3A_21 = tpu.memref_slice %arg5[%dma_start3A_19, %dma_start3A_20] : memref<40x125xi32, #tpu.memory_space<vmem>> -> memref<1x125xi32, #tpu.memory_space<vmem>>
    %dma_start3A_22 = tpu.memref_squeeze %dma_start3A_21 : memref<1x125xi32, #tpu.memory_space<vmem>> -> memref<125xi32, #tpu.memory_space<vmem>>
    %dma_start3A_23 = arith.constant 0 : i32
    %dma_start3A_24 = arith.constant 0 : i32
    %dma_start3A_25 = tpu.memref_slice %arg2[%dma_start3A_23, %dma_start3A_24] : memref<10000x128xf32, #tpu.memory_space<hbm>> -> memref<10000x128xf32, #tpu.memory_space<hbm>>
    tpu.enqueue_indirect_dma source(%dma_start3A_25 : memref<10000x128xf32, #tpu.memory_space<hbm>>) target(%arg8 : memref<125x128xf32, #tpu.memory_space<vmem>>) offsets(%dma_start3A_22 : memref<125xi32, #tpu.memory_space<vmem>>) semaphore(%arg11 : memref<!tpu.dma_semaphore, #tpu.memory_space<semaphore_mem>>)
    %scan3A_26 = arith.constant 0 : i32
    %scan3A_27 = arith.constant 19 : i32
    %scan3A_28 = arith.addi %scan3A_26, %scan3A_27 : i32
    %scan3A_29 = arith.constant 1 : i32
    scf.for %scan3A_88 = %scan3A_26 to %scan3A_28 step %scan3A_29  : i32 {
      %mul3A_89 = arith.constant 1 : i32
      %mul3A_90 = arith.muli %scan3A_88, %mul3A_89 : i32
      %add3A_91 = arith.constant 0 : i32
      %add3A_92 = arith.addi %add3A_91, %mul3A_90 : i32
      %mul3A_93 = arith.constant 2 : i32
      %mul3A_94 = arith.muli %mul3A_93, %add3A_92 : i32
      %dma_wait3A_95 = arith.constant 0 : i32
      %dma_wait3A_96 = tpu.memref_slice %arg5[%mul3A_94, %dma_wait3A_95] : memref<40x125xi32, #tpu.memory_space<vmem>> -> memref<1x125xi32, #tpu.memory_space<vmem>>
      %dma_wait3A_97 = tpu.memref_squeeze %dma_wait3A_96 : memref<1x125xi32, #tpu.memory_space<vmem>> -> memref<125xi32, #tpu.memory_space<vmem>>
      %dma_wait3A_98 = arith.constant 0 : i32
      %dma_wait3A_99 = arith.constant 0 : i32
      %dma_wait3A_100 = tpu.memref_slice %arg2[%dma_wait3A_98, %dma_wait3A_99] : memref<10000x128xf32, #tpu.memory_space<hbm>> -> memref<10000x128xf32, #tpu.memory_space<hbm>>
      tpu.wait_indirect_dma semaphore(%arg10 : memref<!tpu.dma_semaphore, #tpu.memory_space<semaphore_mem>>) src(%dma_wait3A_100 : memref<10000x128xf32, #tpu.memory_space<hbm>>) dst(%arg7 : memref<125x128xf32, #tpu.memory_space<vmem>>)
      "tpu.region"() ({
        %run_scoped3A_131 = tpu.sem_alloc : memref<!tpu.dma_semaphore, #tpu.memory_space<semaphore_mem>>
        %dma_start3A_132 = arith.constant 0 : i32
        %dma_start3A_133 = tpu.memref_slice %arg6[%mul3A_94, %dma_start3A_132] : memref<40x125xi32, #tpu.memory_space<vmem>> -> memref<1x125xi32, #tpu.memory_space<vmem>>
        %dma_start3A_134 = tpu.memref_squeeze %dma_start3A_133 : memref<1x125xi32, #tpu.memory_space<vmem>> -> memref<125xi32, #tpu.memory_space<vmem>>
        %dma_start3A_135 = arith.constant 0 : i32
        %dma_start3A_136 = arith.constant 0 : i32
        %dma_start3A_137 = tpu.memref_slice %arg9[%dma_start3A_135, %dma_start3A_136] : memref<10240x128xf32, #tpu.memory_space<vmem_shared>> -> memref<10240x128xf32, #tpu.memory_space<vmem_shared>>
        tpu.enqueue_indirect_dma source(%arg7 : memref<125x128xf32, #tpu.memory_space<vmem>>) target(%dma_start3A_137 : memref<10240x128xf32, #tpu.memory_space<vmem_shared>>) offsets(%dma_start3A_134 : memref<125xi32, #tpu.memory_space<vmem>>) semaphore(%run_scoped3A_131 : memref<!tpu.dma_semaphore, #tpu.memory_space<semaphore_mem>>) {add = true}
        %dma_wait3A_138 = arith.constant 0 : i32
        %dma_wait3A_139 = tpu.memref_slice %arg6[%mul3A_94, %dma_wait3A_138] : memref<40x125xi32, #tpu.memory_space<vmem>> -> memref<1x125xi32, #tpu.memory_space<vmem>>
        %dma_wait3A_140 = tpu.memref_squeeze %dma_wait3A_139 : memref<1x125xi32, #tpu.memory_space<vmem>> -> memref<125xi32, #tpu.memory_space<vmem>>
        %dma_wait3A_141 = arith.constant 0 : i32
        %dma_wait3A_142 = arith.constant 0 : i32
        %dma_wait3A_143 = tpu.memref_slice %arg9[%dma_wait3A_141, %dma_wait3A_142] : memref<10240x128xf32, #tpu.memory_space<vmem_shared>> -> memref<10240x128xf32, #tpu.memory_space<vmem_shared>>
        tpu.wait_indirect_dma semaphore(%run_scoped3A_131 : memref<!tpu.dma_semaphore, #tpu.memory_space<semaphore_mem>>) src(%arg7 : memref<125x128xf32, #tpu.memory_space<vmem>>) dst(%dma_wait3A_143 : memref<10240x128xf32, #tpu.memory_space<vmem_shared>>)
        tpu.yield
      }) : () -> ()
      %mul3A_101 = arith.constant 2 : i32
      %mul3A_102 = arith.muli %mul3A_101, %add3A_92 : i32
      %add3A_103 = arith.constant 2 : i32
      %add3A_104 = arith.addi %mul3A_102, %add3A_103 : i32
      %dma_start3A_105 = arith.constant 0 : i32
      %dma_start3A_106 = tpu.memref_slice %arg5[%add3A_104, %dma_start3A_105] : memref<40x125xi32, #tpu.memory_space<vmem>> -> memref<1x125xi32, #tpu.memory_space<vmem>>
      %dma_start3A_107 = tpu.memref_squeeze %dma_start3A_106 : memref<1x125xi32, #tpu.memory_space<vmem>> -> memref<125xi32, #tpu.memory_space<vmem>>
      %dma_start3A_108 = arith.constant 0 : i32
      %dma_start3A_109 = arith.constant 0 : i32
      %dma_start3A_110 = tpu.memref_slice %arg2[%dma_start3A_108, %dma_start3A_109] : memref<10000x128xf32, #tpu.memory_space<hbm>> -> memref<10000x128xf32, #tpu.memory_space<hbm>>
      tpu.enqueue_indirect_dma source(%dma_start3A_110 : memref<10000x128xf32, #tpu.memory_space<hbm>>) target(%arg7 : memref<125x128xf32, #tpu.memory_space<vmem>>) offsets(%dma_start3A_107 : memref<125xi32, #tpu.memory_space<vmem>>) semaphore(%arg10 : memref<!tpu.dma_semaphore, #tpu.memory_space<semaphore_mem>>)
      %mul3A_111 = arith.constant 2 : i32
      %mul3A_112 = arith.muli %mul3A_111, %add3A_92 : i32
      %add3A_113 = arith.constant 1 : i32
      %add3A_114 = arith.addi %mul3A_112, %add3A_113 : i32
      %dma_wait3A_115 = arith.constant 0 : i32
      %dma_wait3A_116 = tpu.memref_slice %arg5[%add3A_114, %dma_wait3A_115] : memref<40x125xi32, #tpu.memory_space<vmem>> -> memref<1x125xi32, #tpu.memory_space<vmem>>
      %dma_wait3A_117 = tpu.memref_squeeze %dma_wait3A_116 : memref<1x125xi32, #tpu.memory_space<vmem>> -> memref<125xi32, #tpu.memory_space<vmem>>
      %dma_wait3A_118 = arith.constant 0 : i32
      %dma_wait3A_119 = arith.constant 0 : i32
      %dma_wait3A_120 = tpu.memref_slice %arg2[%dma_wait3A_118, %dma_wait3A_119] : memref<10000x128xf32, #tpu.memory_space<hbm>> -> memref<10000x128xf32, #tpu.memory_space<hbm>>
      tpu.wait_indirect_dma semaphore(%arg11 : memref<!tpu.dma_semaphore, #tpu.memory_space<semaphore_mem>>) src(%dma_wait3A_120 : memref<10000x128xf32, #tpu.memory_space<hbm>>) dst(%arg8 : memref<125x128xf32, #tpu.memory_space<vmem>>)
      "tpu.region"() ({
        %run_scoped3A_131 = tpu.sem_alloc : memref<!tpu.dma_semaphore, #tpu.memory_space<semaphore_mem>>
        %dma_start3A_132 = arith.constant 0 : i32
        %dma_start3A_133 = tpu.memref_slice %arg6[%add3A_114, %dma_start3A_132] : memref<40x125xi32, #tpu.memory_space<vmem>> -> memref<1x125xi32, #tpu.memory_space<vmem>>
        %dma_start3A_134 = tpu.memref_squeeze %dma_start3A_133 : memref<1x125xi32, #tpu.memory_space<vmem>> -> memref<125xi32, #tpu.memory_space<vmem>>
        %dma_start3A_135 = arith.constant 0 : i32
        %dma_start3A_136 = arith.constant 0 : i32
        %dma_start3A_137 = tpu.memref_slice %arg9[%dma_start3A_135, %dma_start3A_136] : memref<10240x128xf32, #tpu.memory_space<vmem_shared>> -> memref<10240x128xf32, #tpu.memory_space<vmem_shared>>
        tpu.enqueue_indirect_dma source(%arg8 : memref<125x128xf32, #tpu.memory_space<vmem>>) target(%dma_start3A_137 : memref<10240x128xf32, #tpu.memory_space<vmem_shared>>) offsets(%dma_start3A_134 : memref<125xi32, #tpu.memory_space<vmem>>) semaphore(%run_scoped3A_131 : memref<!tpu.dma_semaphore, #tpu.memory_space<semaphore_mem>>) {add = true}
        %dma_wait3A_138 = arith.constant 0 : i32
        %dma_wait3A_139 = tpu.memref_slice %arg6[%add3A_114, %dma_wait3A_138] : memref<40x125xi32, #tpu.memory_space<vmem>> -> memref<1x125xi32, #tpu.memory_space<vmem>>
        %dma_wait3A_140 = tpu.memref_squeeze %dma_wait3A_139 : memref<1x125xi32, #tpu.memory_space<vmem>> -> memref<125xi32, #tpu.memory_space<vmem>>
        %dma_wait3A_141 = arith.constant 0 : i32
        %dma_wait3A_142 = arith.constant 0 : i32
        %dma_wait3A_143 = tpu.memref_slice %arg9[%dma_wait3A_141, %dma_wait3A_142] : memref<10240x128xf32, #tpu.memory_space<vmem_shared>> -> memref<10240x128xf32, #tpu.memory_space<vmem_shared>>
        tpu.wait_indirect_dma semaphore(%run_scoped3A_131 : memref<!tpu.dma_semaphore, #tpu.memory_space<semaphore_mem>>) src(%arg8 : memref<125x128xf32, #tpu.memory_space<vmem>>) dst(%dma_wait3A_143 : memref<10240x128xf32, #tpu.memory_space<vmem_shared>>)
        tpu.yield
      }) : () -> ()
      %mul3A_121 = arith.constant 2 : i32
      %mul3A_122 = arith.muli %mul3A_121, %add3A_92 : i32
      %add3A_123 = arith.constant 3 : i32
      %add3A_124 = arith.addi %mul3A_122, %add3A_123 : i32
      %dma_start3A_125 = arith.constant 0 : i32
      %dma_start3A_126 = tpu.memref_slice %arg5[%add3A_124, %dma_start3A_125] : memref<40x125xi32, #tpu.memory_space<vmem>> -> memref<1x125xi32, #tpu.memory_space<vmem>>
      %dma_start3A_127 = tpu.memref_squeeze %dma_start3A_126 : memref<1x125xi32, #tpu.memory_space<vmem>> -> memref<125xi32, #tpu.memory_space<vmem>>
      %dma_start3A_128 = arith.constant 0 : i32
      %dma_start3A_129 = arith.constant 0 : i32
      %dma_start3A_130 = tpu.memref_slice %arg2[%dma_start3A_128, %dma_start3A_129] : memref<10000x128xf32, #tpu.memory_space<hbm>> -> memref<10000x128xf32, #tpu.memory_space<hbm>>
      tpu.enqueue_indirect_dma source(%dma_start3A_130 : memref<10000x128xf32, #tpu.memory_space<hbm>>) target(%arg8 : memref<125x128xf32, #tpu.memory_space<vmem>>) offsets(%dma_start3A_127 : memref<125xi32, #tpu.memory_space<vmem>>) semaphore(%arg11 : memref<!tpu.dma_semaphore, #tpu.memory_space<semaphore_mem>>)
    }
    %scan3A_30 = arith.constant 19 : i32
    %dma_wait3A = arith.constant 38 : i32
    %dma_wait3A_31 = arith.constant 0 : i32
    %dma_wait3A_32 = tpu.memref_slice %arg5[%dma_wait3A, %dma_wait3A_31] : memref<40x125xi32, #tpu.memory_space<vmem>> -> memref<1x125xi32, #tpu.memory_space<vmem>>
    %dma_wait3A_33 = tpu.memref_squeeze %dma_wait3A_32 : memref<1x125xi32, #tpu.memory_space<vmem>> -> memref<125xi32, #tpu.memory_space<vmem>>
    %dma_wait3A_34 = arith.constant 0 : i32
    %dma_wait3A_35 = arith.constant 0 : i32
    %dma_wait3A_36 = tpu.memref_slice %arg2[%dma_wait3A_34, %dma_wait3A_35] : memref<10000x128xf32, #tpu.memory_space<hbm>> -> memref<10000x128xf32, #tpu.memory_space<hbm>>
    tpu.wait_indirect_dma semaphore(%arg10 : memref<!tpu.dma_semaphore, #tpu.memory_space<semaphore_mem>>) src(%dma_wait3A_36 : memref<10000x128xf32, #tpu.memory_space<hbm>>) dst(%arg7 : memref<125x128xf32, #tpu.memory_space<vmem>>)
    %run_scoped3A_37 = arith.constant 38 : i32
    "tpu.region"() ({
      %run_scoped3A_88 = tpu.sem_alloc : memref<!tpu.dma_semaphore, #tpu.memory_space<semaphore_mem>>
      %dma_start3A_89 = arith.constant 0 : i32
      %dma_start3A_90 = tpu.memref_slice %arg6[%run_scoped3A_37, %dma_start3A_89] : memref<40x125xi32, #tpu.memory_space<vmem>> -> memref<1x125xi32, #tpu.memory_space<vmem>>
      %dma_start3A_91 = tpu.memref_squeeze %dma_start3A_90 : memref<1x125xi32, #tpu.memory_space<vmem>> -> memref<125xi32, #tpu.memory_space<vmem>>
      %dma_start3A_92 = arith.constant 0 : i32
      %dma_start3A_93 = arith.constant 0 : i32
      %dma_start3A_94 = tpu.memref_slice %arg9[%dma_start3A_92, %dma_start3A_93] : memref<10240x128xf32, #tpu.memory_space<vmem_shared>> -> memref<10240x128xf32, #tpu.memory_space<vmem_shared>>
      tpu.enqueue_indirect_dma source(%arg7 : memref<125x128xf32, #tpu.memory_space<vmem>>) target(%dma_start3A_94 : memref<10240x128xf32, #tpu.memory_space<vmem_shared>>) offsets(%dma_start3A_91 : memref<125xi32, #tpu.memory_space<vmem>>) semaphore(%run_scoped3A_88 : memref<!tpu.dma_semaphore, #tpu.memory_space<semaphore_mem>>) {add = true}
      %dma_wait3A_95 = arith.constant 0 : i32
      %dma_wait3A_96 = tpu.memref_slice %arg6[%run_scoped3A_37, %dma_wait3A_95] : memref<40x125xi32, #tpu.memory_space<vmem>> -> memref<1x125xi32, #tpu.memory_space<vmem>>
      %dma_wait3A_97 = tpu.memref_squeeze %dma_wait3A_96 : memref<1x125xi32, #tpu.memory_space<vmem>> -> memref<125xi32, #tpu.memory_space<vmem>>
      %dma_wait3A_98 = arith.constant 0 : i32
      %dma_wait3A_99 = arith.constant 0 : i32
      %dma_wait3A_100 = tpu.memref_slice %arg9[%dma_wait3A_98, %dma_wait3A_99] : memref<10240x128xf32, #tpu.memory_space<vmem_shared>> -> memref<10240x128xf32, #tpu.memory_space<vmem_shared>>
      tpu.wait_indirect_dma semaphore(%run_scoped3A_88 : memref<!tpu.dma_semaphore, #tpu.memory_space<semaphore_mem>>) src(%arg7 : memref<125x128xf32, #tpu.memory_space<vmem>>) dst(%dma_wait3A_100 : memref<10240x128xf32, #tpu.memory_space<vmem_shared>>)
      tpu.yield
    }) : () -> ()
    %dma_wait3A_38 = arith.constant 39 : i32
    %dma_wait3A_39 = arith.constant 0 : i32
    %dma_wait3A_40 = tpu.memref_slice %arg5[%dma_wait3A_38, %dma_wait3A_39] : memref<40x125xi32, #tpu.memory_space<vmem>> -> memref<1x125xi32, #tpu.memory_space<vmem>>
    %dma_wait3A_41 = tpu.memref_squeeze %dma_wait3A_40 : memref<1x125xi32, #tpu.memory_space<vmem>> -> memref<125xi32, #tpu.memory_space<vmem>>
    %dma_wait3A_42 = arith.constant 0 : i32
    %dma_wait3A_43 = arith.constant 0 : i32
    %dma_wait3A_44 = tpu.memref_slice %arg2[%dma_wait3A_42, %dma_wait3A_43] : memref<10000x128xf32, #tpu.memory_space<hbm>> -> memref<10000x128xf32, #tpu.memory_space<hbm>>
    tpu.wait_indirect_dma semaphore(%arg11 : memref<!tpu.dma_semaphore, #tpu.memory_space<semaphore_mem>>) src(%dma_wait3A_44 : memref<10000x128xf32, #tpu.memory_space<hbm>>) dst(%arg8 : memref<125x128xf32, #tpu.memory_space<vmem>>)
    %run_scoped3A_45 = arith.constant 39 : i32
    "tpu.region"() ({
      %run_scoped3A_88 = tpu.sem_alloc : memref<!tpu.dma_semaphore, #tpu.memory_space<semaphore_mem>>
      %dma_start3A_89 = arith.constant 0 : i32
      %dma_start3A_90 = tpu.memref_slice %arg6[%run_scoped3A_45, %dma_start3A_89] : memref<40x125xi32, #tpu.memory_space<vmem>> -> memref<1x125xi32, #tpu.memory_space<vmem>>
      %dma_start3A_91 = tpu.memref_squeeze %dma_start3A_90 : memref<1x125xi32, #tpu.memory_space<vmem>> -> memref<125xi32, #tpu.memory_space<vmem>>
      %dma_start3A_92 = arith.constant 0 : i32
      %dma_start3A_93 = arith.constant 0 : i32
      %dma_start3A_94 = tpu.memref_slice %arg9[%dma_start3A_92, %dma_start3A_93] : memref<10240x128xf32, #tpu.memory_space<vmem_shared>> -> memref<10240x128xf32, #tpu.memory_space<vmem_shared>>
      tpu.enqueue_indirect_dma source(%arg8 : memref<125x128xf32, #tpu.memory_space<vmem>>) target(%dma_start3A_94 : memref<10240x128xf32, #tpu.memory_space<vmem_shared>>) offsets(%dma_start3A_91 : memref<125xi32, #tpu.memory_space<vmem>>) semaphore(%run_scoped3A_88 : memref<!tpu.dma_semaphore, #tpu.memory_space<semaphore_mem>>) {add = true}
      %dma_wait3A_95 = arith.constant 0 : i32
      %dma_wait3A_96 = tpu.memref_slice %arg6[%run_scoped3A_45, %dma_wait3A_95] : memref<40x125xi32, #tpu.memory_space<vmem>> -> memref<1x125xi32, #tpu.memory_space<vmem>>
      %dma_wait3A_97 = tpu.memref_squeeze %dma_wait3A_96 : memref<1x125xi32, #tpu.memory_space<vmem>> -> memref<125xi32, #tpu.memory_space<vmem>>
      %dma_wait3A_98 = arith.constant 0 : i32
      %dma_wait3A_99 = arith.constant 0 : i32
      %dma_wait3A_100 = tpu.memref_slice %arg9[%dma_wait3A_98, %dma_wait3A_99] : memref<10240x128xf32, #tpu.memory_space<vmem_shared>> -> memref<10240x128xf32, #tpu.memory_space<vmem_shared>>
      tpu.wait_indirect_dma semaphore(%run_scoped3A_88 : memref<!tpu.dma_semaphore, #tpu.memory_space<semaphore_mem>>) src(%arg8 : memref<125x128xf32, #tpu.memory_space<vmem>>) dst(%dma_wait3A_100 : memref<10240x128xf32, #tpu.memory_space<vmem_shared>>)
      tpu.yield
    }) : () -> ()
    %run_scoped3A_46 = arith.constant 0 : i32
    %run_scoped3A_47 = arith.constant 1 : i32
    "tpu.region"() ({
      %run_scoped3A_88 = tpu.sem_alloc : memref<!tpu.dma_semaphore, #tpu.memory_space<semaphore_mem>>
      %dma_start3A_89 = arith.constant 0 : i32
      %dma_start3A_90 = arith.constant 0 : i32
      %dma_start3A_91 = tpu.memref_slice %arg3[%run_scoped3A_46, %add3A, %run_scoped3A_47, %dma_start3A_89, %dma_start3A_90] : memref<2x32x2x40x125xi32, #tpu.memory_space<hbm>> -> memref<1x1x1x40x125xi32, #tpu.memory_space<hbm>>
      %dma_start3A_92 = tpu.memref_squeeze %dma_start3A_91 : memref<1x1x1x40x125xi32, #tpu.memory_space<hbm>> -> memref<40x125xi32, #tpu.memory_space<hbm>>
      %dma_start3A_93 = arith.constant 0 : i32
      %dma_start3A_94 = arith.constant 0 : i32
      %dma_start3A_95 = tpu.memref_slice %arg3[%run_scoped3A_46, %add3A, %run_scoped3A_47, %dma_start3A_93, %dma_start3A_94] : memref<2x32x2x40x125xi32, #tpu.memory_space<hbm>> -> memref<1x1x1x40x125xi32, #tpu.memory_space<hbm>>
      %dma_start3A_96 = tpu.memref_squeeze %dma_start3A_95 : memref<1x1x1x40x125xi32, #tpu.memory_space<hbm>> -> memref<40x125xi32, #tpu.memory_space<hbm>>
      tpu.enqueue_dma source(%dma_start3A_96 : memref<40x125xi32, #tpu.memory_space<hbm>>) target(%arg5 : memref<40x125xi32, #tpu.memory_space<vmem>>) target_semaphore(%run_scoped3A_88 : memref<!tpu.dma_semaphore, #tpu.memory_space<semaphore_mem>>)
      %dma_wait3A_97 = arith.constant 0 : i32
      %dma_wait3A_98 = arith.constant 0 : i32
      %dma_wait3A_99 = tpu.memref_slice %arg3[%run_scoped3A_46, %add3A, %run_scoped3A_47, %dma_wait3A_97, %dma_wait3A_98] : memref<2x32x2x40x125xi32, #tpu.memory_space<hbm>> -> memref<1x1x1x40x125xi32, #tpu.memory_space<hbm>>
      %dma_wait3A_100 = tpu.memref_squeeze %dma_wait3A_99 : memref<1x1x1x40x125xi32, #tpu.memory_space<hbm>> -> memref<40x125xi32, #tpu.memory_space<hbm>>
      %dma_wait3A_101 = arith.constant 0 : i32
      %dma_wait3A_102 = arith.constant 0 : i32
      %dma_wait3A_103 = tpu.memref_slice %arg3[%run_scoped3A_46, %add3A, %run_scoped3A_47, %dma_wait3A_101, %dma_wait3A_102] : memref<2x32x2x40x125xi32, #tpu.memory_space<hbm>> -> memref<1x1x1x40x125xi32, #tpu.memory_space<hbm>>
      %dma_wait3A_104 = tpu.memref_squeeze %dma_wait3A_103 : memref<1x1x1x40x125xi32, #tpu.memory_space<hbm>> -> memref<40x125xi32, #tpu.memory_space<hbm>>
      tpu.wait_dma2 semaphore(%run_scoped3A_88 : memref<!tpu.dma_semaphore, #tpu.memory_space<semaphore_mem>>) src(%dma_wait3A_104 : memref<40x125xi32, #tpu.memory_space<hbm>>) dst(%arg5 : memref<40x125xi32, #tpu.memory_space<vmem>>)
      tpu.yield
    }) : () -> ()
    %run_scoped3A_48 = arith.constant 1 : i32
    %run_scoped3A_49 = arith.constant 1 : i32
    "tpu.region"() ({
      %run_scoped3A_88 = tpu.sem_alloc : memref<!tpu.dma_semaphore, #tpu.memory_space<semaphore_mem>>
      %dma_start3A_89 = arith.constant 0 : i32
      %dma_start3A_90 = arith.constant 0 : i32
      %dma_start3A_91 = tpu.memref_slice %arg3[%run_scoped3A_48, %add3A, %run_scoped3A_49, %dma_start3A_89, %dma_start3A_90] : memref<2x32x2x40x125xi32, #tpu.memory_space<hbm>> -> memref<1x1x1x40x125xi32, #tpu.memory_space<hbm>>
      %dma_start3A_92 = tpu.memref_squeeze %dma_start3A_91 : memref<1x1x1x40x125xi32, #tpu.memory_space<hbm>> -> memref<40x125xi32, #tpu.memory_space<hbm>>
      %dma_start3A_93 = arith.constant 0 : i32
      %dma_start3A_94 = arith.constant 0 : i32
      %dma_start3A_95 = tpu.memref_slice %arg3[%run_scoped3A_48, %add3A, %run_scoped3A_49, %dma_start3A_93, %dma_start3A_94] : memref<2x32x2x40x125xi32, #tpu.memory_space<hbm>> -> memref<1x1x1x40x125xi32, #tpu.memory_space<hbm>>
      %dma_start3A_96 = tpu.memref_squeeze %dma_start3A_95 : memref<1x1x1x40x125xi32, #tpu.memory_space<hbm>> -> memref<40x125xi32, #tpu.memory_space<hbm>>
      tpu.enqueue_dma source(%dma_start3A_96 : memref<40x125xi32, #tpu.memory_space<hbm>>) target(%arg6 : memref<40x125xi32, #tpu.memory_space<vmem>>) target_semaphore(%run_scoped3A_88 : memref<!tpu.dma_semaphore, #tpu.memory_space<semaphore_mem>>)
      %dma_wait3A_97 = arith.constant 0 : i32
      %dma_wait3A_98 = arith.constant 0 : i32
      %dma_wait3A_99 = tpu.memref_slice %arg3[%run_scoped3A_48, %add3A, %run_scoped3A_49, %dma_wait3A_97, %dma_wait3A_98] : memref<2x32x2x40x125xi32, #tpu.memory_space<hbm>> -> memref<1x1x1x40x125xi32, #tpu.memory_space<hbm>>
      %dma_wait3A_100 = tpu.memref_squeeze %dma_wait3A_99 : memref<1x1x1x40x125xi32, #tpu.memory_space<hbm>> -> memref<40x125xi32, #tpu.memory_space<hbm>>
      %dma_wait3A_101 = arith.constant 0 : i32
      %dma_wait3A_102 = arith.constant 0 : i32
      %dma_wait3A_103 = tpu.memref_slice %arg3[%run_scoped3A_48, %add3A, %run_scoped3A_49, %dma_wait3A_101, %dma_wait3A_102] : memref<2x32x2x40x125xi32, #tpu.memory_space<hbm>> -> memref<1x1x1x40x125xi32, #tpu.memory_space<hbm>>
      %dma_wait3A_104 = tpu.memref_squeeze %dma_wait3A_103 : memref<1x1x1x40x125xi32, #tpu.memory_space<hbm>> -> memref<40x125xi32, #tpu.memory_space<hbm>>
      tpu.wait_dma2 semaphore(%run_scoped3A_88 : memref<!tpu.dma_semaphore, #tpu.memory_space<semaphore_mem>>) src(%dma_wait3A_104 : memref<40x125xi32, #tpu.memory_space<hbm>>) dst(%arg6 : memref<40x125xi32, #tpu.memory_space<vmem>>)
      tpu.yield
    }) : () -> ()
    %dma_start3A_50 = arith.constant 0 : i32
    %dma_start3A_51 = arith.constant 0 : i32
    %dma_start3A_52 = tpu.memref_slice %arg5[%dma_start3A_50, %dma_start3A_51] : memref<40x125xi32, #tpu.memory_space<vmem>> -> memref<1x125xi32, #tpu.memory_space<vmem>>
    %dma_start3A_53 = tpu.memref_squeeze %dma_start3A_52 : memref<1x125xi32, #tpu.memory_space<vmem>> -> memref<125xi32, #tpu.memory_space<vmem>>
    %dma_start3A_54 = arith.constant 0 : i32
    %dma_start3A_55 = arith.constant 0 : i32
    %dma_start3A_56 = tpu.memref_slice %arg2[%dma_start3A_54, %dma_start3A_55] : memref<10000x128xf32, #tpu.memory_space<hbm>> -> memref<10000x128xf32, #tpu.memory_space<hbm>>
    tpu.enqueue_indirect_dma source(%dma_start3A_56 : memref<10000x128xf32, #tpu.memory_space<hbm>>) target(%arg7 : memref<125x128xf32, #tpu.memory_space<vmem>>) offsets(%dma_start3A_53 : memref<125xi32, #tpu.memory_space<vmem>>) semaphore(%arg10 : memref<!tpu.dma_semaphore, #tpu.memory_space<semaphore_mem>>)
    %dma_start3A_57 = arith.constant 1 : i32
    %dma_start3A_58 = arith.constant 0 : i32
    %dma_start3A_59 = tpu.memref_slice %arg5[%dma_start3A_57, %dma_start3A_58] : memref<40x125xi32, #tpu.memory_space<vmem>> -> memref<1x125xi32, #tpu.memory_space<vmem>>
    %dma_start3A_60 = tpu.memref_squeeze %dma_start3A_59 : memref<1x125xi32, #tpu.memory_space<vmem>> -> memref<125xi32, #tpu.memory_space<vmem>>
    %dma_start3A_61 = arith.constant 0 : i32
    %dma_start3A_62 = arith.constant 0 : i32
    %dma_start3A_63 = tpu.memref_slice %arg2[%dma_start3A_61, %dma_start3A_62] : memref<10000x128xf32, #tpu.memory_space<hbm>> -> memref<10000x128xf32, #tpu.memory_space<hbm>>
    tpu.enqueue_indirect_dma source(%dma_start3A_63 : memref<10000x128xf32, #tpu.memory_space<hbm>>) target(%arg8 : memref<125x128xf32, #tpu.memory_space<vmem>>) offsets(%dma_start3A_60 : memref<125xi32, #tpu.memory_space<vmem>>) semaphore(%arg11 : memref<!tpu.dma_semaphore, #tpu.memory_space<semaphore_mem>>)
    %scan3A_64 = arith.constant 0 : i32
    %scan3A_65 = arith.constant 19 : i32
    %scan3A_66 = arith.addi %scan3A_64, %scan3A_65 : i32
    %scan3A_67 = arith.constant 1 : i32
    scf.for %scan3A_88 = %scan3A_64 to %scan3A_66 step %scan3A_67  : i32 {
      %mul3A_89 = arith.constant 1 : i32
      %mul3A_90 = arith.muli %scan3A_88, %mul3A_89 : i32
      %add3A_91 = arith.constant 0 : i32
      %add3A_92 = arith.addi %add3A_91, %mul3A_90 : i32
      %mul3A_93 = arith.constant 2 : i32
      %mul3A_94 = arith.muli %mul3A_93, %add3A_92 : i32
      %dma_wait3A_95 = arith.constant 0 : i32
      %dma_wait3A_96 = tpu.memref_slice %arg5[%mul3A_94, %dma_wait3A_95] : memref<40x125xi32, #tpu.memory_space<vmem>> -> memref<1x125xi32, #tpu.memory_space<vmem>>
      %dma_wait3A_97 = tpu.memref_squeeze %dma_wait3A_96 : memref<1x125xi32, #tpu.memory_space<vmem>> -> memref<125xi32, #tpu.memory_space<vmem>>
      %dma_wait3A_98 = arith.constant 0 : i32
      %dma_wait3A_99 = arith.constant 0 : i32
      %dma_wait3A_100 = tpu.memref_slice %arg2[%dma_wait3A_98, %dma_wait3A_99] : memref<10000x128xf32, #tpu.memory_space<hbm>> -> memref<10000x128xf32, #tpu.memory_space<hbm>>
      tpu.wait_indirect_dma semaphore(%arg10 : memref<!tpu.dma_semaphore, #tpu.memory_space<semaphore_mem>>) src(%dma_wait3A_100 : memref<10000x128xf32, #tpu.memory_space<hbm>>) dst(%arg7 : memref<125x128xf32, #tpu.memory_space<vmem>>)
      "tpu.region"() ({
        %run_scoped3A_131 = tpu.sem_alloc : memref<!tpu.dma_semaphore, #tpu.memory_space<semaphore_mem>>
        %dma_start3A_132 = arith.constant 0 : i32
        %dma_start3A_133 = tpu.memref_slice %arg6[%mul3A_94, %dma_start3A_132] : memref<40x125xi32, #tpu.memory_space<vmem>> -> memref<1x125xi32, #tpu.memory_space<vmem>>
        %dma_start3A_134 = tpu.memref_squeeze %dma_start3A_133 : memref<1x125xi32, #tpu.memory_space<vmem>> -> memref<125xi32, #tpu.memory_space<vmem>>
        %dma_start3A_135 = arith.constant 0 : i32
        %dma_start3A_136 = arith.constant 0 : i32
        %dma_start3A_137 = tpu.memref_slice %arg9[%dma_start3A_135, %dma_start3A_136] : memref<10240x128xf32, #tpu.memory_space<vmem_shared>> -> memref<10240x128xf32, #tpu.memory_space<vmem_shared>>
        tpu.enqueue_indirect_dma source(%arg7 : memref<125x128xf32, #tpu.memory_space<vmem>>) target(%dma_start3A_137 : memref<10240x128xf32, #tpu.memory_space<vmem_shared>>) offsets(%dma_start3A_134 : memref<125xi32, #tpu.memory_space<vmem>>) semaphore(%run_scoped3A_131 : memref<!tpu.dma_semaphore, #tpu.memory_space<semaphore_mem>>) {add = true}
        %dma_wait3A_138 = arith.constant 0 : i32
        %dma_wait3A_139 = tpu.memref_slice %arg6[%mul3A_94, %dma_wait3A_138] : memref<40x125xi32, #tpu.memory_space<vmem>> -> memref<1x125xi32, #tpu.memory_space<vmem>>
        %dma_wait3A_140 = tpu.memref_squeeze %dma_wait3A_139 : memref<1x125xi32, #tpu.memory_space<vmem>> -> memref<125xi32, #tpu.memory_space<vmem>>
        %dma_wait3A_141 = arith.constant 0 : i32
        %dma_wait3A_142 = arith.constant 0 : i32
        %dma_wait3A_143 = tpu.memref_slice %arg9[%dma_wait3A_141, %dma_wait3A_142] : memref<10240x128xf32, #tpu.memory_space<vmem_shared>> -> memref<10240x128xf32, #tpu.memory_space<vmem_shared>>
        tpu.wait_indirect_dma semaphore(%run_scoped3A_131 : memref<!tpu.dma_semaphore, #tpu.memory_space<semaphore_mem>>) src(%arg7 : memref<125x128xf32, #tpu.memory_space<vmem>>) dst(%dma_wait3A_143 : memref<10240x128xf32, #tpu.memory_space<vmem_shared>>)
        tpu.yield
      }) : () -> ()
      %mul3A_101 = arith.constant 2 : i32
      %mul3A_102 = arith.muli %mul3A_101, %add3A_92 : i32
      %add3A_103 = arith.constant 2 : i32
      %add3A_104 = arith.addi %mul3A_102, %add3A_103 : i32
      %dma_start3A_105 = arith.constant 0 : i32
      %dma_start3A_106 = tpu.memref_slice %arg5[%add3A_104, %dma_start3A_105] : memref<40x125xi32, #tpu.memory_space<vmem>> -> memref<1x125xi32, #tpu.memory_space<vmem>>
      %dma_start3A_107 = tpu.memref_squeeze %dma_start3A_106 : memref<1x125xi32, #tpu.memory_space<vmem>> -> memref<125xi32, #tpu.memory_space<vmem>>
      %dma_start3A_108 = arith.constant 0 : i32
      %dma_start3A_109 = arith.constant 0 : i32
      %dma_start3A_110 = tpu.memref_slice %arg2[%dma_start3A_108, %dma_start3A_109] : memref<10000x128xf32, #tpu.memory_space<hbm>> -> memref<10000x128xf32, #tpu.memory_space<hbm>>
      tpu.enqueue_indirect_dma source(%dma_start3A_110 : memref<10000x128xf32, #tpu.memory_space<hbm>>) target(%arg7 : memref<125x128xf32, #tpu.memory_space<vmem>>) offsets(%dma_start3A_107 : memref<125xi32, #tpu.memory_space<vmem>>) semaphore(%arg10 : memref<!tpu.dma_semaphore, #tpu.memory_space<semaphore_mem>>)
      %mul3A_111 = arith.constant 2 : i32
      %mul3A_112 = arith.muli %mul3A_111, %add3A_92 : i32
      %add3A_113 = arith.constant 1 : i32
      %add3A_114 = arith.addi %mul3A_112, %add3A_113 : i32
      %dma_wait3A_115 = arith.constant 0 : i32
      %dma_wait3A_116 = tpu.memref_slice %arg5[%add3A_114, %dma_wait3A_115] : memref<40x125xi32, #tpu.memory_space<vmem>> -> memref<1x125xi32, #tpu.memory_space<vmem>>
      %dma_wait3A_117 = tpu.memref_squeeze %dma_wait3A_116 : memref<1x125xi32, #tpu.memory_space<vmem>> -> memref<125xi32, #tpu.memory_space<vmem>>
      %dma_wait3A_118 = arith.constant 0 : i32
      %dma_wait3A_119 = arith.constant 0 : i32
      %dma_wait3A_120 = tpu.memref_slice %arg2[%dma_wait3A_118, %dma_wait3A_119] : memref<10000x128xf32, #tpu.memory_space<hbm>> -> memref<10000x128xf32, #tpu.memory_space<hbm>>
      tpu.wait_indirect_dma semaphore(%arg11 : memref<!tpu.dma_semaphore, #tpu.memory_space<semaphore_mem>>) src(%dma_wait3A_120 : memref<10000x128xf32, #tpu.memory_space<hbm>>) dst(%arg8 : memref<125x128xf32, #tpu.memory_space<vmem>>)
      "tpu.region"() ({
        %run_scoped3A_131 = tpu.sem_alloc : memref<!tpu.dma_semaphore, #tpu.memory_space<semaphore_mem>>
        %dma_start3A_132 = arith.constant 0 : i32
        %dma_start3A_133 = tpu.memref_slice %arg6[%add3A_114, %dma_start3A_132] : memref<40x125xi32, #tpu.memory_space<vmem>> -> memref<1x125xi32, #tpu.memory_space<vmem>>
        %dma_start3A_134 = tpu.memref_squeeze %dma_start3A_133 : memref<1x125xi32, #tpu.memory_space<vmem>> -> memref<125xi32, #tpu.memory_space<vmem>>
        %dma_start3A_135 = arith.constant 0 : i32
        %dma_start3A_136 = arith.constant 0 : i32
        %dma_start3A_137 = tpu.memref_slice %arg9[%dma_start3A_135, %dma_start3A_136] : memref<10240x128xf32, #tpu.memory_space<vmem_shared>> -> memref<10240x128xf32, #tpu.memory_space<vmem_shared>>
        tpu.enqueue_indirect_dma source(%arg8 : memref<125x128xf32, #tpu.memory_space<vmem>>) target(%dma_start3A_137 : memref<10240x128xf32, #tpu.memory_space<vmem_shared>>) offsets(%dma_start3A_134 : memref<125xi32, #tpu.memory_space<vmem>>) semaphore(%run_scoped3A_131 : memref<!tpu.dma_semaphore, #tpu.memory_space<semaphore_mem>>) {add = true}
        %dma_wait3A_138 = arith.constant 0 : i32
        %dma_wait3A_139 = tpu.memref_slice %arg6[%add3A_114, %dma_wait3A_138] : memref<40x125xi32, #tpu.memory_space<vmem>> -> memref<1x125xi32, #tpu.memory_space<vmem>>
        %dma_wait3A_140 = tpu.memref_squeeze %dma_wait3A_139 : memref<1x125xi32, #tpu.memory_space<vmem>> -> memref<125xi32, #tpu.memory_space<vmem>>
        %dma_wait3A_141 = arith.constant 0 : i32
        %dma_wait3A_142 = arith.constant 0 : i32
        %dma_wait3A_143 = tpu.memref_slice %arg9[%dma_wait3A_141, %dma_wait3A_142] : memref<10240x128xf32, #tpu.memory_space<vmem_shared>> -> memref<10240x128xf32, #tpu.memory_space<vmem_shared>>
        tpu.wait_indirect_dma semaphore(%run_scoped3A_131 : memref<!tpu.dma_semaphore, #tpu.memory_space<semaphore_mem>>) src(%arg8 : memref<125x128xf32, #tpu.memory_space<vmem>>) dst(%dma_wait3A_143 : memref<10240x128xf32, #tpu.memory_space<vmem_shared>>)
        tpu.yield
      }) : () -> ()
      %mul3A_121 = arith.constant 2 : i32
      %mul3A_122 = arith.muli %mul3A_121, %add3A_92 : i32
      %add3A_123 = arith.constant 3 : i32
      %add3A_124 = arith.addi %mul3A_122, %add3A_123 : i32
      %dma_start3A_125 = arith.constant 0 : i32
      %dma_start3A_126 = tpu.memref_slice %arg5[%add3A_124, %dma_start3A_125] : memref<40x125xi32, #tpu.memory_space<vmem>> -> memref<1x125xi32, #tpu.memory_space<vmem>>
      %dma_start3A_127 = tpu.memref_squeeze %dma_start3A_126 : memref<1x125xi32, #tpu.memory_space<vmem>> -> memref<125xi32, #tpu.memory_space<vmem>>
      %dma_start3A_128 = arith.constant 0 : i32
      %dma_start3A_129 = arith.constant 0 : i32
      %dma_start3A_130 = tpu.memref_slice %arg2[%dma_start3A_128, %dma_start3A_129] : memref<10000x128xf32, #tpu.memory_space<hbm>> -> memref<10000x128xf32, #tpu.memory_space<hbm>>
      tpu.enqueue_indirect_dma source(%dma_start3A_130 : memref<10000x128xf32, #tpu.memory_space<hbm>>) target(%arg8 : memref<125x128xf32, #tpu.memory_space<vmem>>) offsets(%dma_start3A_127 : memref<125xi32, #tpu.memory_space<vmem>>) semaphore(%arg11 : memref<!tpu.dma_semaphore, #tpu.memory_space<semaphore_mem>>)
    }
    %scan3A_68 = arith.constant 19 : i32
    %dma_wait3A_69 = arith.constant 38 : i32
    %dma_wait3A_70 = arith.constant 0 : i32
    %dma_wait3A_71 = tpu.memref_slice %arg5[%dma_wait3A_69, %dma_wait3A_70] : memref<40x125xi32, #tpu.memory_space<vmem>> -> memref<1x125xi32, #tpu.memory_space<vmem>>
    %dma_wait3A_72 = tpu.memref_squeeze %dma_wait3A_71 : memref<1x125xi32, #tpu.memory_space<vmem>> -> memref<125xi32, #tpu.memory_space<vmem>>
    %dma_wait3A_73 = arith.constant 0 : i32
    %dma_wait3A_74 = arith.constant 0 : i32
    %dma_wait3A_75 = tpu.memref_slice %arg2[%dma_wait3A_73, %dma_wait3A_74] : memref<10000x128xf32, #tpu.memory_space<hbm>> -> memref<10000x128xf32, #tpu.memory_space<hbm>>
    tpu.wait_indirect_dma semaphore(%arg10 : memref<!tpu.dma_semaphore, #tpu.memory_space<semaphore_mem>>) src(%dma_wait3A_75 : memref<10000x128xf32, #tpu.memory_space<hbm>>) dst(%arg7 : memref<125x128xf32, #tpu.memory_space<vmem>>)
    %run_scoped3A_76 = arith.constant 38 : i32
    "tpu.region"() ({
      %run_scoped3A_88 = tpu.sem_alloc : memref<!tpu.dma_semaphore, #tpu.memory_space<semaphore_mem>>
      %dma_start3A_89 = arith.constant 0 : i32
      %dma_start3A_90 = tpu.memref_slice %arg6[%run_scoped3A_76, %dma_start3A_89] : memref<40x125xi32, #tpu.memory_space<vmem>> -> memref<1x125xi32, #tpu.memory_space<vmem>>
      %dma_start3A_91 = tpu.memref_squeeze %dma_start3A_90 : memref<1x125xi32, #tpu.memory_space<vmem>> -> memref<125xi32, #tpu.memory_space<vmem>>
      %dma_start3A_92 = arith.constant 0 : i32
      %dma_start3A_93 = arith.constant 0 : i32
      %dma_start3A_94 = tpu.memref_slice %arg9[%dma_start3A_92, %dma_start3A_93] : memref<10240x128xf32, #tpu.memory_space<vmem_shared>> -> memref<10240x128xf32, #tpu.memory_space<vmem_shared>>
      tpu.enqueue_indirect_dma source(%arg7 : memref<125x128xf32, #tpu.memory_space<vmem>>) target(%dma_start3A_94 : memref<10240x128xf32, #tpu.memory_space<vmem_shared>>) offsets(%dma_start3A_91 : memref<125xi32, #tpu.memory_space<vmem>>) semaphore(%run_scoped3A_88 : memref<!tpu.dma_semaphore, #tpu.memory_space<semaphore_mem>>) {add = true}
      %dma_wait3A_95 = arith.constant 0 : i32
      %dma_wait3A_96 = tpu.memref_slice %arg6[%run_scoped3A_76, %dma_wait3A_95] : memref<40x125xi32, #tpu.memory_space<vmem>> -> memref<1x125xi32, #tpu.memory_space<vmem>>
      %dma_wait3A_97 = tpu.memref_squeeze %dma_wait3A_96 : memref<1x125xi32, #tpu.memory_space<vmem>> -> memref<125xi32, #tpu.memory_space<vmem>>
      %dma_wait3A_98 = arith.constant 0 : i32
      %dma_wait3A_99 = arith.constant 0 : i32
      %dma_wait3A_100 = tpu.memref_slice %arg9[%dma_wait3A_98, %dma_wait3A_99] : memref<10240x128xf32, #tpu.memory_space<vmem_shared>> -> memref<10240x128xf32, #tpu.memory_space<vmem_shared>>
      tpu.wait_indirect_dma semaphore(%run_scoped3A_88 : memref<!tpu.dma_semaphore, #tpu.memory_space<semaphore_mem>>) src(%arg7 : memref<125x128xf32, #tpu.memory_space<vmem>>) dst(%dma_wait3A_100 : memref<10240x128xf32, #tpu.memory_space<vmem_shared>>)
      tpu.yield
    }) : () -> ()
    %dma_wait3A_77 = arith.constant 39 : i32
    %dma_wait3A_78 = arith.constant 0 : i32
    %dma_wait3A_79 = tpu.memref_slice %arg5[%dma_wait3A_77, %dma_wait3A_78] : memref<40x125xi32, #tpu.memory_space<vmem>> -> memref<1x125xi32, #tpu.memory_space<vmem>>
    %dma_wait3A_80 = tpu.memref_squeeze %dma_wait3A_79 : memref<1x125xi32, #tpu.memory_space<vmem>> -> memref<125xi32, #tpu.memory_space<vmem>>
    %dma_wait3A_81 = arith.constant 0 : i32
    %dma_wait3A_82 = arith.constant 0 : i32
    %dma_wait3A_83 = tpu.memref_slice %arg2[%dma_wait3A_81, %dma_wait3A_82] : memref<10000x128xf32, #tpu.memory_space<hbm>> -> memref<10000x128xf32, #tpu.memory_space<hbm>>
    tpu.wait_indirect_dma semaphore(%arg11 : memref<!tpu.dma_semaphore, #tpu.memory_space<semaphore_mem>>) src(%dma_wait3A_83 : memref<10000x128xf32, #tpu.memory_space<hbm>>) dst(%arg8 : memref<125x128xf32, #tpu.memory_space<vmem>>)
    %run_scoped3A_84 = arith.constant 39 : i32
    "tpu.region"() ({
      %run_scoped3A_88 = tpu.sem_alloc : memref<!tpu.dma_semaphore, #tpu.memory_space<semaphore_mem>>
      %dma_start3A_89 = arith.constant 0 : i32
      %dma_start3A_90 = tpu.memref_slice %arg6[%run_scoped3A_84, %dma_start3A_89] : memref<40x125xi32, #tpu.memory_space<vmem>> -> memref<1x125xi32, #tpu.memory_space<vmem>>
      %dma_start3A_91 = tpu.memref_squeeze %dma_start3A_90 : memref<1x125xi32, #tpu.memory_space<vmem>> -> memref<125xi32, #tpu.memory_space<vmem>>
      %dma_start3A_92 = arith.constant 0 : i32
      %dma_start3A_93 = arith.constant 0 : i32
      %dma_start3A_94 = tpu.memref_slice %arg9[%dma_start3A_92, %dma_start3A_93] : memref<10240x128xf32, #tpu.memory_space<vmem_shared>> -> memref<10240x128xf32, #tpu.memory_space<vmem_shared>>
      tpu.enqueue_indirect_dma source(%arg8 : memref<125x128xf32, #tpu.memory_space<vmem>>) target(%dma_start3A_94 : memref<10240x128xf32, #tpu.memory_space<vmem_shared>>) offsets(%dma_start3A_91 : memref<125xi32, #tpu.memory_space<vmem>>) semaphore(%run_scoped3A_88 : memref<!tpu.dma_semaphore, #tpu.memory_space<semaphore_mem>>) {add = true}
      %dma_wait3A_95 = arith.constant 0 : i32
      %dma_wait3A_96 = tpu.memref_slice %arg6[%run_scoped3A_84, %dma_wait3A_95] : memref<40x125xi32, #tpu.memory_space<vmem>> -> memref<1x125xi32, #tpu.memory_space<vmem>>
      %dma_wait3A_97 = tpu.memref_squeeze %dma_wait3A_96 : memref<1x125xi32, #tpu.memory_space<vmem>> -> memref<125xi32, #tpu.memory_space<vmem>>
      %dma_wait3A_98 = arith.constant 0 : i32
      %dma_wait3A_99 = arith.constant 0 : i32
      %dma_wait3A_100 = tpu.memref_slice %arg9[%dma_wait3A_98, %dma_wait3A_99] : memref<10240x128xf32, #tpu.memory_space<vmem_shared>> -> memref<10240x128xf32, #tpu.memory_space<vmem_shared>>
      tpu.wait_indirect_dma semaphore(%run_scoped3A_88 : memref<!tpu.dma_semaphore, #tpu.memory_space<semaphore_mem>>) src(%arg8 : memref<125x128xf32, #tpu.memory_space<vmem>>) dst(%dma_wait3A_100 : memref<10240x128xf32, #tpu.memory_space<vmem_shared>>)
      tpu.yield
    }) : () -> ()
    %barrier3A_85 = arith.constant 0 : index
    tpu.barrier barrier_id(%barrier3A_85)
    %mul3A_86 = arith.constant 640 : i32
    %mul3A_87 = arith.muli %arg1, %mul3A_86 : i32
    "tpu.region"() ({
      %run_scoped3A_88 = tpu.sem_alloc : memref<!tpu.dma_semaphore, #tpu.memory_space<semaphore_mem>>
      %dma_start3A_89 = arith.constant 0 : i32
      %dma_start3A_90 = tpu.memref_slice %arg4[%arg0, %mul3A_87, %dma_start3A_89] : memref<2x10240x128xf32, #tpu.memory_space<hbm>> -> memref<1x640x128xf32, #tpu.memory_space<hbm>>
      %dma_start3A_91 = tpu.memref_squeeze %dma_start3A_90 : memref<1x640x128xf32, #tpu.memory_space<hbm>> -> memref<640x128xf32, #tpu.memory_space<hbm>>
      %dma_start3A_92 = arith.constant 0 : i32
      %dma_start3A_93 = tpu.memref_slice %arg9[%mul3A_87, %dma_start3A_92] : memref<10240x128xf32, #tpu.memory_space<vmem_shared>> -> memref<640x128xf32, #tpu.memory_space<vmem_shared>>
      tpu.enqueue_dma source(%dma_start3A_93 : memref<640x128xf32, #tpu.memory_space<vmem_shared>>) target(%dma_start3A_91 : memref<640x128xf32, #tpu.memory_space<hbm>>) target_semaphore(%run_scoped3A_88 : memref<!tpu.dma_semaphore, #tpu.memory_space<semaphore_mem>>)
      %dma_wait3A_94 = arith.constant 0 : i32
      %dma_wait3A_95 = tpu.memref_slice %arg4[%arg0, %mul3A_87, %dma_wait3A_94] : memref<2x10240x128xf32, #tpu.memory_space<hbm>> -> memref<1x640x128xf32, #tpu.memory_space<hbm>>
      %dma_wait3A_96 = tpu.memref_squeeze %dma_wait3A_95 : memref<1x640x128xf32, #tpu.memory_space<hbm>> -> memref<640x128xf32, #tpu.memory_space<hbm>>
      %dma_wait3A_97 = arith.constant 0 : i32
      %dma_wait3A_98 = tpu.memref_slice %arg9[%mul3A_87, %dma_wait3A_97] : memref<10240x128xf32, #tpu.memory_space<vmem_shared>> -> memref<640x128xf32, #tpu.memory_space<vmem_shared>>
      tpu.wait_dma2 semaphore(%run_scoped3A_88 : memref<!tpu.dma_semaphore, #tpu.memory_space<semaphore_mem>>) src(%dma_wait3A_98 : memref<640x128xf32, #tpu.memory_space<vmem_shared>>) dst(%dma_wait3A_96 : memref<640x128xf32, #tpu.memory_space<hbm>>)
      tpu.yield
    }) : () -> ()
    return
  }
}

#map = affine_map<(d0, d1) -> (0, 0, 0, 0, 0)>
#map1 = affine_map<(d0, d1) -> (0)>
module attributes {stable_mosaic.version = 14 : i64} {
  func.func @_hist_kernel(%arg0: i32, %arg1: i32, %arg2: memref<2x32x2x40x125xi32, #tpu.memory_space<hbm>>, %arg3: memref<20480xf32, #tpu.memory_space<hbm>>, %arg4: memref<40x125xi32, #tpu.memory_space<vmem>>, %arg5: memref<640xf32, #tpu.memory_space<vmem>>, %arg6: memref<10240xf32, #tpu.memory_space<vmem_shared>>, %arg7: memref<!tpu.dma_semaphore, #tpu.memory_space<semaphore_mem>>) attributes {dimension_semantics = [#tpu.dimension_semantics<core_parallel>, #tpu.dimension_semantics<subcore_parallel>], iteration_bounds = array<i64: 2, 16>, scalar_prefetch = 0 : i64, scratch_operands = 4 : i64, tpu.core_type = #tpu.core_type<sc_vector_subcore>, window_params = [{transform_indices = #map}, {transform_indices = #map1}]} {
    %mul3A = arith.constant 16 : i32
    %mul3A_0 = arith.muli %arg0, %mul3A : i32
    %add3A = arith.addi %mul3A_0, %arg1 : i32
    %scan3A = arith.constant 0 : i32
    %scan3A_1 = arith.constant 40 : i32
    %scan3A_2 = arith.addi %scan3A, %scan3A_1 : i32
    %scan3A_3 = arith.constant 1 : i32
    scf.for %scan3A_47 = %scan3A to %scan3A_2 step %scan3A_3  : i32 {
      %mul3A_48 = arith.constant 1 : i32
      %mul3A_49 = arith.muli %scan3A_47, %mul3A_48 : i32
      %add3A_50 = arith.constant 0 : i32
      %add3A_51 = arith.addi %add3A_50, %mul3A_49 : i32
      %broadcast_in_dim3A = arith.constant 0.000000e+00 : f32
      %broadcast_in_dim3A_52 = vector.broadcast %broadcast_in_dim3A : f32 to vector<16xf32>
      %mul3A_53 = arith.constant 16 : i32
      %mul3A_54 = arith.muli %add3A_51, %mul3A_53 : i32
      %swap3A = arith.index_cast %mul3A_54 : i32 to index
      %swap3A_55 = tpu.vector_load %arg5[%swap3A] {strides = array<i32>} : memref<640xf32, #tpu.memory_space<vmem>>, vector<16xf32>,
      %swap3A_56 = vector.shape_cast %swap3A_55 : vector<16xf32> to vector<16xf32>
      %swap3A_57 = vector.shape_cast %broadcast_in_dim3A_52 : vector<16xf32> to vector<16xf32>
      tpu.vector_store %arg5[%swap3A], %swap3A_57 {strides = array<i32>} : memref<640xf32, #tpu.memory_space<vmem>>, vector<16xf32>,
    }
    %scan3A_4 = arith.constant 40 : i32
    %mul3A_5 = arith.constant 640 : i32
    %mul3A_6 = arith.muli %arg1, %mul3A_5 : i32
    "tpu.region"() ({
      %run_scoped3A_47 = tpu.sem_alloc : memref<!tpu.dma_semaphore, #tpu.memory_space<semaphore_mem>>
      %dma_start3A = tpu.memref_slice %arg6[%mul3A_6] : memref<10240xf32, #tpu.memory_space<vmem_shared>> -> memref<640xf32, #tpu.memory_space<vmem_shared>>
      %dma_start3A_48 = tpu.memref_slice %arg6[%mul3A_6] : memref<10240xf32, #tpu.memory_space<vmem_shared>> -> memref<640xf32, #tpu.memory_space<vmem_shared>>
      tpu.enqueue_dma source(%arg5 : memref<640xf32, #tpu.memory_space<vmem>>) target(%dma_start3A_48 : memref<640xf32, #tpu.memory_space<vmem_shared>>) target_semaphore(%run_scoped3A_47 : memref<!tpu.dma_semaphore, #tpu.memory_space<semaphore_mem>>)
      %dma_wait3A = tpu.memref_slice %arg6[%mul3A_6] : memref<10240xf32, #tpu.memory_space<vmem_shared>> -> memref<640xf32, #tpu.memory_space<vmem_shared>>
      %dma_wait3A_49 = tpu.memref_slice %arg6[%mul3A_6] : memref<10240xf32, #tpu.memory_space<vmem_shared>> -> memref<640xf32, #tpu.memory_space<vmem_shared>>
      tpu.wait_dma2 semaphore(%run_scoped3A_47 : memref<!tpu.dma_semaphore, #tpu.memory_space<semaphore_mem>>) src(%arg5 : memref<640xf32, #tpu.memory_space<vmem>>) dst(%dma_wait3A_49 : memref<640xf32, #tpu.memory_space<vmem_shared>>)
      tpu.yield
    }) : () -> ()
    %barrier3A = arith.constant 0 : index
    tpu.barrier barrier_id(%barrier3A)
    %scan3A_7 = arith.constant 0 : i32
    %scan3A_8 = arith.constant 40 : i32
    %scan3A_9 = arith.addi %scan3A_7, %scan3A_8 : i32
    %scan3A_10 = arith.constant 1 : i32
    scf.for %scan3A_47 = %scan3A_7 to %scan3A_9 step %scan3A_10  : i32 {
      %mul3A_48 = arith.constant 1 : i32
      %mul3A_49 = arith.muli %scan3A_47, %mul3A_48 : i32
      %add3A_50 = arith.constant 0 : i32
      %add3A_51 = arith.addi %add3A_50, %mul3A_49 : i32
      %broadcast_in_dim3A = arith.constant 1.000000e+00 : f32
      %broadcast_in_dim3A_52 = vector.broadcast %broadcast_in_dim3A : f32 to vector<16xf32>
      %mul3A_53 = arith.constant 16 : i32
      %mul3A_54 = arith.muli %add3A_51, %mul3A_53 : i32
      %swap3A = arith.index_cast %mul3A_54 : i32 to index
      %swap3A_55 = tpu.vector_load %arg5[%swap3A] {strides = array<i32>} : memref<640xf32, #tpu.memory_space<vmem>>, vector<16xf32>,
      %swap3A_56 = vector.shape_cast %swap3A_55 : vector<16xf32> to vector<16xf32>
      %swap3A_57 = vector.shape_cast %broadcast_in_dim3A_52 : vector<16xf32> to vector<16xf32>
      tpu.vector_store %arg5[%swap3A], %swap3A_57 {strides = array<i32>} : memref<640xf32, #tpu.memory_space<vmem>>, vector<16xf32>,
    }
    %scan3A_11 = arith.constant 40 : i32
    %run_scoped3A = arith.constant 0 : i32
    %run_scoped3A_12 = arith.constant 0 : i32
    "tpu.region"() ({
      %run_scoped3A_47 = tpu.sem_alloc : memref<!tpu.dma_semaphore, #tpu.memory_space<semaphore_mem>>
      %dma_start3A = arith.constant 0 : i32
      %dma_start3A_48 = arith.constant 0 : i32
      %dma_start3A_49 = tpu.memref_slice %arg2[%run_scoped3A, %add3A, %run_scoped3A_12, %dma_start3A, %dma_start3A_48] : memref<2x32x2x40x125xi32, #tpu.memory_space<hbm>> -> memref<1x1x1x40x125xi32, #tpu.memory_space<hbm>>
      %dma_start3A_50 = tpu.memref_squeeze %dma_start3A_49 : memref<1x1x1x40x125xi32, #tpu.memory_space<hbm>> -> memref<40x125xi32, #tpu.memory_space<hbm>>
      %dma_start3A_51 = arith.constant 0 : i32
      %dma_start3A_52 = arith.constant 0 : i32
      %dma_start3A_53 = tpu.memref_slice %arg2[%run_scoped3A, %add3A, %run_scoped3A_12, %dma_start3A_51, %dma_start3A_52] : memref<2x32x2x40x125xi32, #tpu.memory_space<hbm>> -> memref<1x1x1x40x125xi32, #tpu.memory_space<hbm>>
      %dma_start3A_54 = tpu.memref_squeeze %dma_start3A_53 : memref<1x1x1x40x125xi32, #tpu.memory_space<hbm>> -> memref<40x125xi32, #tpu.memory_space<hbm>>
      tpu.enqueue_dma source(%dma_start3A_54 : memref<40x125xi32, #tpu.memory_space<hbm>>) target(%arg4 : memref<40x125xi32, #tpu.memory_space<vmem>>) target_semaphore(%run_scoped3A_47 : memref<!tpu.dma_semaphore, #tpu.memory_space<semaphore_mem>>)
      %dma_wait3A = arith.constant 0 : i32
      %dma_wait3A_55 = arith.constant 0 : i32
      %dma_wait3A_56 = tpu.memref_slice %arg2[%run_scoped3A, %add3A, %run_scoped3A_12, %dma_wait3A, %dma_wait3A_55] : memref<2x32x2x40x125xi32, #tpu.memory_space<hbm>> -> memref<1x1x1x40x125xi32, #tpu.memory_space<hbm>>
      %dma_wait3A_57 = tpu.memref_squeeze %dma_wait3A_56 : memref<1x1x1x40x125xi32, #tpu.memory_space<hbm>> -> memref<40x125xi32, #tpu.memory_space<hbm>>
      %dma_wait3A_58 = arith.constant 0 : i32
      %dma_wait3A_59 = arith.constant 0 : i32
      %dma_wait3A_60 = tpu.memref_slice %arg2[%run_scoped3A, %add3A, %run_scoped3A_12, %dma_wait3A_58, %dma_wait3A_59] : memref<2x32x2x40x125xi32, #tpu.memory_space<hbm>> -> memref<1x1x1x40x125xi32, #tpu.memory_space<hbm>>
      %dma_wait3A_61 = tpu.memref_squeeze %dma_wait3A_60 : memref<1x1x1x40x125xi32, #tpu.memory_space<hbm>> -> memref<40x125xi32, #tpu.memory_space<hbm>>
      tpu.wait_dma2 semaphore(%run_scoped3A_47 : memref<!tpu.dma_semaphore, #tpu.memory_space<semaphore_mem>>) src(%dma_wait3A_61 : memref<40x125xi32, #tpu.memory_space<hbm>>) dst(%arg4 : memref<40x125xi32, #tpu.memory_space<vmem>>)
      tpu.yield
    }) : () -> ()
    %scan3A_13 = arith.constant 0 : i32
    %scan3A_14 = arith.constant 5 : i32
    %scan3A_15 = arith.addi %scan3A_13, %scan3A_14 : i32
    %scan3A_16 = arith.constant 1 : i32
    scf.for %scan3A_47 = %scan3A_13 to %scan3A_15 step %scan3A_16  : i32 {
      %mul3A_48 = arith.constant 1 : i32
      %mul3A_49 = arith.muli %scan3A_47, %mul3A_48 : i32
      %add3A_50 = arith.constant 0 : i32
      %add3A_51 = arith.addi %add3A_50, %mul3A_49 : i32
      %mul3A_52 = arith.constant 8 : i32
      %mul3A_53 = arith.muli %add3A_51, %mul3A_52 : i32
      %add3A_54 = arith.constant 0 : i32
      %add3A_55 = arith.addi %mul3A_53, %add3A_54 : i32
      %dma_start3A = arith.constant 0 : i32
      %dma_start3A_56 = tpu.memref_slice %arg5[%dma_start3A] : memref<640xf32, #tpu.memory_space<vmem>> -> memref<125xf32, #tpu.memory_space<vmem>>
      %dma_start3A_57 = arith.constant 0 : i32
      %dma_start3A_58 = tpu.memref_slice %arg4[%add3A_55, %dma_start3A_57] : memref<40x125xi32, #tpu.memory_space<vmem>> -> memref<1x125xi32, #tpu.memory_space<vmem>>
      %dma_start3A_59 = tpu.memref_squeeze %dma_start3A_58 : memref<1x125xi32, #tpu.memory_space<vmem>> -> memref<125xi32, #tpu.memory_space<vmem>>
      %dma_start3A_60 = arith.constant 0 : i32
      %dma_start3A_61 = tpu.memref_slice %arg6[%dma_start3A_60] : memref<10240xf32, #tpu.memory_space<vmem_shared>> -> memref<10240xf32, #tpu.memory_space<vmem_shared>>
      tpu.enqueue_indirect_dma source(%dma_start3A_56 : memref<125xf32, #tpu.memory_space<vmem>>) target(%dma_start3A_61 : memref<10240xf32, #tpu.memory_space<vmem_shared>>) offsets(%dma_start3A_59 : memref<125xi32, #tpu.memory_space<vmem>>) semaphore(%arg7 : memref<!tpu.dma_semaphore, #tpu.memory_space<semaphore_mem>>) {add = true}
      %mul3A_62 = arith.constant 8 : i32
      %mul3A_63 = arith.muli %add3A_51, %mul3A_62 : i32
      %add3A_64 = arith.constant 1 : i32
      %add3A_65 = arith.addi %mul3A_63, %add3A_64 : i32
      %dma_start3A_66 = arith.constant 0 : i32
      %dma_start3A_67 = tpu.memref_slice %arg5[%dma_start3A_66] : memref<640xf32, #tpu.memory_space<vmem>> -> memref<125xf32, #tpu.memory_space<vmem>>
      %dma_start3A_68 = arith.constant 0 : i32
      %dma_start3A_69 = tpu.memref_slice %arg4[%add3A_65, %dma_start3A_68] : memref<40x125xi32, #tpu.memory_space<vmem>> -> memref<1x125xi32, #tpu.memory_space<vmem>>
      %dma_start3A_70 = tpu.memref_squeeze %dma_start3A_69 : memref<1x125xi32, #tpu.memory_space<vmem>> -> memref<125xi32, #tpu.memory_space<vmem>>
      %dma_start3A_71 = arith.constant 0 : i32
      %dma_start3A_72 = tpu.memref_slice %arg6[%dma_start3A_71] : memref<10240xf32, #tpu.memory_space<vmem_shared>> -> memref<10240xf32, #tpu.memory_space<vmem_shared>>
      tpu.enqueue_indirect_dma source(%dma_start3A_67 : memref<125xf32, #tpu.memory_space<vmem>>) target(%dma_start3A_72 : memref<10240xf32, #tpu.memory_space<vmem_shared>>) offsets(%dma_start3A_70 : memref<125xi32, #tpu.memory_space<vmem>>) semaphore(%arg7 : memref<!tpu.dma_semaphore, #tpu.memory_space<semaphore_mem>>) {add = true}
      %mul3A_73 = arith.constant 8 : i32
      %mul3A_74 = arith.muli %add3A_51, %mul3A_73 : i32
      %add3A_75 = arith.constant 2 : i32
      %add3A_76 = arith.addi %mul3A_74, %add3A_75 : i32
      %dma_start3A_77 = arith.constant 0 : i32
      %dma_start3A_78 = tpu.memref_slice %arg5[%dma_start3A_77] : memref<640xf32, #tpu.memory_space<vmem>> -> memref<125xf32, #tpu.memory_space<vmem>>
      %dma_start3A_79 = arith.constant 0 : i32
      %dma_start3A_80 = tpu.memref_slice %arg4[%add3A_76, %dma_start3A_79] : memref<40x125xi32, #tpu.memory_space<vmem>> -> memref<1x125xi32, #tpu.memory_space<vmem>>
      %dma_start3A_81 = tpu.memref_squeeze %dma_start3A_80 : memref<1x125xi32, #tpu.memory_space<vmem>> -> memref<125xi32, #tpu.memory_space<vmem>>
      %dma_start3A_82 = arith.constant 0 : i32
      %dma_start3A_83 = tpu.memref_slice %arg6[%dma_start3A_82] : memref<10240xf32, #tpu.memory_space<vmem_shared>> -> memref<10240xf32, #tpu.memory_space<vmem_shared>>
      tpu.enqueue_indirect_dma source(%dma_start3A_78 : memref<125xf32, #tpu.memory_space<vmem>>) target(%dma_start3A_83 : memref<10240xf32, #tpu.memory_space<vmem_shared>>) offsets(%dma_start3A_81 : memref<125xi32, #tpu.memory_space<vmem>>) semaphore(%arg7 : memref<!tpu.dma_semaphore, #tpu.memory_space<semaphore_mem>>) {add = true}
      %mul3A_84 = arith.constant 8 : i32
      %mul3A_85 = arith.muli %add3A_51, %mul3A_84 : i32
      %add3A_86 = arith.constant 3 : i32
      %add3A_87 = arith.addi %mul3A_85, %add3A_86 : i32
      %dma_start3A_88 = arith.constant 0 : i32
      %dma_start3A_89 = tpu.memref_slice %arg5[%dma_start3A_88] : memref<640xf32, #tpu.memory_space<vmem>> -> memref<125xf32, #tpu.memory_space<vmem>>
      %dma_start3A_90 = arith.constant 0 : i32
      %dma_start3A_91 = tpu.memref_slice %arg4[%add3A_87, %dma_start3A_90] : memref<40x125xi32, #tpu.memory_space<vmem>> -> memref<1x125xi32, #tpu.memory_space<vmem>>
      %dma_start3A_92 = tpu.memref_squeeze %dma_start3A_91 : memref<1x125xi32, #tpu.memory_space<vmem>> -> memref<125xi32, #tpu.memory_space<vmem>>
      %dma_start3A_93 = arith.constant 0 : i32
      %dma_start3A_94 = tpu.memref_slice %arg6[%dma_start3A_93] : memref<10240xf32, #tpu.memory_space<vmem_shared>> -> memref<10240xf32, #tpu.memory_space<vmem_shared>>
      tpu.enqueue_indirect_dma source(%dma_start3A_89 : memref<125xf32, #tpu.memory_space<vmem>>) target(%dma_start3A_94 : memref<10240xf32, #tpu.memory_space<vmem_shared>>) offsets(%dma_start3A_92 : memref<125xi32, #tpu.memory_space<vmem>>) semaphore(%arg7 : memref<!tpu.dma_semaphore, #tpu.memory_space<semaphore_mem>>) {add = true}
      %mul3A_95 = arith.constant 8 : i32
      %mul3A_96 = arith.muli %add3A_51, %mul3A_95 : i32
      %add3A_97 = arith.constant 4 : i32
      %add3A_98 = arith.addi %mul3A_96, %add3A_97 : i32
      %dma_start3A_99 = arith.constant 0 : i32
      %dma_start3A_100 = tpu.memref_slice %arg5[%dma_start3A_99] : memref<640xf32, #tpu.memory_space<vmem>> -> memref<125xf32, #tpu.memory_space<vmem>>
      %dma_start3A_101 = arith.constant 0 : i32
      %dma_start3A_102 = tpu.memref_slice %arg4[%add3A_98, %dma_start3A_101] : memref<40x125xi32, #tpu.memory_space<vmem>> -> memref<1x125xi32, #tpu.memory_space<vmem>>
      %dma_start3A_103 = tpu.memref_squeeze %dma_start3A_102 : memref<1x125xi32, #tpu.memory_space<vmem>> -> memref<125xi32, #tpu.memory_space<vmem>>
      %dma_start3A_104 = arith.constant 0 : i32
      %dma_start3A_105 = tpu.memref_slice %arg6[%dma_start3A_104] : memref<10240xf32, #tpu.memory_space<vmem_shared>> -> memref<10240xf32, #tpu.memory_space<vmem_shared>>
      tpu.enqueue_indirect_dma source(%dma_start3A_100 : memref<125xf32, #tpu.memory_space<vmem>>) target(%dma_start3A_105 : memref<10240xf32, #tpu.memory_space<vmem_shared>>) offsets(%dma_start3A_103 : memref<125xi32, #tpu.memory_space<vmem>>) semaphore(%arg7 : memref<!tpu.dma_semaphore, #tpu.memory_space<semaphore_mem>>) {add = true}
      %mul3A_106 = arith.constant 8 : i32
      %mul3A_107 = arith.muli %add3A_51, %mul3A_106 : i32
      %add3A_108 = arith.constant 5 : i32
      %add3A_109 = arith.addi %mul3A_107, %add3A_108 : i32
      %dma_start3A_110 = arith.constant 0 : i32
      %dma_start3A_111 = tpu.memref_slice %arg5[%dma_start3A_110] : memref<640xf32, #tpu.memory_space<vmem>> -> memref<125xf32, #tpu.memory_space<vmem>>
      %dma_start3A_112 = arith.constant 0 : i32
      %dma_start3A_113 = tpu.memref_slice %arg4[%add3A_109, %dma_start3A_112] : memref<40x125xi32, #tpu.memory_space<vmem>> -> memref<1x125xi32, #tpu.memory_space<vmem>>
      %dma_start3A_114 = tpu.memref_squeeze %dma_start3A_113 : memref<1x125xi32, #tpu.memory_space<vmem>> -> memref<125xi32, #tpu.memory_space<vmem>>
      %dma_start3A_115 = arith.constant 0 : i32
      %dma_start3A_116 = tpu.memref_slice %arg6[%dma_start3A_115] : memref<10240xf32, #tpu.memory_space<vmem_shared>> -> memref<10240xf32, #tpu.memory_space<vmem_shared>>
      tpu.enqueue_indirect_dma source(%dma_start3A_111 : memref<125xf32, #tpu.memory_space<vmem>>) target(%dma_start3A_116 : memref<10240xf32, #tpu.memory_space<vmem_shared>>) offsets(%dma_start3A_114 : memref<125xi32, #tpu.memory_space<vmem>>) semaphore(%arg7 : memref<!tpu.dma_semaphore, #tpu.memory_space<semaphore_mem>>) {add = true}
      %mul3A_117 = arith.constant 8 : i32
      %mul3A_118 = arith.muli %add3A_51, %mul3A_117 : i32
      %add3A_119 = arith.constant 6 : i32
      %add3A_120 = arith.addi %mul3A_118, %add3A_119 : i32
      %dma_start3A_121 = arith.constant 0 : i32
      %dma_start3A_122 = tpu.memref_slice %arg5[%dma_start3A_121] : memref<640xf32, #tpu.memory_space<vmem>> -> memref<125xf32, #tpu.memory_space<vmem>>
      %dma_start3A_123 = arith.constant 0 : i32
      %dma_start3A_124 = tpu.memref_slice %arg4[%add3A_120, %dma_start3A_123] : memref<40x125xi32, #tpu.memory_space<vmem>> -> memref<1x125xi32, #tpu.memory_space<vmem>>
      %dma_start3A_125 = tpu.memref_squeeze %dma_start3A_124 : memref<1x125xi32, #tpu.memory_space<vmem>> -> memref<125xi32, #tpu.memory_space<vmem>>
      %dma_start3A_126 = arith.constant 0 : i32
      %dma_start3A_127 = tpu.memref_slice %arg6[%dma_start3A_126] : memref<10240xf32, #tpu.memory_space<vmem_shared>> -> memref<10240xf32, #tpu.memory_space<vmem_shared>>
      tpu.enqueue_indirect_dma source(%dma_start3A_122 : memref<125xf32, #tpu.memory_space<vmem>>) target(%dma_start3A_127 : memref<10240xf32, #tpu.memory_space<vmem_shared>>) offsets(%dma_start3A_125 : memref<125xi32, #tpu.memory_space<vmem>>) semaphore(%arg7 : memref<!tpu.dma_semaphore, #tpu.memory_space<semaphore_mem>>) {add = true}
      %mul3A_128 = arith.constant 8 : i32
      %mul3A_129 = arith.muli %add3A_51, %mul3A_128 : i32
      %add3A_130 = arith.constant 7 : i32
      %add3A_131 = arith.addi %mul3A_129, %add3A_130 : i32
      %dma_start3A_132 = arith.constant 0 : i32
      %dma_start3A_133 = tpu.memref_slice %arg5[%dma_start3A_132] : memref<640xf32, #tpu.memory_space<vmem>> -> memref<125xf32, #tpu.memory_space<vmem>>
      %dma_start3A_134 = arith.constant 0 : i32
      %dma_start3A_135 = tpu.memref_slice %arg4[%add3A_131, %dma_start3A_134] : memref<40x125xi32, #tpu.memory_space<vmem>> -> memref<1x125xi32, #tpu.memory_space<vmem>>
      %dma_start3A_136 = tpu.memref_squeeze %dma_start3A_135 : memref<1x125xi32, #tpu.memory_space<vmem>> -> memref<125xi32, #tpu.memory_space<vmem>>
      %dma_start3A_137 = arith.constant 0 : i32
      %dma_start3A_138 = tpu.memref_slice %arg6[%dma_start3A_137] : memref<10240xf32, #tpu.memory_space<vmem_shared>> -> memref<10240xf32, #tpu.memory_space<vmem_shared>>
      tpu.enqueue_indirect_dma source(%dma_start3A_133 : memref<125xf32, #tpu.memory_space<vmem>>) target(%dma_start3A_138 : memref<10240xf32, #tpu.memory_space<vmem_shared>>) offsets(%dma_start3A_136 : memref<125xi32, #tpu.memory_space<vmem>>) semaphore(%arg7 : memref<!tpu.dma_semaphore, #tpu.memory_space<semaphore_mem>>) {add = true}
      %mul3A_139 = arith.constant 8 : i32
      %mul3A_140 = arith.muli %add3A_51, %mul3A_139 : i32
      %add3A_141 = arith.constant 0 : i32
      %add3A_142 = arith.addi %mul3A_140, %add3A_141 : i32
      %dma_wait3A = arith.constant 0 : i32
      %dma_wait3A_143 = tpu.memref_slice %arg5[%dma_wait3A] : memref<640xf32, #tpu.memory_space<vmem>> -> memref<125xf32, #tpu.memory_space<vmem>>
      %dma_wait3A_144 = arith.constant 0 : i32
      %dma_wait3A_145 = tpu.memref_slice %arg4[%add3A_142, %dma_wait3A_144] : memref<40x125xi32, #tpu.memory_space<vmem>> -> memref<1x125xi32, #tpu.memory_space<vmem>>
      %dma_wait3A_146 = tpu.memref_squeeze %dma_wait3A_145 : memref<1x125xi32, #tpu.memory_space<vmem>> -> memref<125xi32, #tpu.memory_space<vmem>>
      %dma_wait3A_147 = arith.constant 0 : i32
      %dma_wait3A_148 = tpu.memref_slice %arg6[%dma_wait3A_147] : memref<10240xf32, #tpu.memory_space<vmem_shared>> -> memref<10240xf32, #tpu.memory_space<vmem_shared>>
      tpu.wait_indirect_dma semaphore(%arg7 : memref<!tpu.dma_semaphore, #tpu.memory_space<semaphore_mem>>) src(%dma_wait3A_143 : memref<125xf32, #tpu.memory_space<vmem>>) dst(%dma_wait3A_148 : memref<10240xf32, #tpu.memory_space<vmem_shared>>)
      %mul3A_149 = arith.constant 8 : i32
      %mul3A_150 = arith.muli %add3A_51, %mul3A_149 : i32
      %add3A_151 = arith.constant 1 : i32
      %add3A_152 = arith.addi %mul3A_150, %add3A_151 : i32
      %dma_wait3A_153 = arith.constant 0 : i32
      %dma_wait3A_154 = tpu.memref_slice %arg5[%dma_wait3A_153] : memref<640xf32, #tpu.memory_space<vmem>> -> memref<125xf32, #tpu.memory_space<vmem>>
      %dma_wait3A_155 = arith.constant 0 : i32
      %dma_wait3A_156 = tpu.memref_slice %arg4[%add3A_152, %dma_wait3A_155] : memref<40x125xi32, #tpu.memory_space<vmem>> -> memref<1x125xi32, #tpu.memory_space<vmem>>
      %dma_wait3A_157 = tpu.memref_squeeze %dma_wait3A_156 : memref<1x125xi32, #tpu.memory_space<vmem>> -> memref<125xi32, #tpu.memory_space<vmem>>
      %dma_wait3A_158 = arith.constant 0 : i32
      %dma_wait3A_159 = tpu.memref_slice %arg6[%dma_wait3A_158] : memref<10240xf32, #tpu.memory_space<vmem_shared>> -> memref<10240xf32, #tpu.memory_space<vmem_shared>>
      tpu.wait_indirect_dma semaphore(%arg7 : memref<!tpu.dma_semaphore, #tpu.memory_space<semaphore_mem>>) src(%dma_wait3A_154 : memref<125xf32, #tpu.memory_space<vmem>>) dst(%dma_wait3A_159 : memref<10240xf32, #tpu.memory_space<vmem_shared>>)
      %mul3A_160 = arith.constant 8 : i32
      %mul3A_161 = arith.muli %add3A_51, %mul3A_160 : i32
      %add3A_162 = arith.constant 2 : i32
      %add3A_163 = arith.addi %mul3A_161, %add3A_162 : i32
      %dma_wait3A_164 = arith.constant 0 : i32
      %dma_wait3A_165 = tpu.memref_slice %arg5[%dma_wait3A_164] : memref<640xf32, #tpu.memory_space<vmem>> -> memref<125xf32, #tpu.memory_space<vmem>>
      %dma_wait3A_166 = arith.constant 0 : i32
      %dma_wait3A_167 = tpu.memref_slice %arg4[%add3A_163, %dma_wait3A_166] : memref<40x125xi32, #tpu.memory_space<vmem>> -> memref<1x125xi32, #tpu.memory_space<vmem>>
      %dma_wait3A_168 = tpu.memref_squeeze %dma_wait3A_167 : memref<1x125xi32, #tpu.memory_space<vmem>> -> memref<125xi32, #tpu.memory_space<vmem>>
      %dma_wait3A_169 = arith.constant 0 : i32
      %dma_wait3A_170 = tpu.memref_slice %arg6[%dma_wait3A_169] : memref<10240xf32, #tpu.memory_space<vmem_shared>> -> memref<10240xf32, #tpu.memory_space<vmem_shared>>
      tpu.wait_indirect_dma semaphore(%arg7 : memref<!tpu.dma_semaphore, #tpu.memory_space<semaphore_mem>>) src(%dma_wait3A_165 : memref<125xf32, #tpu.memory_space<vmem>>) dst(%dma_wait3A_170 : memref<10240xf32, #tpu.memory_space<vmem_shared>>)
      %mul3A_171 = arith.constant 8 : i32
      %mul3A_172 = arith.muli %add3A_51, %mul3A_171 : i32
      %add3A_173 = arith.constant 3 : i32
      %add3A_174 = arith.addi %mul3A_172, %add3A_173 : i32
      %dma_wait3A_175 = arith.constant 0 : i32
      %dma_wait3A_176 = tpu.memref_slice %arg5[%dma_wait3A_175] : memref<640xf32, #tpu.memory_space<vmem>> -> memref<125xf32, #tpu.memory_space<vmem>>
      %dma_wait3A_177 = arith.constant 0 : i32
      %dma_wait3A_178 = tpu.memref_slice %arg4[%add3A_174, %dma_wait3A_177] : memref<40x125xi32, #tpu.memory_space<vmem>> -> memref<1x125xi32, #tpu.memory_space<vmem>>
      %dma_wait3A_179 = tpu.memref_squeeze %dma_wait3A_178 : memref<1x125xi32, #tpu.memory_space<vmem>> -> memref<125xi32, #tpu.memory_space<vmem>>
      %dma_wait3A_180 = arith.constant 0 : i32
      %dma_wait3A_181 = tpu.memref_slice %arg6[%dma_wait3A_180] : memref<10240xf32, #tpu.memory_space<vmem_shared>> -> memref<10240xf32, #tpu.memory_space<vmem_shared>>
      tpu.wait_indirect_dma semaphore(%arg7 : memref<!tpu.dma_semaphore, #tpu.memory_space<semaphore_mem>>) src(%dma_wait3A_176 : memref<125xf32, #tpu.memory_space<vmem>>) dst(%dma_wait3A_181 : memref<10240xf32, #tpu.memory_space<vmem_shared>>)
      %mul3A_182 = arith.constant 8 : i32
      %mul3A_183 = arith.muli %add3A_51, %mul3A_182 : i32
      %add3A_184 = arith.constant 4 : i32
      %add3A_185 = arith.addi %mul3A_183, %add3A_184 : i32
      %dma_wait3A_186 = arith.constant 0 : i32
      %dma_wait3A_187 = tpu.memref_slice %arg5[%dma_wait3A_186] : memref<640xf32, #tpu.memory_space<vmem>> -> memref<125xf32, #tpu.memory_space<vmem>>
      %dma_wait3A_188 = arith.constant 0 : i32
      %dma_wait3A_189 = tpu.memref_slice %arg4[%add3A_185, %dma_wait3A_188] : memref<40x125xi32, #tpu.memory_space<vmem>> -> memref<1x125xi32, #tpu.memory_space<vmem>>
      %dma_wait3A_190 = tpu.memref_squeeze %dma_wait3A_189 : memref<1x125xi32, #tpu.memory_space<vmem>> -> memref<125xi32, #tpu.memory_space<vmem>>
      %dma_wait3A_191 = arith.constant 0 : i32
      %dma_wait3A_192 = tpu.memref_slice %arg6[%dma_wait3A_191] : memref<10240xf32, #tpu.memory_space<vmem_shared>> -> memref<10240xf32, #tpu.memory_space<vmem_shared>>
      tpu.wait_indirect_dma semaphore(%arg7 : memref<!tpu.dma_semaphore, #tpu.memory_space<semaphore_mem>>) src(%dma_wait3A_187 : memref<125xf32, #tpu.memory_space<vmem>>) dst(%dma_wait3A_192 : memref<10240xf32, #tpu.memory_space<vmem_shared>>)
      %mul3A_193 = arith.constant 8 : i32
      %mul3A_194 = arith.muli %add3A_51, %mul3A_193 : i32
      %add3A_195 = arith.constant 5 : i32
      %add3A_196 = arith.addi %mul3A_194, %add3A_195 : i32
      %dma_wait3A_197 = arith.constant 0 : i32
      %dma_wait3A_198 = tpu.memref_slice %arg5[%dma_wait3A_197] : memref<640xf32, #tpu.memory_space<vmem>> -> memref<125xf32, #tpu.memory_space<vmem>>
      %dma_wait3A_199 = arith.constant 0 : i32
      %dma_wait3A_200 = tpu.memref_slice %arg4[%add3A_196, %dma_wait3A_199] : memref<40x125xi32, #tpu.memory_space<vmem>> -> memref<1x125xi32, #tpu.memory_space<vmem>>
      %dma_wait3A_201 = tpu.memref_squeeze %dma_wait3A_200 : memref<1x125xi32, #tpu.memory_space<vmem>> -> memref<125xi32, #tpu.memory_space<vmem>>
      %dma_wait3A_202 = arith.constant 0 : i32
      %dma_wait3A_203 = tpu.memref_slice %arg6[%dma_wait3A_202] : memref<10240xf32, #tpu.memory_space<vmem_shared>> -> memref<10240xf32, #tpu.memory_space<vmem_shared>>
      tpu.wait_indirect_dma semaphore(%arg7 : memref<!tpu.dma_semaphore, #tpu.memory_space<semaphore_mem>>) src(%dma_wait3A_198 : memref<125xf32, #tpu.memory_space<vmem>>) dst(%dma_wait3A_203 : memref<10240xf32, #tpu.memory_space<vmem_shared>>)
      %mul3A_204 = arith.constant 8 : i32
      %mul3A_205 = arith.muli %add3A_51, %mul3A_204 : i32
      %add3A_206 = arith.constant 6 : i32
      %add3A_207 = arith.addi %mul3A_205, %add3A_206 : i32
      %dma_wait3A_208 = arith.constant 0 : i32
      %dma_wait3A_209 = tpu.memref_slice %arg5[%dma_wait3A_208] : memref<640xf32, #tpu.memory_space<vmem>> -> memref<125xf32, #tpu.memory_space<vmem>>
      %dma_wait3A_210 = arith.constant 0 : i32
      %dma_wait3A_211 = tpu.memref_slice %arg4[%add3A_207, %dma_wait3A_210] : memref<40x125xi32, #tpu.memory_space<vmem>> -> memref<1x125xi32, #tpu.memory_space<vmem>>
      %dma_wait3A_212 = tpu.memref_squeeze %dma_wait3A_211 : memref<1x125xi32, #tpu.memory_space<vmem>> -> memref<125xi32, #tpu.memory_space<vmem>>
      %dma_wait3A_213 = arith.constant 0 : i32
      %dma_wait3A_214 = tpu.memref_slice %arg6[%dma_wait3A_213] : memref<10240xf32, #tpu.memory_space<vmem_shared>> -> memref<10240xf32, #tpu.memory_space<vmem_shared>>
      tpu.wait_indirect_dma semaphore(%arg7 : memref<!tpu.dma_semaphore, #tpu.memory_space<semaphore_mem>>) src(%dma_wait3A_209 : memref<125xf32, #tpu.memory_space<vmem>>) dst(%dma_wait3A_214 : memref<10240xf32, #tpu.memory_space<vmem_shared>>)
      %mul3A_215 = arith.constant 8 : i32
      %mul3A_216 = arith.muli %add3A_51, %mul3A_215 : i32
      %add3A_217 = arith.constant 7 : i32
      %add3A_218 = arith.addi %mul3A_216, %add3A_217 : i32
      %dma_wait3A_219 = arith.constant 0 : i32
      %dma_wait3A_220 = tpu.memref_slice %arg5[%dma_wait3A_219] : memref<640xf32, #tpu.memory_space<vmem>> -> memref<125xf32, #tpu.memory_space<vmem>>
      %dma_wait3A_221 = arith.constant 0 : i32
      %dma_wait3A_222 = tpu.memref_slice %arg4[%add3A_218, %dma_wait3A_221] : memref<40x125xi32, #tpu.memory_space<vmem>> -> memref<1x125xi32, #tpu.memory_space<vmem>>
      %dma_wait3A_223 = tpu.memref_squeeze %dma_wait3A_222 : memref<1x125xi32, #tpu.memory_space<vmem>> -> memref<125xi32, #tpu.memory_space<vmem>>
      %dma_wait3A_224 = arith.constant 0 : i32
      %dma_wait3A_225 = tpu.memref_slice %arg6[%dma_wait3A_224] : memref<10240xf32, #tpu.memory_space<vmem_shared>> -> memref<10240xf32, #tpu.memory_space<vmem_shared>>
      tpu.wait_indirect_dma semaphore(%arg7 : memref<!tpu.dma_semaphore, #tpu.memory_space<semaphore_mem>>) src(%dma_wait3A_220 : memref<125xf32, #tpu.memory_space<vmem>>) dst(%dma_wait3A_225 : memref<10240xf32, #tpu.memory_space<vmem_shared>>)
    }
    %scan3A_17 = arith.constant 5 : i32
    %run_scoped3A_18 = arith.constant 0 : i32
    %run_scoped3A_19 = arith.constant 1 : i32
    "tpu.region"() ({
      %run_scoped3A_47 = tpu.sem_alloc : memref<!tpu.dma_semaphore, #tpu.memory_space<semaphore_mem>>
      %dma_start3A = arith.constant 0 : i32
      %dma_start3A_48 = arith.constant 0 : i32
      %dma_start3A_49 = tpu.memref_slice %arg2[%run_scoped3A_18, %add3A, %run_scoped3A_19, %dma_start3A, %dma_start3A_48] : memref<2x32x2x40x125xi32, #tpu.memory_space<hbm>> -> memref<1x1x1x40x125xi32, #tpu.memory_space<hbm>>
      %dma_start3A_50 = tpu.memref_squeeze %dma_start3A_49 : memref<1x1x1x40x125xi32, #tpu.memory_space<hbm>> -> memref<40x125xi32, #tpu.memory_space<hbm>>
      %dma_start3A_51 = arith.constant 0 : i32
      %dma_start3A_52 = arith.constant 0 : i32
      %dma_start3A_53 = tpu.memref_slice %arg2[%run_scoped3A_18, %add3A, %run_scoped3A_19, %dma_start3A_51, %dma_start3A_52] : memref<2x32x2x40x125xi32, #tpu.memory_space<hbm>> -> memref<1x1x1x40x125xi32, #tpu.memory_space<hbm>>
      %dma_start3A_54 = tpu.memref_squeeze %dma_start3A_53 : memref<1x1x1x40x125xi32, #tpu.memory_space<hbm>> -> memref<40x125xi32, #tpu.memory_space<hbm>>
      tpu.enqueue_dma source(%dma_start3A_54 : memref<40x125xi32, #tpu.memory_space<hbm>>) target(%arg4 : memref<40x125xi32, #tpu.memory_space<vmem>>) target_semaphore(%run_scoped3A_47 : memref<!tpu.dma_semaphore, #tpu.memory_space<semaphore_mem>>)
      %dma_wait3A = arith.constant 0 : i32
      %dma_wait3A_55 = arith.constant 0 : i32
      %dma_wait3A_56 = tpu.memref_slice %arg2[%run_scoped3A_18, %add3A, %run_scoped3A_19, %dma_wait3A, %dma_wait3A_55] : memref<2x32x2x40x125xi32, #tpu.memory_space<hbm>> -> memref<1x1x1x40x125xi32, #tpu.memory_space<hbm>>
      %dma_wait3A_57 = tpu.memref_squeeze %dma_wait3A_56 : memref<1x1x1x40x125xi32, #tpu.memory_space<hbm>> -> memref<40x125xi32, #tpu.memory_space<hbm>>
      %dma_wait3A_58 = arith.constant 0 : i32
      %dma_wait3A_59 = arith.constant 0 : i32
      %dma_wait3A_60 = tpu.memref_slice %arg2[%run_scoped3A_18, %add3A, %run_scoped3A_19, %dma_wait3A_58, %dma_wait3A_59] : memref<2x32x2x40x125xi32, #tpu.memory_space<hbm>> -> memref<1x1x1x40x125xi32, #tpu.memory_space<hbm>>
      %dma_wait3A_61 = tpu.memref_squeeze %dma_wait3A_60 : memref<1x1x1x40x125xi32, #tpu.memory_space<hbm>> -> memref<40x125xi32, #tpu.memory_space<hbm>>
      tpu.wait_dma2 semaphore(%run_scoped3A_47 : memref<!tpu.dma_semaphore, #tpu.memory_space<semaphore_mem>>) src(%dma_wait3A_61 : memref<40x125xi32, #tpu.memory_space<hbm>>) dst(%arg4 : memref<40x125xi32, #tpu.memory_space<vmem>>)
      tpu.yield
    }) : () -> ()
    %scan3A_20 = arith.constant 0 : i32
    %scan3A_21 = arith.constant 5 : i32
    %scan3A_22 = arith.addi %scan3A_20, %scan3A_21 : i32
    %scan3A_23 = arith.constant 1 : i32
    scf.for %scan3A_47 = %scan3A_20 to %scan3A_22 step %scan3A_23  : i32 {
      %mul3A_48 = arith.constant 1 : i32
      %mul3A_49 = arith.muli %scan3A_47, %mul3A_48 : i32
      %add3A_50 = arith.constant 0 : i32
      %add3A_51 = arith.addi %add3A_50, %mul3A_49 : i32
      %mul3A_52 = arith.constant 8 : i32
      %mul3A_53 = arith.muli %add3A_51, %mul3A_52 : i32
      %add3A_54 = arith.constant 0 : i32
      %add3A_55 = arith.addi %mul3A_53, %add3A_54 : i32
      %dma_start3A = arith.constant 0 : i32
      %dma_start3A_56 = tpu.memref_slice %arg5[%dma_start3A] : memref<640xf32, #tpu.memory_space<vmem>> -> memref<125xf32, #tpu.memory_space<vmem>>
      %dma_start3A_57 = arith.constant 0 : i32
      %dma_start3A_58 = tpu.memref_slice %arg4[%add3A_55, %dma_start3A_57] : memref<40x125xi32, #tpu.memory_space<vmem>> -> memref<1x125xi32, #tpu.memory_space<vmem>>
      %dma_start3A_59 = tpu.memref_squeeze %dma_start3A_58 : memref<1x125xi32, #tpu.memory_space<vmem>> -> memref<125xi32, #tpu.memory_space<vmem>>
      %dma_start3A_60 = arith.constant 0 : i32
      %dma_start3A_61 = tpu.memref_slice %arg6[%dma_start3A_60] : memref<10240xf32, #tpu.memory_space<vmem_shared>> -> memref<10240xf32, #tpu.memory_space<vmem_shared>>
      tpu.enqueue_indirect_dma source(%dma_start3A_56 : memref<125xf32, #tpu.memory_space<vmem>>) target(%dma_start3A_61 : memref<10240xf32, #tpu.memory_space<vmem_shared>>) offsets(%dma_start3A_59 : memref<125xi32, #tpu.memory_space<vmem>>) semaphore(%arg7 : memref<!tpu.dma_semaphore, #tpu.memory_space<semaphore_mem>>) {add = true}
      %mul3A_62 = arith.constant 8 : i32
      %mul3A_63 = arith.muli %add3A_51, %mul3A_62 : i32
      %add3A_64 = arith.constant 1 : i32
      %add3A_65 = arith.addi %mul3A_63, %add3A_64 : i32
      %dma_start3A_66 = arith.constant 0 : i32
      %dma_start3A_67 = tpu.memref_slice %arg5[%dma_start3A_66] : memref<640xf32, #tpu.memory_space<vmem>> -> memref<125xf32, #tpu.memory_space<vmem>>
      %dma_start3A_68 = arith.constant 0 : i32
      %dma_start3A_69 = tpu.memref_slice %arg4[%add3A_65, %dma_start3A_68] : memref<40x125xi32, #tpu.memory_space<vmem>> -> memref<1x125xi32, #tpu.memory_space<vmem>>
      %dma_start3A_70 = tpu.memref_squeeze %dma_start3A_69 : memref<1x125xi32, #tpu.memory_space<vmem>> -> memref<125xi32, #tpu.memory_space<vmem>>
      %dma_start3A_71 = arith.constant 0 : i32
      %dma_start3A_72 = tpu.memref_slice %arg6[%dma_start3A_71] : memref<10240xf32, #tpu.memory_space<vmem_shared>> -> memref<10240xf32, #tpu.memory_space<vmem_shared>>
      tpu.enqueue_indirect_dma source(%dma_start3A_67 : memref<125xf32, #tpu.memory_space<vmem>>) target(%dma_start3A_72 : memref<10240xf32, #tpu.memory_space<vmem_shared>>) offsets(%dma_start3A_70 : memref<125xi32, #tpu.memory_space<vmem>>) semaphore(%arg7 : memref<!tpu.dma_semaphore, #tpu.memory_space<semaphore_mem>>) {add = true}
      %mul3A_73 = arith.constant 8 : i32
      %mul3A_74 = arith.muli %add3A_51, %mul3A_73 : i32
      %add3A_75 = arith.constant 2 : i32
      %add3A_76 = arith.addi %mul3A_74, %add3A_75 : i32
      %dma_start3A_77 = arith.constant 0 : i32
      %dma_start3A_78 = tpu.memref_slice %arg5[%dma_start3A_77] : memref<640xf32, #tpu.memory_space<vmem>> -> memref<125xf32, #tpu.memory_space<vmem>>
      %dma_start3A_79 = arith.constant 0 : i32
      %dma_start3A_80 = tpu.memref_slice %arg4[%add3A_76, %dma_start3A_79] : memref<40x125xi32, #tpu.memory_space<vmem>> -> memref<1x125xi32, #tpu.memory_space<vmem>>
      %dma_start3A_81 = tpu.memref_squeeze %dma_start3A_80 : memref<1x125xi32, #tpu.memory_space<vmem>> -> memref<125xi32, #tpu.memory_space<vmem>>
      %dma_start3A_82 = arith.constant 0 : i32
      %dma_start3A_83 = tpu.memref_slice %arg6[%dma_start3A_82] : memref<10240xf32, #tpu.memory_space<vmem_shared>> -> memref<10240xf32, #tpu.memory_space<vmem_shared>>
      tpu.enqueue_indirect_dma source(%dma_start3A_78 : memref<125xf32, #tpu.memory_space<vmem>>) target(%dma_start3A_83 : memref<10240xf32, #tpu.memory_space<vmem_shared>>) offsets(%dma_start3A_81 : memref<125xi32, #tpu.memory_space<vmem>>) semaphore(%arg7 : memref<!tpu.dma_semaphore, #tpu.memory_space<semaphore_mem>>) {add = true}
      %mul3A_84 = arith.constant 8 : i32
      %mul3A_85 = arith.muli %add3A_51, %mul3A_84 : i32
      %add3A_86 = arith.constant 3 : i32
      %add3A_87 = arith.addi %mul3A_85, %add3A_86 : i32
      %dma_start3A_88 = arith.constant 0 : i32
      %dma_start3A_89 = tpu.memref_slice %arg5[%dma_start3A_88] : memref<640xf32, #tpu.memory_space<vmem>> -> memref<125xf32, #tpu.memory_space<vmem>>
      %dma_start3A_90 = arith.constant 0 : i32
      %dma_start3A_91 = tpu.memref_slice %arg4[%add3A_87, %dma_start3A_90] : memref<40x125xi32, #tpu.memory_space<vmem>> -> memref<1x125xi32, #tpu.memory_space<vmem>>
      %dma_start3A_92 = tpu.memref_squeeze %dma_start3A_91 : memref<1x125xi32, #tpu.memory_space<vmem>> -> memref<125xi32, #tpu.memory_space<vmem>>
      %dma_start3A_93 = arith.constant 0 : i32
      %dma_start3A_94 = tpu.memref_slice %arg6[%dma_start3A_93] : memref<10240xf32, #tpu.memory_space<vmem_shared>> -> memref<10240xf32, #tpu.memory_space<vmem_shared>>
      tpu.enqueue_indirect_dma source(%dma_start3A_89 : memref<125xf32, #tpu.memory_space<vmem>>) target(%dma_start3A_94 : memref<10240xf32, #tpu.memory_space<vmem_shared>>) offsets(%dma_start3A_92 : memref<125xi32, #tpu.memory_space<vmem>>) semaphore(%arg7 : memref<!tpu.dma_semaphore, #tpu.memory_space<semaphore_mem>>) {add = true}
      %mul3A_95 = arith.constant 8 : i32
      %mul3A_96 = arith.muli %add3A_51, %mul3A_95 : i32
      %add3A_97 = arith.constant 4 : i32
      %add3A_98 = arith.addi %mul3A_96, %add3A_97 : i32
      %dma_start3A_99 = arith.constant 0 : i32
      %dma_start3A_100 = tpu.memref_slice %arg5[%dma_start3A_99] : memref<640xf32, #tpu.memory_space<vmem>> -> memref<125xf32, #tpu.memory_space<vmem>>
      %dma_start3A_101 = arith.constant 0 : i32
      %dma_start3A_102 = tpu.memref_slice %arg4[%add3A_98, %dma_start3A_101] : memref<40x125xi32, #tpu.memory_space<vmem>> -> memref<1x125xi32, #tpu.memory_space<vmem>>
      %dma_start3A_103 = tpu.memref_squeeze %dma_start3A_102 : memref<1x125xi32, #tpu.memory_space<vmem>> -> memref<125xi32, #tpu.memory_space<vmem>>
      %dma_start3A_104 = arith.constant 0 : i32
      %dma_start3A_105 = tpu.memref_slice %arg6[%dma_start3A_104] : memref<10240xf32, #tpu.memory_space<vmem_shared>> -> memref<10240xf32, #tpu.memory_space<vmem_shared>>
      tpu.enqueue_indirect_dma source(%dma_start3A_100 : memref<125xf32, #tpu.memory_space<vmem>>) target(%dma_start3A_105 : memref<10240xf32, #tpu.memory_space<vmem_shared>>) offsets(%dma_start3A_103 : memref<125xi32, #tpu.memory_space<vmem>>) semaphore(%arg7 : memref<!tpu.dma_semaphore, #tpu.memory_space<semaphore_mem>>) {add = true}
      %mul3A_106 = arith.constant 8 : i32
      %mul3A_107 = arith.muli %add3A_51, %mul3A_106 : i32
      %add3A_108 = arith.constant 5 : i32
      %add3A_109 = arith.addi %mul3A_107, %add3A_108 : i32
      %dma_start3A_110 = arith.constant 0 : i32
      %dma_start3A_111 = tpu.memref_slice %arg5[%dma_start3A_110] : memref<640xf32, #tpu.memory_space<vmem>> -> memref<125xf32, #tpu.memory_space<vmem>>
      %dma_start3A_112 = arith.constant 0 : i32
      %dma_start3A_113 = tpu.memref_slice %arg4[%add3A_109, %dma_start3A_112] : memref<40x125xi32, #tpu.memory_space<vmem>> -> memref<1x125xi32, #tpu.memory_space<vmem>>
      %dma_start3A_114 = tpu.memref_squeeze %dma_start3A_113 : memref<1x125xi32, #tpu.memory_space<vmem>> -> memref<125xi32, #tpu.memory_space<vmem>>
      %dma_start3A_115 = arith.constant 0 : i32
      %dma_start3A_116 = tpu.memref_slice %arg6[%dma_start3A_115] : memref<10240xf32, #tpu.memory_space<vmem_shared>> -> memref<10240xf32, #tpu.memory_space<vmem_shared>>
      tpu.enqueue_indirect_dma source(%dma_start3A_111 : memref<125xf32, #tpu.memory_space<vmem>>) target(%dma_start3A_116 : memref<10240xf32, #tpu.memory_space<vmem_shared>>) offsets(%dma_start3A_114 : memref<125xi32, #tpu.memory_space<vmem>>) semaphore(%arg7 : memref<!tpu.dma_semaphore, #tpu.memory_space<semaphore_mem>>) {add = true}
      %mul3A_117 = arith.constant 8 : i32
      %mul3A_118 = arith.muli %add3A_51, %mul3A_117 : i32
      %add3A_119 = arith.constant 6 : i32
      %add3A_120 = arith.addi %mul3A_118, %add3A_119 : i32
      %dma_start3A_121 = arith.constant 0 : i32
      %dma_start3A_122 = tpu.memref_slice %arg5[%dma_start3A_121] : memref<640xf32, #tpu.memory_space<vmem>> -> memref<125xf32, #tpu.memory_space<vmem>>
      %dma_start3A_123 = arith.constant 0 : i32
      %dma_start3A_124 = tpu.memref_slice %arg4[%add3A_120, %dma_start3A_123] : memref<40x125xi32, #tpu.memory_space<vmem>> -> memref<1x125xi32, #tpu.memory_space<vmem>>
      %dma_start3A_125 = tpu.memref_squeeze %dma_start3A_124 : memref<1x125xi32, #tpu.memory_space<vmem>> -> memref<125xi32, #tpu.memory_space<vmem>>
      %dma_start3A_126 = arith.constant 0 : i32
      %dma_start3A_127 = tpu.memref_slice %arg6[%dma_start3A_126] : memref<10240xf32, #tpu.memory_space<vmem_shared>> -> memref<10240xf32, #tpu.memory_space<vmem_shared>>
      tpu.enqueue_indirect_dma source(%dma_start3A_122 : memref<125xf32, #tpu.memory_space<vmem>>) target(%dma_start3A_127 : memref<10240xf32, #tpu.memory_space<vmem_shared>>) offsets(%dma_start3A_125 : memref<125xi32, #tpu.memory_space<vmem>>) semaphore(%arg7 : memref<!tpu.dma_semaphore, #tpu.memory_space<semaphore_mem>>) {add = true}
      %mul3A_128 = arith.constant 8 : i32
      %mul3A_129 = arith.muli %add3A_51, %mul3A_128 : i32
      %add3A_130 = arith.constant 7 : i32
      %add3A_131 = arith.addi %mul3A_129, %add3A_130 : i32
      %dma_start3A_132 = arith.constant 0 : i32
      %dma_start3A_133 = tpu.memref_slice %arg5[%dma_start3A_132] : memref<640xf32, #tpu.memory_space<vmem>> -> memref<125xf32, #tpu.memory_space<vmem>>
      %dma_start3A_134 = arith.constant 0 : i32
      %dma_start3A_135 = tpu.memref_slice %arg4[%add3A_131, %dma_start3A_134] : memref<40x125xi32, #tpu.memory_space<vmem>> -> memref<1x125xi32, #tpu.memory_space<vmem>>
      %dma_start3A_136 = tpu.memref_squeeze %dma_start3A_135 : memref<1x125xi32, #tpu.memory_space<vmem>> -> memref<125xi32, #tpu.memory_space<vmem>>
      %dma_start3A_137 = arith.constant 0 : i32
      %dma_start3A_138 = tpu.memref_slice %arg6[%dma_start3A_137] : memref<10240xf32, #tpu.memory_space<vmem_shared>> -> memref<10240xf32, #tpu.memory_space<vmem_shared>>
      tpu.enqueue_indirect_dma source(%dma_start3A_133 : memref<125xf32, #tpu.memory_space<vmem>>) target(%dma_start3A_138 : memref<10240xf32, #tpu.memory_space<vmem_shared>>) offsets(%dma_start3A_136 : memref<125xi32, #tpu.memory_space<vmem>>) semaphore(%arg7 : memref<!tpu.dma_semaphore, #tpu.memory_space<semaphore_mem>>) {add = true}
      %mul3A_139 = arith.constant 8 : i32
      %mul3A_140 = arith.muli %add3A_51, %mul3A_139 : i32
      %add3A_141 = arith.constant 0 : i32
      %add3A_142 = arith.addi %mul3A_140, %add3A_141 : i32
      %dma_wait3A = arith.constant 0 : i32
      %dma_wait3A_143 = tpu.memref_slice %arg5[%dma_wait3A] : memref<640xf32, #tpu.memory_space<vmem>> -> memref<125xf32, #tpu.memory_space<vmem>>
      %dma_wait3A_144 = arith.constant 0 : i32
      %dma_wait3A_145 = tpu.memref_slice %arg4[%add3A_142, %dma_wait3A_144] : memref<40x125xi32, #tpu.memory_space<vmem>> -> memref<1x125xi32, #tpu.memory_space<vmem>>
      %dma_wait3A_146 = tpu.memref_squeeze %dma_wait3A_145 : memref<1x125xi32, #tpu.memory_space<vmem>> -> memref<125xi32, #tpu.memory_space<vmem>>
      %dma_wait3A_147 = arith.constant 0 : i32
      %dma_wait3A_148 = tpu.memref_slice %arg6[%dma_wait3A_147] : memref<10240xf32, #tpu.memory_space<vmem_shared>> -> memref<10240xf32, #tpu.memory_space<vmem_shared>>
      tpu.wait_indirect_dma semaphore(%arg7 : memref<!tpu.dma_semaphore, #tpu.memory_space<semaphore_mem>>) src(%dma_wait3A_143 : memref<125xf32, #tpu.memory_space<vmem>>) dst(%dma_wait3A_148 : memref<10240xf32, #tpu.memory_space<vmem_shared>>)
      %mul3A_149 = arith.constant 8 : i32
      %mul3A_150 = arith.muli %add3A_51, %mul3A_149 : i32
      %add3A_151 = arith.constant 1 : i32
      %add3A_152 = arith.addi %mul3A_150, %add3A_151 : i32
      %dma_wait3A_153 = arith.constant 0 : i32
      %dma_wait3A_154 = tpu.memref_slice %arg5[%dma_wait3A_153] : memref<640xf32, #tpu.memory_space<vmem>> -> memref<125xf32, #tpu.memory_space<vmem>>
      %dma_wait3A_155 = arith.constant 0 : i32
      %dma_wait3A_156 = tpu.memref_slice %arg4[%add3A_152, %dma_wait3A_155] : memref<40x125xi32, #tpu.memory_space<vmem>> -> memref<1x125xi32, #tpu.memory_space<vmem>>
      %dma_wait3A_157 = tpu.memref_squeeze %dma_wait3A_156 : memref<1x125xi32, #tpu.memory_space<vmem>> -> memref<125xi32, #tpu.memory_space<vmem>>
      %dma_wait3A_158 = arith.constant 0 : i32
      %dma_wait3A_159 = tpu.memref_slice %arg6[%dma_wait3A_158] : memref<10240xf32, #tpu.memory_space<vmem_shared>> -> memref<10240xf32, #tpu.memory_space<vmem_shared>>
      tpu.wait_indirect_dma semaphore(%arg7 : memref<!tpu.dma_semaphore, #tpu.memory_space<semaphore_mem>>) src(%dma_wait3A_154 : memref<125xf32, #tpu.memory_space<vmem>>) dst(%dma_wait3A_159 : memref<10240xf32, #tpu.memory_space<vmem_shared>>)
      %mul3A_160 = arith.constant 8 : i32
      %mul3A_161 = arith.muli %add3A_51, %mul3A_160 : i32
      %add3A_162 = arith.constant 2 : i32
      %add3A_163 = arith.addi %mul3A_161, %add3A_162 : i32
      %dma_wait3A_164 = arith.constant 0 : i32
      %dma_wait3A_165 = tpu.memref_slice %arg5[%dma_wait3A_164] : memref<640xf32, #tpu.memory_space<vmem>> -> memref<125xf32, #tpu.memory_space<vmem>>
      %dma_wait3A_166 = arith.constant 0 : i32
      %dma_wait3A_167 = tpu.memref_slice %arg4[%add3A_163, %dma_wait3A_166] : memref<40x125xi32, #tpu.memory_space<vmem>> -> memref<1x125xi32, #tpu.memory_space<vmem>>
      %dma_wait3A_168 = tpu.memref_squeeze %dma_wait3A_167 : memref<1x125xi32, #tpu.memory_space<vmem>> -> memref<125xi32, #tpu.memory_space<vmem>>
      %dma_wait3A_169 = arith.constant 0 : i32
      %dma_wait3A_170 = tpu.memref_slice %arg6[%dma_wait3A_169] : memref<10240xf32, #tpu.memory_space<vmem_shared>> -> memref<10240xf32, #tpu.memory_space<vmem_shared>>
      tpu.wait_indirect_dma semaphore(%arg7 : memref<!tpu.dma_semaphore, #tpu.memory_space<semaphore_mem>>) src(%dma_wait3A_165 : memref<125xf32, #tpu.memory_space<vmem>>) dst(%dma_wait3A_170 : memref<10240xf32, #tpu.memory_space<vmem_shared>>)
      %mul3A_171 = arith.constant 8 : i32
      %mul3A_172 = arith.muli %add3A_51, %mul3A_171 : i32
      %add3A_173 = arith.constant 3 : i32
      %add3A_174 = arith.addi %mul3A_172, %add3A_173 : i32
      %dma_wait3A_175 = arith.constant 0 : i32
      %dma_wait3A_176 = tpu.memref_slice %arg5[%dma_wait3A_175] : memref<640xf32, #tpu.memory_space<vmem>> -> memref<125xf32, #tpu.memory_space<vmem>>
      %dma_wait3A_177 = arith.constant 0 : i32
      %dma_wait3A_178 = tpu.memref_slice %arg4[%add3A_174, %dma_wait3A_177] : memref<40x125xi32, #tpu.memory_space<vmem>> -> memref<1x125xi32, #tpu.memory_space<vmem>>
      %dma_wait3A_179 = tpu.memref_squeeze %dma_wait3A_178 : memref<1x125xi32, #tpu.memory_space<vmem>> -> memref<125xi32, #tpu.memory_space<vmem>>
      %dma_wait3A_180 = arith.constant 0 : i32
      %dma_wait3A_181 = tpu.memref_slice %arg6[%dma_wait3A_180] : memref<10240xf32, #tpu.memory_space<vmem_shared>> -> memref<10240xf32, #tpu.memory_space<vmem_shared>>
      tpu.wait_indirect_dma semaphore(%arg7 : memref<!tpu.dma_semaphore, #tpu.memory_space<semaphore_mem>>) src(%dma_wait3A_176 : memref<125xf32, #tpu.memory_space<vmem>>) dst(%dma_wait3A_181 : memref<10240xf32, #tpu.memory_space<vmem_shared>>)
      %mul3A_182 = arith.constant 8 : i32
      %mul3A_183 = arith.muli %add3A_51, %mul3A_182 : i32
      %add3A_184 = arith.constant 4 : i32
      %add3A_185 = arith.addi %mul3A_183, %add3A_184 : i32
      %dma_wait3A_186 = arith.constant 0 : i32
      %dma_wait3A_187 = tpu.memref_slice %arg5[%dma_wait3A_186] : memref<640xf32, #tpu.memory_space<vmem>> -> memref<125xf32, #tpu.memory_space<vmem>>
      %dma_wait3A_188 = arith.constant 0 : i32
      %dma_wait3A_189 = tpu.memref_slice %arg4[%add3A_185, %dma_wait3A_188] : memref<40x125xi32, #tpu.memory_space<vmem>> -> memref<1x125xi32, #tpu.memory_space<vmem>>
      %dma_wait3A_190 = tpu.memref_squeeze %dma_wait3A_189 : memref<1x125xi32, #tpu.memory_space<vmem>> -> memref<125xi32, #tpu.memory_space<vmem>>
      %dma_wait3A_191 = arith.constant 0 : i32
      %dma_wait3A_192 = tpu.memref_slice %arg6[%dma_wait3A_191] : memref<10240xf32, #tpu.memory_space<vmem_shared>> -> memref<10240xf32, #tpu.memory_space<vmem_shared>>
      tpu.wait_indirect_dma semaphore(%arg7 : memref<!tpu.dma_semaphore, #tpu.memory_space<semaphore_mem>>) src(%dma_wait3A_187 : memref<125xf32, #tpu.memory_space<vmem>>) dst(%dma_wait3A_192 : memref<10240xf32, #tpu.memory_space<vmem_shared>>)
      %mul3A_193 = arith.constant 8 : i32
      %mul3A_194 = arith.muli %add3A_51, %mul3A_193 : i32
      %add3A_195 = arith.constant 5 : i32
      %add3A_196 = arith.addi %mul3A_194, %add3A_195 : i32
      %dma_wait3A_197 = arith.constant 0 : i32
      %dma_wait3A_198 = tpu.memref_slice %arg5[%dma_wait3A_197] : memref<640xf32, #tpu.memory_space<vmem>> -> memref<125xf32, #tpu.memory_space<vmem>>
      %dma_wait3A_199 = arith.constant 0 : i32
      %dma_wait3A_200 = tpu.memref_slice %arg4[%add3A_196, %dma_wait3A_199] : memref<40x125xi32, #tpu.memory_space<vmem>> -> memref<1x125xi32, #tpu.memory_space<vmem>>
      %dma_wait3A_201 = tpu.memref_squeeze %dma_wait3A_200 : memref<1x125xi32, #tpu.memory_space<vmem>> -> memref<125xi32, #tpu.memory_space<vmem>>
      %dma_wait3A_202 = arith.constant 0 : i32
      %dma_wait3A_203 = tpu.memref_slice %arg6[%dma_wait3A_202] : memref<10240xf32, #tpu.memory_space<vmem_shared>> -> memref<10240xf32, #tpu.memory_space<vmem_shared>>
      tpu.wait_indirect_dma semaphore(%arg7 : memref<!tpu.dma_semaphore, #tpu.memory_space<semaphore_mem>>) src(%dma_wait3A_198 : memref<125xf32, #tpu.memory_space<vmem>>) dst(%dma_wait3A_203 : memref<10240xf32, #tpu.memory_space<vmem_shared>>)
      %mul3A_204 = arith.constant 8 : i32
      %mul3A_205 = arith.muli %add3A_51, %mul3A_204 : i32
      %add3A_206 = arith.constant 6 : i32
      %add3A_207 = arith.addi %mul3A_205, %add3A_206 : i32
      %dma_wait3A_208 = arith.constant 0 : i32
      %dma_wait3A_209 = tpu.memref_slice %arg5[%dma_wait3A_208] : memref<640xf32, #tpu.memory_space<vmem>> -> memref<125xf32, #tpu.memory_space<vmem>>
      %dma_wait3A_210 = arith.constant 0 : i32
      %dma_wait3A_211 = tpu.memref_slice %arg4[%add3A_207, %dma_wait3A_210] : memref<40x125xi32, #tpu.memory_space<vmem>> -> memref<1x125xi32, #tpu.memory_space<vmem>>
      %dma_wait3A_212 = tpu.memref_squeeze %dma_wait3A_211 : memref<1x125xi32, #tpu.memory_space<vmem>> -> memref<125xi32, #tpu.memory_space<vmem>>
      %dma_wait3A_213 = arith.constant 0 : i32
      %dma_wait3A_214 = tpu.memref_slice %arg6[%dma_wait3A_213] : memref<10240xf32, #tpu.memory_space<vmem_shared>> -> memref<10240xf32, #tpu.memory_space<vmem_shared>>
      tpu.wait_indirect_dma semaphore(%arg7 : memref<!tpu.dma_semaphore, #tpu.memory_space<semaphore_mem>>) src(%dma_wait3A_209 : memref<125xf32, #tpu.memory_space<vmem>>) dst(%dma_wait3A_214 : memref<10240xf32, #tpu.memory_space<vmem_shared>>)
      %mul3A_215 = arith.constant 8 : i32
      %mul3A_216 = arith.muli %add3A_51, %mul3A_215 : i32
      %add3A_217 = arith.constant 7 : i32
      %add3A_218 = arith.addi %mul3A_216, %add3A_217 : i32
      %dma_wait3A_219 = arith.constant 0 : i32
      %dma_wait3A_220 = tpu.memref_slice %arg5[%dma_wait3A_219] : memref<640xf32, #tpu.memory_space<vmem>> -> memref<125xf32, #tpu.memory_space<vmem>>
      %dma_wait3A_221 = arith.constant 0 : i32
      %dma_wait3A_222 = tpu.memref_slice %arg4[%add3A_218, %dma_wait3A_221] : memref<40x125xi32, #tpu.memory_space<vmem>> -> memref<1x125xi32, #tpu.memory_space<vmem>>
      %dma_wait3A_223 = tpu.memref_squeeze %dma_wait3A_222 : memref<1x125xi32, #tpu.memory_space<vmem>> -> memref<125xi32, #tpu.memory_space<vmem>>
      %dma_wait3A_224 = arith.constant 0 : i32
      %dma_wait3A_225 = tpu.memref_slice %arg6[%dma_wait3A_224] : memref<10240xf32, #tpu.memory_space<vmem_shared>> -> memref<10240xf32, #tpu.memory_space<vmem_shared>>
      tpu.wait_indirect_dma semaphore(%arg7 : memref<!tpu.dma_semaphore, #tpu.memory_space<semaphore_mem>>) src(%dma_wait3A_220 : memref<125xf32, #tpu.memory_space<vmem>>) dst(%dma_wait3A_225 : memref<10240xf32, #tpu.memory_space<vmem_shared>>)
    }
    %scan3A_24 = arith.constant 5 : i32
    %run_scoped3A_25 = arith.constant 1 : i32
    %run_scoped3A_26 = arith.constant 0 : i32
    "tpu.region"() ({
      %run_scoped3A_47 = tpu.sem_alloc : memref<!tpu.dma_semaphore, #tpu.memory_space<semaphore_mem>>
      %dma_start3A = arith.constant 0 : i32
      %dma_start3A_48 = arith.constant 0 : i32
      %dma_start3A_49 = tpu.memref_slice %arg2[%run_scoped3A_25, %add3A, %run_scoped3A_26, %dma_start3A, %dma_start3A_48] : memref<2x32x2x40x125xi32, #tpu.memory_space<hbm>> -> memref<1x1x1x40x125xi32, #tpu.memory_space<hbm>>
      %dma_start3A_50 = tpu.memref_squeeze %dma_start3A_49 : memref<1x1x1x40x125xi32, #tpu.memory_space<hbm>> -> memref<40x125xi32, #tpu.memory_space<hbm>>
      %dma_start3A_51 = arith.constant 0 : i32
      %dma_start3A_52 = arith.constant 0 : i32
      %dma_start3A_53 = tpu.memref_slice %arg2[%run_scoped3A_25, %add3A, %run_scoped3A_26, %dma_start3A_51, %dma_start3A_52] : memref<2x32x2x40x125xi32, #tpu.memory_space<hbm>> -> memref<1x1x1x40x125xi32, #tpu.memory_space<hbm>>
      %dma_start3A_54 = tpu.memref_squeeze %dma_start3A_53 : memref<1x1x1x40x125xi32, #tpu.memory_space<hbm>> -> memref<40x125xi32, #tpu.memory_space<hbm>>
      tpu.enqueue_dma source(%dma_start3A_54 : memref<40x125xi32, #tpu.memory_space<hbm>>) target(%arg4 : memref<40x125xi32, #tpu.memory_space<vmem>>) target_semaphore(%run_scoped3A_47 : memref<!tpu.dma_semaphore, #tpu.memory_space<semaphore_mem>>)
      %dma_wait3A = arith.constant 0 : i32
      %dma_wait3A_55 = arith.constant 0 : i32
      %dma_wait3A_56 = tpu.memref_slice %arg2[%run_scoped3A_25, %add3A, %run_scoped3A_26, %dma_wait3A, %dma_wait3A_55] : memref<2x32x2x40x125xi32, #tpu.memory_space<hbm>> -> memref<1x1x1x40x125xi32, #tpu.memory_space<hbm>>
      %dma_wait3A_57 = tpu.memref_squeeze %dma_wait3A_56 : memref<1x1x1x40x125xi32, #tpu.memory_space<hbm>> -> memref<40x125xi32, #tpu.memory_space<hbm>>
      %dma_wait3A_58 = arith.constant 0 : i32
      %dma_wait3A_59 = arith.constant 0 : i32
      %dma_wait3A_60 = tpu.memref_slice %arg2[%run_scoped3A_25, %add3A, %run_scoped3A_26, %dma_wait3A_58, %dma_wait3A_59] : memref<2x32x2x40x125xi32, #tpu.memory_space<hbm>> -> memref<1x1x1x40x125xi32, #tpu.memory_space<hbm>>
      %dma_wait3A_61 = tpu.memref_squeeze %dma_wait3A_60 : memref<1x1x1x40x125xi32, #tpu.memory_space<hbm>> -> memref<40x125xi32, #tpu.memory_space<hbm>>
      tpu.wait_dma2 semaphore(%run_scoped3A_47 : memref<!tpu.dma_semaphore, #tpu.memory_space<semaphore_mem>>) src(%dma_wait3A_61 : memref<40x125xi32, #tpu.memory_space<hbm>>) dst(%arg4 : memref<40x125xi32, #tpu.memory_space<vmem>>)
      tpu.yield
    }) : () -> ()
    %scan3A_27 = arith.constant 0 : i32
    %scan3A_28 = arith.constant 5 : i32
    %scan3A_29 = arith.addi %scan3A_27, %scan3A_28 : i32
    %scan3A_30 = arith.constant 1 : i32
    scf.for %scan3A_47 = %scan3A_27 to %scan3A_29 step %scan3A_30  : i32 {
      %mul3A_48 = arith.constant 1 : i32
      %mul3A_49 = arith.muli %scan3A_47, %mul3A_48 : i32
      %add3A_50 = arith.constant 0 : i32
      %add3A_51 = arith.addi %add3A_50, %mul3A_49 : i32
      %mul3A_52 = arith.constant 8 : i32
      %mul3A_53 = arith.muli %add3A_51, %mul3A_52 : i32
      %add3A_54 = arith.constant 0 : i32
      %add3A_55 = arith.addi %mul3A_53, %add3A_54 : i32
      %dma_start3A = arith.constant 0 : i32
      %dma_start3A_56 = tpu.memref_slice %arg5[%dma_start3A] : memref<640xf32, #tpu.memory_space<vmem>> -> memref<125xf32, #tpu.memory_space<vmem>>
      %dma_start3A_57 = arith.constant 0 : i32
      %dma_start3A_58 = tpu.memref_slice %arg4[%add3A_55, %dma_start3A_57] : memref<40x125xi32, #tpu.memory_space<vmem>> -> memref<1x125xi32, #tpu.memory_space<vmem>>
      %dma_start3A_59 = tpu.memref_squeeze %dma_start3A_58 : memref<1x125xi32, #tpu.memory_space<vmem>> -> memref<125xi32, #tpu.memory_space<vmem>>
      %dma_start3A_60 = arith.constant 0 : i32
      %dma_start3A_61 = tpu.memref_slice %arg6[%dma_start3A_60] : memref<10240xf32, #tpu.memory_space<vmem_shared>> -> memref<10240xf32, #tpu.memory_space<vmem_shared>>
      tpu.enqueue_indirect_dma source(%dma_start3A_56 : memref<125xf32, #tpu.memory_space<vmem>>) target(%dma_start3A_61 : memref<10240xf32, #tpu.memory_space<vmem_shared>>) offsets(%dma_start3A_59 : memref<125xi32, #tpu.memory_space<vmem>>) semaphore(%arg7 : memref<!tpu.dma_semaphore, #tpu.memory_space<semaphore_mem>>) {add = true}
      %mul3A_62 = arith.constant 8 : i32
      %mul3A_63 = arith.muli %add3A_51, %mul3A_62 : i32
      %add3A_64 = arith.constant 1 : i32
      %add3A_65 = arith.addi %mul3A_63, %add3A_64 : i32
      %dma_start3A_66 = arith.constant 0 : i32
      %dma_start3A_67 = tpu.memref_slice %arg5[%dma_start3A_66] : memref<640xf32, #tpu.memory_space<vmem>> -> memref<125xf32, #tpu.memory_space<vmem>>
      %dma_start3A_68 = arith.constant 0 : i32
      %dma_start3A_69 = tpu.memref_slice %arg4[%add3A_65, %dma_start3A_68] : memref<40x125xi32, #tpu.memory_space<vmem>> -> memref<1x125xi32, #tpu.memory_space<vmem>>
      %dma_start3A_70 = tpu.memref_squeeze %dma_start3A_69 : memref<1x125xi32, #tpu.memory_space<vmem>> -> memref<125xi32, #tpu.memory_space<vmem>>
      %dma_start3A_71 = arith.constant 0 : i32
      %dma_start3A_72 = tpu.memref_slice %arg6[%dma_start3A_71] : memref<10240xf32, #tpu.memory_space<vmem_shared>> -> memref<10240xf32, #tpu.memory_space<vmem_shared>>
      tpu.enqueue_indirect_dma source(%dma_start3A_67 : memref<125xf32, #tpu.memory_space<vmem>>) target(%dma_start3A_72 : memref<10240xf32, #tpu.memory_space<vmem_shared>>) offsets(%dma_start3A_70 : memref<125xi32, #tpu.memory_space<vmem>>) semaphore(%arg7 : memref<!tpu.dma_semaphore, #tpu.memory_space<semaphore_mem>>) {add = true}
      %mul3A_73 = arith.constant 8 : i32
      %mul3A_74 = arith.muli %add3A_51, %mul3A_73 : i32
      %add3A_75 = arith.constant 2 : i32
      %add3A_76 = arith.addi %mul3A_74, %add3A_75 : i32
      %dma_start3A_77 = arith.constant 0 : i32
      %dma_start3A_78 = tpu.memref_slice %arg5[%dma_start3A_77] : memref<640xf32, #tpu.memory_space<vmem>> -> memref<125xf32, #tpu.memory_space<vmem>>
      %dma_start3A_79 = arith.constant 0 : i32
      %dma_start3A_80 = tpu.memref_slice %arg4[%add3A_76, %dma_start3A_79] : memref<40x125xi32, #tpu.memory_space<vmem>> -> memref<1x125xi32, #tpu.memory_space<vmem>>
      %dma_start3A_81 = tpu.memref_squeeze %dma_start3A_80 : memref<1x125xi32, #tpu.memory_space<vmem>> -> memref<125xi32, #tpu.memory_space<vmem>>
      %dma_start3A_82 = arith.constant 0 : i32
      %dma_start3A_83 = tpu.memref_slice %arg6[%dma_start3A_82] : memref<10240xf32, #tpu.memory_space<vmem_shared>> -> memref<10240xf32, #tpu.memory_space<vmem_shared>>
      tpu.enqueue_indirect_dma source(%dma_start3A_78 : memref<125xf32, #tpu.memory_space<vmem>>) target(%dma_start3A_83 : memref<10240xf32, #tpu.memory_space<vmem_shared>>) offsets(%dma_start3A_81 : memref<125xi32, #tpu.memory_space<vmem>>) semaphore(%arg7 : memref<!tpu.dma_semaphore, #tpu.memory_space<semaphore_mem>>) {add = true}
      %mul3A_84 = arith.constant 8 : i32
      %mul3A_85 = arith.muli %add3A_51, %mul3A_84 : i32
      %add3A_86 = arith.constant 3 : i32
      %add3A_87 = arith.addi %mul3A_85, %add3A_86 : i32
      %dma_start3A_88 = arith.constant 0 : i32
      %dma_start3A_89 = tpu.memref_slice %arg5[%dma_start3A_88] : memref<640xf32, #tpu.memory_space<vmem>> -> memref<125xf32, #tpu.memory_space<vmem>>
      %dma_start3A_90 = arith.constant 0 : i32
      %dma_start3A_91 = tpu.memref_slice %arg4[%add3A_87, %dma_start3A_90] : memref<40x125xi32, #tpu.memory_space<vmem>> -> memref<1x125xi32, #tpu.memory_space<vmem>>
      %dma_start3A_92 = tpu.memref_squeeze %dma_start3A_91 : memref<1x125xi32, #tpu.memory_space<vmem>> -> memref<125xi32, #tpu.memory_space<vmem>>
      %dma_start3A_93 = arith.constant 0 : i32
      %dma_start3A_94 = tpu.memref_slice %arg6[%dma_start3A_93] : memref<10240xf32, #tpu.memory_space<vmem_shared>> -> memref<10240xf32, #tpu.memory_space<vmem_shared>>
      tpu.enqueue_indirect_dma source(%dma_start3A_89 : memref<125xf32, #tpu.memory_space<vmem>>) target(%dma_start3A_94 : memref<10240xf32, #tpu.memory_space<vmem_shared>>) offsets(%dma_start3A_92 : memref<125xi32, #tpu.memory_space<vmem>>) semaphore(%arg7 : memref<!tpu.dma_semaphore, #tpu.memory_space<semaphore_mem>>) {add = true}
      %mul3A_95 = arith.constant 8 : i32
      %mul3A_96 = arith.muli %add3A_51, %mul3A_95 : i32
      %add3A_97 = arith.constant 4 : i32
      %add3A_98 = arith.addi %mul3A_96, %add3A_97 : i32
      %dma_start3A_99 = arith.constant 0 : i32
      %dma_start3A_100 = tpu.memref_slice %arg5[%dma_start3A_99] : memref<640xf32, #tpu.memory_space<vmem>> -> memref<125xf32, #tpu.memory_space<vmem>>
      %dma_start3A_101 = arith.constant 0 : i32
      %dma_start3A_102 = tpu.memref_slice %arg4[%add3A_98, %dma_start3A_101] : memref<40x125xi32, #tpu.memory_space<vmem>> -> memref<1x125xi32, #tpu.memory_space<vmem>>
      %dma_start3A_103 = tpu.memref_squeeze %dma_start3A_102 : memref<1x125xi32, #tpu.memory_space<vmem>> -> memref<125xi32, #tpu.memory_space<vmem>>
      %dma_start3A_104 = arith.constant 0 : i32
      %dma_start3A_105 = tpu.memref_slice %arg6[%dma_start3A_104] : memref<10240xf32, #tpu.memory_space<vmem_shared>> -> memref<10240xf32, #tpu.memory_space<vmem_shared>>
      tpu.enqueue_indirect_dma source(%dma_start3A_100 : memref<125xf32, #tpu.memory_space<vmem>>) target(%dma_start3A_105 : memref<10240xf32, #tpu.memory_space<vmem_shared>>) offsets(%dma_start3A_103 : memref<125xi32, #tpu.memory_space<vmem>>) semaphore(%arg7 : memref<!tpu.dma_semaphore, #tpu.memory_space<semaphore_mem>>) {add = true}
      %mul3A_106 = arith.constant 8 : i32
      %mul3A_107 = arith.muli %add3A_51, %mul3A_106 : i32
      %add3A_108 = arith.constant 5 : i32
      %add3A_109 = arith.addi %mul3A_107, %add3A_108 : i32
      %dma_start3A_110 = arith.constant 0 : i32
      %dma_start3A_111 = tpu.memref_slice %arg5[%dma_start3A_110] : memref<640xf32, #tpu.memory_space<vmem>> -> memref<125xf32, #tpu.memory_space<vmem>>
      %dma_start3A_112 = arith.constant 0 : i32
      %dma_start3A_113 = tpu.memref_slice %arg4[%add3A_109, %dma_start3A_112] : memref<40x125xi32, #tpu.memory_space<vmem>> -> memref<1x125xi32, #tpu.memory_space<vmem>>
      %dma_start3A_114 = tpu.memref_squeeze %dma_start3A_113 : memref<1x125xi32, #tpu.memory_space<vmem>> -> memref<125xi32, #tpu.memory_space<vmem>>
      %dma_start3A_115 = arith.constant 0 : i32
      %dma_start3A_116 = tpu.memref_slice %arg6[%dma_start3A_115] : memref<10240xf32, #tpu.memory_space<vmem_shared>> -> memref<10240xf32, #tpu.memory_space<vmem_shared>>
      tpu.enqueue_indirect_dma source(%dma_start3A_111 : memref<125xf32, #tpu.memory_space<vmem>>) target(%dma_start3A_116 : memref<10240xf32, #tpu.memory_space<vmem_shared>>) offsets(%dma_start3A_114 : memref<125xi32, #tpu.memory_space<vmem>>) semaphore(%arg7 : memref<!tpu.dma_semaphore, #tpu.memory_space<semaphore_mem>>) {add = true}
      %mul3A_117 = arith.constant 8 : i32
      %mul3A_118 = arith.muli %add3A_51, %mul3A_117 : i32
      %add3A_119 = arith.constant 6 : i32
      %add3A_120 = arith.addi %mul3A_118, %add3A_119 : i32
      %dma_start3A_121 = arith.constant 0 : i32
      %dma_start3A_122 = tpu.memref_slice %arg5[%dma_start3A_121] : memref<640xf32, #tpu.memory_space<vmem>> -> memref<125xf32, #tpu.memory_space<vmem>>
      %dma_start3A_123 = arith.constant 0 : i32
      %dma_start3A_124 = tpu.memref_slice %arg4[%add3A_120, %dma_start3A_123] : memref<40x125xi32, #tpu.memory_space<vmem>> -> memref<1x125xi32, #tpu.memory_space<vmem>>
      %dma_start3A_125 = tpu.memref_squeeze %dma_start3A_124 : memref<1x125xi32, #tpu.memory_space<vmem>> -> memref<125xi32, #tpu.memory_space<vmem>>
      %dma_start3A_126 = arith.constant 0 : i32
      %dma_start3A_127 = tpu.memref_slice %arg6[%dma_start3A_126] : memref<10240xf32, #tpu.memory_space<vmem_shared>> -> memref<10240xf32, #tpu.memory_space<vmem_shared>>
      tpu.enqueue_indirect_dma source(%dma_start3A_122 : memref<125xf32, #tpu.memory_space<vmem>>) target(%dma_start3A_127 : memref<10240xf32, #tpu.memory_space<vmem_shared>>) offsets(%dma_start3A_125 : memref<125xi32, #tpu.memory_space<vmem>>) semaphore(%arg7 : memref<!tpu.dma_semaphore, #tpu.memory_space<semaphore_mem>>) {add = true}
      %mul3A_128 = arith.constant 8 : i32
      %mul3A_129 = arith.muli %add3A_51, %mul3A_128 : i32
      %add3A_130 = arith.constant 7 : i32
      %add3A_131 = arith.addi %mul3A_129, %add3A_130 : i32
      %dma_start3A_132 = arith.constant 0 : i32
      %dma_start3A_133 = tpu.memref_slice %arg5[%dma_start3A_132] : memref<640xf32, #tpu.memory_space<vmem>> -> memref<125xf32, #tpu.memory_space<vmem>>
      %dma_start3A_134 = arith.constant 0 : i32
      %dma_start3A_135 = tpu.memref_slice %arg4[%add3A_131, %dma_start3A_134] : memref<40x125xi32, #tpu.memory_space<vmem>> -> memref<1x125xi32, #tpu.memory_space<vmem>>
      %dma_start3A_136 = tpu.memref_squeeze %dma_start3A_135 : memref<1x125xi32, #tpu.memory_space<vmem>> -> memref<125xi32, #tpu.memory_space<vmem>>
      %dma_start3A_137 = arith.constant 0 : i32
      %dma_start3A_138 = tpu.memref_slice %arg6[%dma_start3A_137] : memref<10240xf32, #tpu.memory_space<vmem_shared>> -> memref<10240xf32, #tpu.memory_space<vmem_shared>>
      tpu.enqueue_indirect_dma source(%dma_start3A_133 : memref<125xf32, #tpu.memory_space<vmem>>) target(%dma_start3A_138 : memref<10240xf32, #tpu.memory_space<vmem_shared>>) offsets(%dma_start3A_136 : memref<125xi32, #tpu.memory_space<vmem>>) semaphore(%arg7 : memref<!tpu.dma_semaphore, #tpu.memory_space<semaphore_mem>>) {add = true}
      %mul3A_139 = arith.constant 8 : i32
      %mul3A_140 = arith.muli %add3A_51, %mul3A_139 : i32
      %add3A_141 = arith.constant 0 : i32
      %add3A_142 = arith.addi %mul3A_140, %add3A_141 : i32
      %dma_wait3A = arith.constant 0 : i32
      %dma_wait3A_143 = tpu.memref_slice %arg5[%dma_wait3A] : memref<640xf32, #tpu.memory_space<vmem>> -> memref<125xf32, #tpu.memory_space<vmem>>
      %dma_wait3A_144 = arith.constant 0 : i32
      %dma_wait3A_145 = tpu.memref_slice %arg4[%add3A_142, %dma_wait3A_144] : memref<40x125xi32, #tpu.memory_space<vmem>> -> memref<1x125xi32, #tpu.memory_space<vmem>>
      %dma_wait3A_146 = tpu.memref_squeeze %dma_wait3A_145 : memref<1x125xi32, #tpu.memory_space<vmem>> -> memref<125xi32, #tpu.memory_space<vmem>>
      %dma_wait3A_147 = arith.constant 0 : i32
      %dma_wait3A_148 = tpu.memref_slice %arg6[%dma_wait3A_147] : memref<10240xf32, #tpu.memory_space<vmem_shared>> -> memref<10240xf32, #tpu.memory_space<vmem_shared>>
      tpu.wait_indirect_dma semaphore(%arg7 : memref<!tpu.dma_semaphore, #tpu.memory_space<semaphore_mem>>) src(%dma_wait3A_143 : memref<125xf32, #tpu.memory_space<vmem>>) dst(%dma_wait3A_148 : memref<10240xf32, #tpu.memory_space<vmem_shared>>)
      %mul3A_149 = arith.constant 8 : i32
      %mul3A_150 = arith.muli %add3A_51, %mul3A_149 : i32
      %add3A_151 = arith.constant 1 : i32
      %add3A_152 = arith.addi %mul3A_150, %add3A_151 : i32
      %dma_wait3A_153 = arith.constant 0 : i32
      %dma_wait3A_154 = tpu.memref_slice %arg5[%dma_wait3A_153] : memref<640xf32, #tpu.memory_space<vmem>> -> memref<125xf32, #tpu.memory_space<vmem>>
      %dma_wait3A_155 = arith.constant 0 : i32
      %dma_wait3A_156 = tpu.memref_slice %arg4[%add3A_152, %dma_wait3A_155] : memref<40x125xi32, #tpu.memory_space<vmem>> -> memref<1x125xi32, #tpu.memory_space<vmem>>
      %dma_wait3A_157 = tpu.memref_squeeze %dma_wait3A_156 : memref<1x125xi32, #tpu.memory_space<vmem>> -> memref<125xi32, #tpu.memory_space<vmem>>
      %dma_wait3A_158 = arith.constant 0 : i32
      %dma_wait3A_159 = tpu.memref_slice %arg6[%dma_wait3A_158] : memref<10240xf32, #tpu.memory_space<vmem_shared>> -> memref<10240xf32, #tpu.memory_space<vmem_shared>>
      tpu.wait_indirect_dma semaphore(%arg7 : memref<!tpu.dma_semaphore, #tpu.memory_space<semaphore_mem>>) src(%dma_wait3A_154 : memref<125xf32, #tpu.memory_space<vmem>>) dst(%dma_wait3A_159 : memref<10240xf32, #tpu.memory_space<vmem_shared>>)
      %mul3A_160 = arith.constant 8 : i32
      %mul3A_161 = arith.muli %add3A_51, %mul3A_160 : i32
      %add3A_162 = arith.constant 2 : i32
      %add3A_163 = arith.addi %mul3A_161, %add3A_162 : i32
      %dma_wait3A_164 = arith.constant 0 : i32
      %dma_wait3A_165 = tpu.memref_slice %arg5[%dma_wait3A_164] : memref<640xf32, #tpu.memory_space<vmem>> -> memref<125xf32, #tpu.memory_space<vmem>>
      %dma_wait3A_166 = arith.constant 0 : i32
      %dma_wait3A_167 = tpu.memref_slice %arg4[%add3A_163, %dma_wait3A_166] : memref<40x125xi32, #tpu.memory_space<vmem>> -> memref<1x125xi32, #tpu.memory_space<vmem>>
      %dma_wait3A_168 = tpu.memref_squeeze %dma_wait3A_167 : memref<1x125xi32, #tpu.memory_space<vmem>> -> memref<125xi32, #tpu.memory_space<vmem>>
      %dma_wait3A_169 = arith.constant 0 : i32
      %dma_wait3A_170 = tpu.memref_slice %arg6[%dma_wait3A_169] : memref<10240xf32, #tpu.memory_space<vmem_shared>> -> memref<10240xf32, #tpu.memory_space<vmem_shared>>
      tpu.wait_indirect_dma semaphore(%arg7 : memref<!tpu.dma_semaphore, #tpu.memory_space<semaphore_mem>>) src(%dma_wait3A_165 : memref<125xf32, #tpu.memory_space<vmem>>) dst(%dma_wait3A_170 : memref<10240xf32, #tpu.memory_space<vmem_shared>>)
      %mul3A_171 = arith.constant 8 : i32
      %mul3A_172 = arith.muli %add3A_51, %mul3A_171 : i32
      %add3A_173 = arith.constant 3 : i32
      %add3A_174 = arith.addi %mul3A_172, %add3A_173 : i32
      %dma_wait3A_175 = arith.constant 0 : i32
      %dma_wait3A_176 = tpu.memref_slice %arg5[%dma_wait3A_175] : memref<640xf32, #tpu.memory_space<vmem>> -> memref<125xf32, #tpu.memory_space<vmem>>
      %dma_wait3A_177 = arith.constant 0 : i32
      %dma_wait3A_178 = tpu.memref_slice %arg4[%add3A_174, %dma_wait3A_177] : memref<40x125xi32, #tpu.memory_space<vmem>> -> memref<1x125xi32, #tpu.memory_space<vmem>>
      %dma_wait3A_179 = tpu.memref_squeeze %dma_wait3A_178 : memref<1x125xi32, #tpu.memory_space<vmem>> -> memref<125xi32, #tpu.memory_space<vmem>>
      %dma_wait3A_180 = arith.constant 0 : i32
      %dma_wait3A_181 = tpu.memref_slice %arg6[%dma_wait3A_180] : memref<10240xf32, #tpu.memory_space<vmem_shared>> -> memref<10240xf32, #tpu.memory_space<vmem_shared>>
      tpu.wait_indirect_dma semaphore(%arg7 : memref<!tpu.dma_semaphore, #tpu.memory_space<semaphore_mem>>) src(%dma_wait3A_176 : memref<125xf32, #tpu.memory_space<vmem>>) dst(%dma_wait3A_181 : memref<10240xf32, #tpu.memory_space<vmem_shared>>)
      %mul3A_182 = arith.constant 8 : i32
      %mul3A_183 = arith.muli %add3A_51, %mul3A_182 : i32
      %add3A_184 = arith.constant 4 : i32
      %add3A_185 = arith.addi %mul3A_183, %add3A_184 : i32
      %dma_wait3A_186 = arith.constant 0 : i32
      %dma_wait3A_187 = tpu.memref_slice %arg5[%dma_wait3A_186] : memref<640xf32, #tpu.memory_space<vmem>> -> memref<125xf32, #tpu.memory_space<vmem>>
      %dma_wait3A_188 = arith.constant 0 : i32
      %dma_wait3A_189 = tpu.memref_slice %arg4[%add3A_185, %dma_wait3A_188] : memref<40x125xi32, #tpu.memory_space<vmem>> -> memref<1x125xi32, #tpu.memory_space<vmem>>
      %dma_wait3A_190 = tpu.memref_squeeze %dma_wait3A_189 : memref<1x125xi32, #tpu.memory_space<vmem>> -> memref<125xi32, #tpu.memory_space<vmem>>
      %dma_wait3A_191 = arith.constant 0 : i32
      %dma_wait3A_192 = tpu.memref_slice %arg6[%dma_wait3A_191] : memref<10240xf32, #tpu.memory_space<vmem_shared>> -> memref<10240xf32, #tpu.memory_space<vmem_shared>>
      tpu.wait_indirect_dma semaphore(%arg7 : memref<!tpu.dma_semaphore, #tpu.memory_space<semaphore_mem>>) src(%dma_wait3A_187 : memref<125xf32, #tpu.memory_space<vmem>>) dst(%dma_wait3A_192 : memref<10240xf32, #tpu.memory_space<vmem_shared>>)
      %mul3A_193 = arith.constant 8 : i32
      %mul3A_194 = arith.muli %add3A_51, %mul3A_193 : i32
      %add3A_195 = arith.constant 5 : i32
      %add3A_196 = arith.addi %mul3A_194, %add3A_195 : i32
      %dma_wait3A_197 = arith.constant 0 : i32
      %dma_wait3A_198 = tpu.memref_slice %arg5[%dma_wait3A_197] : memref<640xf32, #tpu.memory_space<vmem>> -> memref<125xf32, #tpu.memory_space<vmem>>
      %dma_wait3A_199 = arith.constant 0 : i32
      %dma_wait3A_200 = tpu.memref_slice %arg4[%add3A_196, %dma_wait3A_199] : memref<40x125xi32, #tpu.memory_space<vmem>> -> memref<1x125xi32, #tpu.memory_space<vmem>>
      %dma_wait3A_201 = tpu.memref_squeeze %dma_wait3A_200 : memref<1x125xi32, #tpu.memory_space<vmem>> -> memref<125xi32, #tpu.memory_space<vmem>>
      %dma_wait3A_202 = arith.constant 0 : i32
      %dma_wait3A_203 = tpu.memref_slice %arg6[%dma_wait3A_202] : memref<10240xf32, #tpu.memory_space<vmem_shared>> -> memref<10240xf32, #tpu.memory_space<vmem_shared>>
      tpu.wait_indirect_dma semaphore(%arg7 : memref<!tpu.dma_semaphore, #tpu.memory_space<semaphore_mem>>) src(%dma_wait3A_198 : memref<125xf32, #tpu.memory_space<vmem>>) dst(%dma_wait3A_203 : memref<10240xf32, #tpu.memory_space<vmem_shared>>)
      %mul3A_204 = arith.constant 8 : i32
      %mul3A_205 = arith.muli %add3A_51, %mul3A_204 : i32
      %add3A_206 = arith.constant 6 : i32
      %add3A_207 = arith.addi %mul3A_205, %add3A_206 : i32
      %dma_wait3A_208 = arith.constant 0 : i32
      %dma_wait3A_209 = tpu.memref_slice %arg5[%dma_wait3A_208] : memref<640xf32, #tpu.memory_space<vmem>> -> memref<125xf32, #tpu.memory_space<vmem>>
      %dma_wait3A_210 = arith.constant 0 : i32
      %dma_wait3A_211 = tpu.memref_slice %arg4[%add3A_207, %dma_wait3A_210] : memref<40x125xi32, #tpu.memory_space<vmem>> -> memref<1x125xi32, #tpu.memory_space<vmem>>
      %dma_wait3A_212 = tpu.memref_squeeze %dma_wait3A_211 : memref<1x125xi32, #tpu.memory_space<vmem>> -> memref<125xi32, #tpu.memory_space<vmem>>
      %dma_wait3A_213 = arith.constant 0 : i32
      %dma_wait3A_214 = tpu.memref_slice %arg6[%dma_wait3A_213] : memref<10240xf32, #tpu.memory_space<vmem_shared>> -> memref<10240xf32, #tpu.memory_space<vmem_shared>>
      tpu.wait_indirect_dma semaphore(%arg7 : memref<!tpu.dma_semaphore, #tpu.memory_space<semaphore_mem>>) src(%dma_wait3A_209 : memref<125xf32, #tpu.memory_space<vmem>>) dst(%dma_wait3A_214 : memref<10240xf32, #tpu.memory_space<vmem_shared>>)
      %mul3A_215 = arith.constant 8 : i32
      %mul3A_216 = arith.muli %add3A_51, %mul3A_215 : i32
      %add3A_217 = arith.constant 7 : i32
      %add3A_218 = arith.addi %mul3A_216, %add3A_217 : i32
      %dma_wait3A_219 = arith.constant 0 : i32
      %dma_wait3A_220 = tpu.memref_slice %arg5[%dma_wait3A_219] : memref<640xf32, #tpu.memory_space<vmem>> -> memref<125xf32, #tpu.memory_space<vmem>>
      %dma_wait3A_221 = arith.constant 0 : i32
      %dma_wait3A_222 = tpu.memref_slice %arg4[%add3A_218, %dma_wait3A_221] : memref<40x125xi32, #tpu.memory_space<vmem>> -> memref<1x125xi32, #tpu.memory_space<vmem>>
      %dma_wait3A_223 = tpu.memref_squeeze %dma_wait3A_222 : memref<1x125xi32, #tpu.memory_space<vmem>> -> memref<125xi32, #tpu.memory_space<vmem>>
      %dma_wait3A_224 = arith.constant 0 : i32
      %dma_wait3A_225 = tpu.memref_slice %arg6[%dma_wait3A_224] : memref<10240xf32, #tpu.memory_space<vmem_shared>> -> memref<10240xf32, #tpu.memory_space<vmem_shared>>
      tpu.wait_indirect_dma semaphore(%arg7 : memref<!tpu.dma_semaphore, #tpu.memory_space<semaphore_mem>>) src(%dma_wait3A_220 : memref<125xf32, #tpu.memory_space<vmem>>) dst(%dma_wait3A_225 : memref<10240xf32, #tpu.memory_space<vmem_shared>>)
    }
    %scan3A_31 = arith.constant 5 : i32
    %run_scoped3A_32 = arith.constant 1 : i32
    %run_scoped3A_33 = arith.constant 1 : i32
    "tpu.region"() ({
      %run_scoped3A_47 = tpu.sem_alloc : memref<!tpu.dma_semaphore, #tpu.memory_space<semaphore_mem>>
      %dma_start3A = arith.constant 0 : i32
      %dma_start3A_48 = arith.constant 0 : i32
      %dma_start3A_49 = tpu.memref_slice %arg2[%run_scoped3A_32, %add3A, %run_scoped3A_33, %dma_start3A, %dma_start3A_48] : memref<2x32x2x40x125xi32, #tpu.memory_space<hbm>> -> memref<1x1x1x40x125xi32, #tpu.memory_space<hbm>>
      %dma_start3A_50 = tpu.memref_squeeze %dma_start3A_49 : memref<1x1x1x40x125xi32, #tpu.memory_space<hbm>> -> memref<40x125xi32, #tpu.memory_space<hbm>>
      %dma_start3A_51 = arith.constant 0 : i32
      %dma_start3A_52 = arith.constant 0 : i32
      %dma_start3A_53 = tpu.memref_slice %arg2[%run_scoped3A_32, %add3A, %run_scoped3A_33, %dma_start3A_51, %dma_start3A_52] : memref<2x32x2x40x125xi32, #tpu.memory_space<hbm>> -> memref<1x1x1x40x125xi32, #tpu.memory_space<hbm>>
      %dma_start3A_54 = tpu.memref_squeeze %dma_start3A_53 : memref<1x1x1x40x125xi32, #tpu.memory_space<hbm>> -> memref<40x125xi32, #tpu.memory_space<hbm>>
      tpu.enqueue_dma source(%dma_start3A_54 : memref<40x125xi32, #tpu.memory_space<hbm>>) target(%arg4 : memref<40x125xi32, #tpu.memory_space<vmem>>) target_semaphore(%run_scoped3A_47 : memref<!tpu.dma_semaphore, #tpu.memory_space<semaphore_mem>>)
      %dma_wait3A = arith.constant 0 : i32
      %dma_wait3A_55 = arith.constant 0 : i32
      %dma_wait3A_56 = tpu.memref_slice %arg2[%run_scoped3A_32, %add3A, %run_scoped3A_33, %dma_wait3A, %dma_wait3A_55] : memref<2x32x2x40x125xi32, #tpu.memory_space<hbm>> -> memref<1x1x1x40x125xi32, #tpu.memory_space<hbm>>
      %dma_wait3A_57 = tpu.memref_squeeze %dma_wait3A_56 : memref<1x1x1x40x125xi32, #tpu.memory_space<hbm>> -> memref<40x125xi32, #tpu.memory_space<hbm>>
      %dma_wait3A_58 = arith.constant 0 : i32
      %dma_wait3A_59 = arith.constant 0 : i32
      %dma_wait3A_60 = tpu.memref_slice %arg2[%run_scoped3A_32, %add3A, %run_scoped3A_33, %dma_wait3A_58, %dma_wait3A_59] : memref<2x32x2x40x125xi32, #tpu.memory_space<hbm>> -> memref<1x1x1x40x125xi32, #tpu.memory_space<hbm>>
      %dma_wait3A_61 = tpu.memref_squeeze %dma_wait3A_60 : memref<1x1x1x40x125xi32, #tpu.memory_space<hbm>> -> memref<40x125xi32, #tpu.memory_space<hbm>>
      tpu.wait_dma2 semaphore(%run_scoped3A_47 : memref<!tpu.dma_semaphore, #tpu.memory_space<semaphore_mem>>) src(%dma_wait3A_61 : memref<40x125xi32, #tpu.memory_space<hbm>>) dst(%arg4 : memref<40x125xi32, #tpu.memory_space<vmem>>)
      tpu.yield
    }) : () -> ()
    %scan3A_34 = arith.constant 0 : i32
    %scan3A_35 = arith.constant 5 : i32
    %scan3A_36 = arith.addi %scan3A_34, %scan3A_35 : i32
    %scan3A_37 = arith.constant 1 : i32
    scf.for %scan3A_47 = %scan3A_34 to %scan3A_36 step %scan3A_37  : i32 {
      %mul3A_48 = arith.constant 1 : i32
      %mul3A_49 = arith.muli %scan3A_47, %mul3A_48 : i32
      %add3A_50 = arith.constant 0 : i32
      %add3A_51 = arith.addi %add3A_50, %mul3A_49 : i32
      %mul3A_52 = arith.constant 8 : i32
      %mul3A_53 = arith.muli %add3A_51, %mul3A_52 : i32
      %add3A_54 = arith.constant 0 : i32
      %add3A_55 = arith.addi %mul3A_53, %add3A_54 : i32
      %dma_start3A = arith.constant 0 : i32
      %dma_start3A_56 = tpu.memref_slice %arg5[%dma_start3A] : memref<640xf32, #tpu.memory_space<vmem>> -> memref<125xf32, #tpu.memory_space<vmem>>
      %dma_start3A_57 = arith.constant 0 : i32
      %dma_start3A_58 = tpu.memref_slice %arg4[%add3A_55, %dma_start3A_57] : memref<40x125xi32, #tpu.memory_space<vmem>> -> memref<1x125xi32, #tpu.memory_space<vmem>>
      %dma_start3A_59 = tpu.memref_squeeze %dma_start3A_58 : memref<1x125xi32, #tpu.memory_space<vmem>> -> memref<125xi32, #tpu.memory_space<vmem>>
      %dma_start3A_60 = arith.constant 0 : i32
      %dma_start3A_61 = tpu.memref_slice %arg6[%dma_start3A_60] : memref<10240xf32, #tpu.memory_space<vmem_shared>> -> memref<10240xf32, #tpu.memory_space<vmem_shared>>
      tpu.enqueue_indirect_dma source(%dma_start3A_56 : memref<125xf32, #tpu.memory_space<vmem>>) target(%dma_start3A_61 : memref<10240xf32, #tpu.memory_space<vmem_shared>>) offsets(%dma_start3A_59 : memref<125xi32, #tpu.memory_space<vmem>>) semaphore(%arg7 : memref<!tpu.dma_semaphore, #tpu.memory_space<semaphore_mem>>) {add = true}
      %mul3A_62 = arith.constant 8 : i32
      %mul3A_63 = arith.muli %add3A_51, %mul3A_62 : i32
      %add3A_64 = arith.constant 1 : i32
      %add3A_65 = arith.addi %mul3A_63, %add3A_64 : i32
      %dma_start3A_66 = arith.constant 0 : i32
      %dma_start3A_67 = tpu.memref_slice %arg5[%dma_start3A_66] : memref<640xf32, #tpu.memory_space<vmem>> -> memref<125xf32, #tpu.memory_space<vmem>>
      %dma_start3A_68 = arith.constant 0 : i32
      %dma_start3A_69 = tpu.memref_slice %arg4[%add3A_65, %dma_start3A_68] : memref<40x125xi32, #tpu.memory_space<vmem>> -> memref<1x125xi32, #tpu.memory_space<vmem>>
      %dma_start3A_70 = tpu.memref_squeeze %dma_start3A_69 : memref<1x125xi32, #tpu.memory_space<vmem>> -> memref<125xi32, #tpu.memory_space<vmem>>
      %dma_start3A_71 = arith.constant 0 : i32
      %dma_start3A_72 = tpu.memref_slice %arg6[%dma_start3A_71] : memref<10240xf32, #tpu.memory_space<vmem_shared>> -> memref<10240xf32, #tpu.memory_space<vmem_shared>>
      tpu.enqueue_indirect_dma source(%dma_start3A_67 : memref<125xf32, #tpu.memory_space<vmem>>) target(%dma_start3A_72 : memref<10240xf32, #tpu.memory_space<vmem_shared>>) offsets(%dma_start3A_70 : memref<125xi32, #tpu.memory_space<vmem>>) semaphore(%arg7 : memref<!tpu.dma_semaphore, #tpu.memory_space<semaphore_mem>>) {add = true}
      %mul3A_73 = arith.constant 8 : i32
      %mul3A_74 = arith.muli %add3A_51, %mul3A_73 : i32
      %add3A_75 = arith.constant 2 : i32
      %add3A_76 = arith.addi %mul3A_74, %add3A_75 : i32
      %dma_start3A_77 = arith.constant 0 : i32
      %dma_start3A_78 = tpu.memref_slice %arg5[%dma_start3A_77] : memref<640xf32, #tpu.memory_space<vmem>> -> memref<125xf32, #tpu.memory_space<vmem>>
      %dma_start3A_79 = arith.constant 0 : i32
      %dma_start3A_80 = tpu.memref_slice %arg4[%add3A_76, %dma_start3A_79] : memref<40x125xi32, #tpu.memory_space<vmem>> -> memref<1x125xi32, #tpu.memory_space<vmem>>
      %dma_start3A_81 = tpu.memref_squeeze %dma_start3A_80 : memref<1x125xi32, #tpu.memory_space<vmem>> -> memref<125xi32, #tpu.memory_space<vmem>>
      %dma_start3A_82 = arith.constant 0 : i32
      %dma_start3A_83 = tpu.memref_slice %arg6[%dma_start3A_82] : memref<10240xf32, #tpu.memory_space<vmem_shared>> -> memref<10240xf32, #tpu.memory_space<vmem_shared>>
      tpu.enqueue_indirect_dma source(%dma_start3A_78 : memref<125xf32, #tpu.memory_space<vmem>>) target(%dma_start3A_83 : memref<10240xf32, #tpu.memory_space<vmem_shared>>) offsets(%dma_start3A_81 : memref<125xi32, #tpu.memory_space<vmem>>) semaphore(%arg7 : memref<!tpu.dma_semaphore, #tpu.memory_space<semaphore_mem>>) {add = true}
      %mul3A_84 = arith.constant 8 : i32
      %mul3A_85 = arith.muli %add3A_51, %mul3A_84 : i32
      %add3A_86 = arith.constant 3 : i32
      %add3A_87 = arith.addi %mul3A_85, %add3A_86 : i32
      %dma_start3A_88 = arith.constant 0 : i32
      %dma_start3A_89 = tpu.memref_slice %arg5[%dma_start3A_88] : memref<640xf32, #tpu.memory_space<vmem>> -> memref<125xf32, #tpu.memory_space<vmem>>
      %dma_start3A_90 = arith.constant 0 : i32
      %dma_start3A_91 = tpu.memref_slice %arg4[%add3A_87, %dma_start3A_90] : memref<40x125xi32, #tpu.memory_space<vmem>> -> memref<1x125xi32, #tpu.memory_space<vmem>>
      %dma_start3A_92 = tpu.memref_squeeze %dma_start3A_91 : memref<1x125xi32, #tpu.memory_space<vmem>> -> memref<125xi32, #tpu.memory_space<vmem>>
      %dma_start3A_93 = arith.constant 0 : i32
      %dma_start3A_94 = tpu.memref_slice %arg6[%dma_start3A_93] : memref<10240xf32, #tpu.memory_space<vmem_shared>> -> memref<10240xf32, #tpu.memory_space<vmem_shared>>
      tpu.enqueue_indirect_dma source(%dma_start3A_89 : memref<125xf32, #tpu.memory_space<vmem>>) target(%dma_start3A_94 : memref<10240xf32, #tpu.memory_space<vmem_shared>>) offsets(%dma_start3A_92 : memref<125xi32, #tpu.memory_space<vmem>>) semaphore(%arg7 : memref<!tpu.dma_semaphore, #tpu.memory_space<semaphore_mem>>) {add = true}
      %mul3A_95 = arith.constant 8 : i32
      %mul3A_96 = arith.muli %add3A_51, %mul3A_95 : i32
      %add3A_97 = arith.constant 4 : i32
      %add3A_98 = arith.addi %mul3A_96, %add3A_97 : i32
      %dma_start3A_99 = arith.constant 0 : i32
      %dma_start3A_100 = tpu.memref_slice %arg5[%dma_start3A_99] : memref<640xf32, #tpu.memory_space<vmem>> -> memref<125xf32, #tpu.memory_space<vmem>>
      %dma_start3A_101 = arith.constant 0 : i32
      %dma_start3A_102 = tpu.memref_slice %arg4[%add3A_98, %dma_start3A_101] : memref<40x125xi32, #tpu.memory_space<vmem>> -> memref<1x125xi32, #tpu.memory_space<vmem>>
      %dma_start3A_103 = tpu.memref_squeeze %dma_start3A_102 : memref<1x125xi32, #tpu.memory_space<vmem>> -> memref<125xi32, #tpu.memory_space<vmem>>
      %dma_start3A_104 = arith.constant 0 : i32
      %dma_start3A_105 = tpu.memref_slice %arg6[%dma_start3A_104] : memref<10240xf32, #tpu.memory_space<vmem_shared>> -> memref<10240xf32, #tpu.memory_space<vmem_shared>>
      tpu.enqueue_indirect_dma source(%dma_start3A_100 : memref<125xf32, #tpu.memory_space<vmem>>) target(%dma_start3A_105 : memref<10240xf32, #tpu.memory_space<vmem_shared>>) offsets(%dma_start3A_103 : memref<125xi32, #tpu.memory_space<vmem>>) semaphore(%arg7 : memref<!tpu.dma_semaphore, #tpu.memory_space<semaphore_mem>>) {add = true}
      %mul3A_106 = arith.constant 8 : i32
      %mul3A_107 = arith.muli %add3A_51, %mul3A_106 : i32
      %add3A_108 = arith.constant 5 : i32
      %add3A_109 = arith.addi %mul3A_107, %add3A_108 : i32
      %dma_start3A_110 = arith.constant 0 : i32
      %dma_start3A_111 = tpu.memref_slice %arg5[%dma_start3A_110] : memref<640xf32, #tpu.memory_space<vmem>> -> memref<125xf32, #tpu.memory_space<vmem>>
      %dma_start3A_112 = arith.constant 0 : i32
      %dma_start3A_113 = tpu.memref_slice %arg4[%add3A_109, %dma_start3A_112] : memref<40x125xi32, #tpu.memory_space<vmem>> -> memref<1x125xi32, #tpu.memory_space<vmem>>
      %dma_start3A_114 = tpu.memref_squeeze %dma_start3A_113 : memref<1x125xi32, #tpu.memory_space<vmem>> -> memref<125xi32, #tpu.memory_space<vmem>>
      %dma_start3A_115 = arith.constant 0 : i32
      %dma_start3A_116 = tpu.memref_slice %arg6[%dma_start3A_115] : memref<10240xf32, #tpu.memory_space<vmem_shared>> -> memref<10240xf32, #tpu.memory_space<vmem_shared>>
      tpu.enqueue_indirect_dma source(%dma_start3A_111 : memref<125xf32, #tpu.memory_space<vmem>>) target(%dma_start3A_116 : memref<10240xf32, #tpu.memory_space<vmem_shared>>) offsets(%dma_start3A_114 : memref<125xi32, #tpu.memory_space<vmem>>) semaphore(%arg7 : memref<!tpu.dma_semaphore, #tpu.memory_space<semaphore_mem>>) {add = true}
      %mul3A_117 = arith.constant 8 : i32
      %mul3A_118 = arith.muli %add3A_51, %mul3A_117 : i32
      %add3A_119 = arith.constant 6 : i32
      %add3A_120 = arith.addi %mul3A_118, %add3A_119 : i32
      %dma_start3A_121 = arith.constant 0 : i32
      %dma_start3A_122 = tpu.memref_slice %arg5[%dma_start3A_121] : memref<640xf32, #tpu.memory_space<vmem>> -> memref<125xf32, #tpu.memory_space<vmem>>
      %dma_start3A_123 = arith.constant 0 : i32
      %dma_start3A_124 = tpu.memref_slice %arg4[%add3A_120, %dma_start3A_123] : memref<40x125xi32, #tpu.memory_space<vmem>> -> memref<1x125xi32, #tpu.memory_space<vmem>>
      %dma_start3A_125 = tpu.memref_squeeze %dma_start3A_124 : memref<1x125xi32, #tpu.memory_space<vmem>> -> memref<125xi32, #tpu.memory_space<vmem>>
      %dma_start3A_126 = arith.constant 0 : i32
      %dma_start3A_127 = tpu.memref_slice %arg6[%dma_start3A_126] : memref<10240xf32, #tpu.memory_space<vmem_shared>> -> memref<10240xf32, #tpu.memory_space<vmem_shared>>
      tpu.enqueue_indirect_dma source(%dma_start3A_122 : memref<125xf32, #tpu.memory_space<vmem>>) target(%dma_start3A_127 : memref<10240xf32, #tpu.memory_space<vmem_shared>>) offsets(%dma_start3A_125 : memref<125xi32, #tpu.memory_space<vmem>>) semaphore(%arg7 : memref<!tpu.dma_semaphore, #tpu.memory_space<semaphore_mem>>) {add = true}
      %mul3A_128 = arith.constant 8 : i32
      %mul3A_129 = arith.muli %add3A_51, %mul3A_128 : i32
      %add3A_130 = arith.constant 7 : i32
      %add3A_131 = arith.addi %mul3A_129, %add3A_130 : i32
      %dma_start3A_132 = arith.constant 0 : i32
      %dma_start3A_133 = tpu.memref_slice %arg5[%dma_start3A_132] : memref<640xf32, #tpu.memory_space<vmem>> -> memref<125xf32, #tpu.memory_space<vmem>>
      %dma_start3A_134 = arith.constant 0 : i32
      %dma_start3A_135 = tpu.memref_slice %arg4[%add3A_131, %dma_start3A_134] : memref<40x125xi32, #tpu.memory_space<vmem>> -> memref<1x125xi32, #tpu.memory_space<vmem>>
      %dma_start3A_136 = tpu.memref_squeeze %dma_start3A_135 : memref<1x125xi32, #tpu.memory_space<vmem>> -> memref<125xi32, #tpu.memory_space<vmem>>
      %dma_start3A_137 = arith.constant 0 : i32
      %dma_start3A_138 = tpu.memref_slice %arg6[%dma_start3A_137] : memref<10240xf32, #tpu.memory_space<vmem_shared>> -> memref<10240xf32, #tpu.memory_space<vmem_shared>>
      tpu.enqueue_indirect_dma source(%dma_start3A_133 : memref<125xf32, #tpu.memory_space<vmem>>) target(%dma_start3A_138 : memref<10240xf32, #tpu.memory_space<vmem_shared>>) offsets(%dma_start3A_136 : memref<125xi32, #tpu.memory_space<vmem>>) semaphore(%arg7 : memref<!tpu.dma_semaphore, #tpu.memory_space<semaphore_mem>>) {add = true}
      %mul3A_139 = arith.constant 8 : i32
      %mul3A_140 = arith.muli %add3A_51, %mul3A_139 : i32
      %add3A_141 = arith.constant 0 : i32
      %add3A_142 = arith.addi %mul3A_140, %add3A_141 : i32
      %dma_wait3A = arith.constant 0 : i32
      %dma_wait3A_143 = tpu.memref_slice %arg5[%dma_wait3A] : memref<640xf32, #tpu.memory_space<vmem>> -> memref<125xf32, #tpu.memory_space<vmem>>
      %dma_wait3A_144 = arith.constant 0 : i32
      %dma_wait3A_145 = tpu.memref_slice %arg4[%add3A_142, %dma_wait3A_144] : memref<40x125xi32, #tpu.memory_space<vmem>> -> memref<1x125xi32, #tpu.memory_space<vmem>>
      %dma_wait3A_146 = tpu.memref_squeeze %dma_wait3A_145 : memref<1x125xi32, #tpu.memory_space<vmem>> -> memref<125xi32, #tpu.memory_space<vmem>>
      %dma_wait3A_147 = arith.constant 0 : i32
      %dma_wait3A_148 = tpu.memref_slice %arg6[%dma_wait3A_147] : memref<10240xf32, #tpu.memory_space<vmem_shared>> -> memref<10240xf32, #tpu.memory_space<vmem_shared>>
      tpu.wait_indirect_dma semaphore(%arg7 : memref<!tpu.dma_semaphore, #tpu.memory_space<semaphore_mem>>) src(%dma_wait3A_143 : memref<125xf32, #tpu.memory_space<vmem>>) dst(%dma_wait3A_148 : memref<10240xf32, #tpu.memory_space<vmem_shared>>)
      %mul3A_149 = arith.constant 8 : i32
      %mul3A_150 = arith.muli %add3A_51, %mul3A_149 : i32
      %add3A_151 = arith.constant 1 : i32
      %add3A_152 = arith.addi %mul3A_150, %add3A_151 : i32
      %dma_wait3A_153 = arith.constant 0 : i32
      %dma_wait3A_154 = tpu.memref_slice %arg5[%dma_wait3A_153] : memref<640xf32, #tpu.memory_space<vmem>> -> memref<125xf32, #tpu.memory_space<vmem>>
      %dma_wait3A_155 = arith.constant 0 : i32
      %dma_wait3A_156 = tpu.memref_slice %arg4[%add3A_152, %dma_wait3A_155] : memref<40x125xi32, #tpu.memory_space<vmem>> -> memref<1x125xi32, #tpu.memory_space<vmem>>
      %dma_wait3A_157 = tpu.memref_squeeze %dma_wait3A_156 : memref<1x125xi32, #tpu.memory_space<vmem>> -> memref<125xi32, #tpu.memory_space<vmem>>
      %dma_wait3A_158 = arith.constant 0 : i32
      %dma_wait3A_159 = tpu.memref_slice %arg6[%dma_wait3A_158] : memref<10240xf32, #tpu.memory_space<vmem_shared>> -> memref<10240xf32, #tpu.memory_space<vmem_shared>>
      tpu.wait_indirect_dma semaphore(%arg7 : memref<!tpu.dma_semaphore, #tpu.memory_space<semaphore_mem>>) src(%dma_wait3A_154 : memref<125xf32, #tpu.memory_space<vmem>>) dst(%dma_wait3A_159 : memref<10240xf32, #tpu.memory_space<vmem_shared>>)
      %mul3A_160 = arith.constant 8 : i32
      %mul3A_161 = arith.muli %add3A_51, %mul3A_160 : i32
      %add3A_162 = arith.constant 2 : i32
      %add3A_163 = arith.addi %mul3A_161, %add3A_162 : i32
      %dma_wait3A_164 = arith.constant 0 : i32
      %dma_wait3A_165 = tpu.memref_slice %arg5[%dma_wait3A_164] : memref<640xf32, #tpu.memory_space<vmem>> -> memref<125xf32, #tpu.memory_space<vmem>>
      %dma_wait3A_166 = arith.constant 0 : i32
      %dma_wait3A_167 = tpu.memref_slice %arg4[%add3A_163, %dma_wait3A_166] : memref<40x125xi32, #tpu.memory_space<vmem>> -> memref<1x125xi32, #tpu.memory_space<vmem>>
      %dma_wait3A_168 = tpu.memref_squeeze %dma_wait3A_167 : memref<1x125xi32, #tpu.memory_space<vmem>> -> memref<125xi32, #tpu.memory_space<vmem>>
      %dma_wait3A_169 = arith.constant 0 : i32
      %dma_wait3A_170 = tpu.memref_slice %arg6[%dma_wait3A_169] : memref<10240xf32, #tpu.memory_space<vmem_shared>> -> memref<10240xf32, #tpu.memory_space<vmem_shared>>
      tpu.wait_indirect_dma semaphore(%arg7 : memref<!tpu.dma_semaphore, #tpu.memory_space<semaphore_mem>>) src(%dma_wait3A_165 : memref<125xf32, #tpu.memory_space<vmem>>) dst(%dma_wait3A_170 : memref<10240xf32, #tpu.memory_space<vmem_shared>>)
      %mul3A_171 = arith.constant 8 : i32
      %mul3A_172 = arith.muli %add3A_51, %mul3A_171 : i32
      %add3A_173 = arith.constant 3 : i32
      %add3A_174 = arith.addi %mul3A_172, %add3A_173 : i32
      %dma_wait3A_175 = arith.constant 0 : i32
      %dma_wait3A_176 = tpu.memref_slice %arg5[%dma_wait3A_175] : memref<640xf32, #tpu.memory_space<vmem>> -> memref<125xf32, #tpu.memory_space<vmem>>
      %dma_wait3A_177 = arith.constant 0 : i32
      %dma_wait3A_178 = tpu.memref_slice %arg4[%add3A_174, %dma_wait3A_177] : memref<40x125xi32, #tpu.memory_space<vmem>> -> memref<1x125xi32, #tpu.memory_space<vmem>>
      %dma_wait3A_179 = tpu.memref_squeeze %dma_wait3A_178 : memref<1x125xi32, #tpu.memory_space<vmem>> -> memref<125xi32, #tpu.memory_space<vmem>>
      %dma_wait3A_180 = arith.constant 0 : i32
      %dma_wait3A_181 = tpu.memref_slice %arg6[%dma_wait3A_180] : memref<10240xf32, #tpu.memory_space<vmem_shared>> -> memref<10240xf32, #tpu.memory_space<vmem_shared>>
      tpu.wait_indirect_dma semaphore(%arg7 : memref<!tpu.dma_semaphore, #tpu.memory_space<semaphore_mem>>) src(%dma_wait3A_176 : memref<125xf32, #tpu.memory_space<vmem>>) dst(%dma_wait3A_181 : memref<10240xf32, #tpu.memory_space<vmem_shared>>)
      %mul3A_182 = arith.constant 8 : i32
      %mul3A_183 = arith.muli %add3A_51, %mul3A_182 : i32
      %add3A_184 = arith.constant 4 : i32
      %add3A_185 = arith.addi %mul3A_183, %add3A_184 : i32
      %dma_wait3A_186 = arith.constant 0 : i32
      %dma_wait3A_187 = tpu.memref_slice %arg5[%dma_wait3A_186] : memref<640xf32, #tpu.memory_space<vmem>> -> memref<125xf32, #tpu.memory_space<vmem>>
      %dma_wait3A_188 = arith.constant 0 : i32
      %dma_wait3A_189 = tpu.memref_slice %arg4[%add3A_185, %dma_wait3A_188] : memref<40x125xi32, #tpu.memory_space<vmem>> -> memref<1x125xi32, #tpu.memory_space<vmem>>
      %dma_wait3A_190 = tpu.memref_squeeze %dma_wait3A_189 : memref<1x125xi32, #tpu.memory_space<vmem>> -> memref<125xi32, #tpu.memory_space<vmem>>
      %dma_wait3A_191 = arith.constant 0 : i32
      %dma_wait3A_192 = tpu.memref_slice %arg6[%dma_wait3A_191] : memref<10240xf32, #tpu.memory_space<vmem_shared>> -> memref<10240xf32, #tpu.memory_space<vmem_shared>>
      tpu.wait_indirect_dma semaphore(%arg7 : memref<!tpu.dma_semaphore, #tpu.memory_space<semaphore_mem>>) src(%dma_wait3A_187 : memref<125xf32, #tpu.memory_space<vmem>>) dst(%dma_wait3A_192 : memref<10240xf32, #tpu.memory_space<vmem_shared>>)
      %mul3A_193 = arith.constant 8 : i32
      %mul3A_194 = arith.muli %add3A_51, %mul3A_193 : i32
      %add3A_195 = arith.constant 5 : i32
      %add3A_196 = arith.addi %mul3A_194, %add3A_195 : i32
      %dma_wait3A_197 = arith.constant 0 : i32
      %dma_wait3A_198 = tpu.memref_slice %arg5[%dma_wait3A_197] : memref<640xf32, #tpu.memory_space<vmem>> -> memref<125xf32, #tpu.memory_space<vmem>>
      %dma_wait3A_199 = arith.constant 0 : i32
      %dma_wait3A_200 = tpu.memref_slice %arg4[%add3A_196, %dma_wait3A_199] : memref<40x125xi32, #tpu.memory_space<vmem>> -> memref<1x125xi32, #tpu.memory_space<vmem>>
      %dma_wait3A_201 = tpu.memref_squeeze %dma_wait3A_200 : memref<1x125xi32, #tpu.memory_space<vmem>> -> memref<125xi32, #tpu.memory_space<vmem>>
      %dma_wait3A_202 = arith.constant 0 : i32
      %dma_wait3A_203 = tpu.memref_slice %arg6[%dma_wait3A_202] : memref<10240xf32, #tpu.memory_space<vmem_shared>> -> memref<10240xf32, #tpu.memory_space<vmem_shared>>
      tpu.wait_indirect_dma semaphore(%arg7 : memref<!tpu.dma_semaphore, #tpu.memory_space<semaphore_mem>>) src(%dma_wait3A_198 : memref<125xf32, #tpu.memory_space<vmem>>) dst(%dma_wait3A_203 : memref<10240xf32, #tpu.memory_space<vmem_shared>>)
      %mul3A_204 = arith.constant 8 : i32
      %mul3A_205 = arith.muli %add3A_51, %mul3A_204 : i32
      %add3A_206 = arith.constant 6 : i32
      %add3A_207 = arith.addi %mul3A_205, %add3A_206 : i32
      %dma_wait3A_208 = arith.constant 0 : i32
      %dma_wait3A_209 = tpu.memref_slice %arg5[%dma_wait3A_208] : memref<640xf32, #tpu.memory_space<vmem>> -> memref<125xf32, #tpu.memory_space<vmem>>
      %dma_wait3A_210 = arith.constant 0 : i32
      %dma_wait3A_211 = tpu.memref_slice %arg4[%add3A_207, %dma_wait3A_210] : memref<40x125xi32, #tpu.memory_space<vmem>> -> memref<1x125xi32, #tpu.memory_space<vmem>>
      %dma_wait3A_212 = tpu.memref_squeeze %dma_wait3A_211 : memref<1x125xi32, #tpu.memory_space<vmem>> -> memref<125xi32, #tpu.memory_space<vmem>>
      %dma_wait3A_213 = arith.constant 0 : i32
      %dma_wait3A_214 = tpu.memref_slice %arg6[%dma_wait3A_213] : memref<10240xf32, #tpu.memory_space<vmem_shared>> -> memref<10240xf32, #tpu.memory_space<vmem_shared>>
      tpu.wait_indirect_dma semaphore(%arg7 : memref<!tpu.dma_semaphore, #tpu.memory_space<semaphore_mem>>) src(%dma_wait3A_209 : memref<125xf32, #tpu.memory_space<vmem>>) dst(%dma_wait3A_214 : memref<10240xf32, #tpu.memory_space<vmem_shared>>)
      %mul3A_215 = arith.constant 8 : i32
      %mul3A_216 = arith.muli %add3A_51, %mul3A_215 : i32
      %add3A_217 = arith.constant 7 : i32
      %add3A_218 = arith.addi %mul3A_216, %add3A_217 : i32
      %dma_wait3A_219 = arith.constant 0 : i32
      %dma_wait3A_220 = tpu.memref_slice %arg5[%dma_wait3A_219] : memref<640xf32, #tpu.memory_space<vmem>> -> memref<125xf32, #tpu.memory_space<vmem>>
      %dma_wait3A_221 = arith.constant 0 : i32
      %dma_wait3A_222 = tpu.memref_slice %arg4[%add3A_218, %dma_wait3A_221] : memref<40x125xi32, #tpu.memory_space<vmem>> -> memref<1x125xi32, #tpu.memory_space<vmem>>
      %dma_wait3A_223 = tpu.memref_squeeze %dma_wait3A_222 : memref<1x125xi32, #tpu.memory_space<vmem>> -> memref<125xi32, #tpu.memory_space<vmem>>
      %dma_wait3A_224 = arith.constant 0 : i32
      %dma_wait3A_225 = tpu.memref_slice %arg6[%dma_wait3A_224] : memref<10240xf32, #tpu.memory_space<vmem_shared>> -> memref<10240xf32, #tpu.memory_space<vmem_shared>>
      tpu.wait_indirect_dma semaphore(%arg7 : memref<!tpu.dma_semaphore, #tpu.memory_space<semaphore_mem>>) src(%dma_wait3A_220 : memref<125xf32, #tpu.memory_space<vmem>>) dst(%dma_wait3A_225 : memref<10240xf32, #tpu.memory_space<vmem_shared>>)
    }
    %scan3A_38 = arith.constant 5 : i32
    %barrier3A_39 = arith.constant 0 : index
    tpu.barrier barrier_id(%barrier3A_39)
    %mul3A_40 = arith.constant 640 : i32
    %mul3A_41 = arith.muli %arg1, %mul3A_40 : i32
    "tpu.region"() ({
      %run_scoped3A_47 = tpu.sem_alloc : memref<!tpu.dma_semaphore, #tpu.memory_space<semaphore_mem>>
      %dma_start3A = tpu.memref_slice %arg6[%mul3A_41] : memref<10240xf32, #tpu.memory_space<vmem_shared>> -> memref<640xf32, #tpu.memory_space<vmem_shared>>
      %dma_start3A_48 = tpu.memref_slice %arg6[%mul3A_41] : memref<10240xf32, #tpu.memory_space<vmem_shared>> -> memref<640xf32, #tpu.memory_space<vmem_shared>>
      tpu.enqueue_dma source(%dma_start3A_48 : memref<640xf32, #tpu.memory_space<vmem_shared>>) target(%arg5 : memref<640xf32, #tpu.memory_space<vmem>>) target_semaphore(%run_scoped3A_47 : memref<!tpu.dma_semaphore, #tpu.memory_space<semaphore_mem>>)
      %dma_wait3A = tpu.memref_slice %arg6[%mul3A_41] : memref<10240xf32, #tpu.memory_space<vmem_shared>> -> memref<640xf32, #tpu.memory_space<vmem_shared>>
      %dma_wait3A_49 = tpu.memref_slice %arg6[%mul3A_41] : memref<10240xf32, #tpu.memory_space<vmem_shared>> -> memref<640xf32, #tpu.memory_space<vmem_shared>>
      tpu.wait_dma2 semaphore(%run_scoped3A_47 : memref<!tpu.dma_semaphore, #tpu.memory_space<semaphore_mem>>) src(%dma_wait3A_49 : memref<640xf32, #tpu.memory_space<vmem_shared>>) dst(%arg5 : memref<640xf32, #tpu.memory_space<vmem>>)
      tpu.yield
    }) : () -> ()
    %mul3A_42 = arith.constant 10240 : i32
    %mul3A_43 = arith.muli %arg0, %mul3A_42 : i32
    %mul3A_44 = arith.constant 640 : i32
    %mul3A_45 = arith.muli %arg1, %mul3A_44 : i32
    %add3A_46 = arith.addi %mul3A_43, %mul3A_45 : i32
    "tpu.region"() ({
      %run_scoped3A_47 = tpu.sem_alloc : memref<!tpu.dma_semaphore, #tpu.memory_space<semaphore_mem>>
      %dma_start3A = tpu.memref_slice %arg3[%add3A_46] : memref<20480xf32, #tpu.memory_space<hbm>> -> memref<640xf32, #tpu.memory_space<hbm>>
      %dma_start3A_48 = tpu.memref_slice %arg3[%add3A_46] : memref<20480xf32, #tpu.memory_space<hbm>> -> memref<640xf32, #tpu.memory_space<hbm>>
      tpu.enqueue_dma source(%arg5 : memref<640xf32, #tpu.memory_space<vmem>>) target(%dma_start3A_48 : memref<640xf32, #tpu.memory_space<hbm>>) target_semaphore(%run_scoped3A_47 : memref<!tpu.dma_semaphore, #tpu.memory_space<semaphore_mem>>)
      %dma_wait3A = tpu.memref_slice %arg3[%add3A_46] : memref<20480xf32, #tpu.memory_space<hbm>> -> memref<640xf32, #tpu.memory_space<hbm>>
      %dma_wait3A_49 = tpu.memref_slice %arg3[%add3A_46] : memref<20480xf32, #tpu.memory_space<hbm>> -> memref<640xf32, #tpu.memory_space<hbm>>
      tpu.wait_dma2 semaphore(%run_scoped3A_47 : memref<!tpu.dma_semaphore, #tpu.memory_space<semaphore_mem>>) src(%arg5 : memref<640xf32, #tpu.memory_space<vmem>>) dst(%dma_wait3A_49 : memref<640xf32, #tpu.memory_space<hbm>>)
      tpu.yield
    }) : () -> ()
    return
  }
}

module attributes {stable_mosaic.version = 14 : i64} {
  func.func @_scale_body(%arg0: i32, %arg1: memref<2000x1xf32, #tpu.memory_space<vmem>>, %arg2: memref<2000x1xf32, #tpu.memory_space<vmem>>, %arg3: memref<2000x128xf32, #tpu.memory_space<vmem>>, %arg4: memref<2000x128xf32, #tpu.memory_space<vmem>>, %arg5: memref<2000x1xf32, #tpu.memory_space<vmem>>) attributes {dimension_semantics = [#tpu.dimension_semantics<arbitrary>], iteration_bounds = array<i64: 5>, scalar_prefetch = 0 : i64, scratch_operands = 0 : i64, tpu.core_type = #tpu.core_type<tc>, window_params = [{transform_indices = @transform_0, window_bounds = array<i64: 2000, 1>}, {transform_indices = @transform_1, window_bounds = array<i64: 2000, 1>}, {transform_indices = @transform_2, window_bounds = array<i64: 2000, 128>}, {transform_indices = @transform_3, window_bounds = array<i64: 2000, 128>}, {transform_indices = @transform_4, window_bounds = array<i64: 2000, 1>}]} {
    %get3A = arith.constant 0 : index
    %get3A_0 = arith.constant 0 : index
    %get3A_1 = vector.load %arg1[%get3A, %get3A_0] : memref<2000x1xf32, #tpu.memory_space<vmem>>, vector<2000x1xf32>
    %get3A_2 = arith.constant 0 : index
    %get3A_3 = arith.constant 0 : index
    %get3A_4 = vector.load %arg2[%get3A_2, %get3A_3] : memref<2000x1xf32, #tpu.memory_space<vmem>>, vector<2000x1xf32>
    %add3A = arith.addf %get3A_1, %get3A_4 : vector<2000x1xf32>
    %mul3A = arith.constant 5.000000e-01 : f32
    %mul3A_5 = vector.broadcast %mul3A : f32 to vector<2000x1xf32>
    %mul3A_6 = arith.mulf %add3A, %mul3A_5 : vector<2000x1xf32>
    %add3A_7 = arith.constant 1.000000e+00 : f32
    %add3A_8 = vector.broadcast %add3A_7 : f32 to vector<2000x1xf32>
    %add3A_9 = arith.addf %mul3A_6, %add3A_8 : vector<2000x1xf32>
    %max3A = arith.constant 9.99999996E-13 : f32
    %max3A_10 = vector.broadcast %max3A : f32 to vector<2000x1xf32>
    %max3A_11 = arith.maximumf %add3A_9, %max3A_10 : vector<2000x1xf32>
    %rsqrt3A = math.rsqrt %max3A_11 : vector<2000x1xf32>
    %swap3A = arith.constant 0 : index
    %swap3A_12 = arith.constant 0 : index
    %swap3A_13 = vector.load %arg5[%swap3A, %swap3A_12] : memref<2000x1xf32, #tpu.memory_space<vmem>>, vector<2000x1xf32>
    tpu.vector_store %arg5[%swap3A, %swap3A_12], %rsqrt3A {strides = array<i32>} : memref<2000x1xf32, #tpu.memory_space<vmem>>, vector<2000x1xf32>,
    %get3A_14 = arith.constant 0 : index
    %get3A_15 = arith.constant 0 : index
    %get3A_16 = vector.load %arg3[%get3A_14, %get3A_15] : memref<2000x128xf32, #tpu.memory_space<vmem>>, vector<2000x128xf32>
    %mul3A_17 = vector.broadcast %rsqrt3A : vector<2000x1xf32> to vector<2000x128xf32>
    %mul3A_18 = arith.mulf %get3A_16, %mul3A_17 : vector<2000x128xf32>
    %swap3A_19 = arith.constant 0 : index
    %swap3A_20 = arith.constant 0 : index
    %swap3A_21 = vector.load %arg4[%swap3A_19, %swap3A_20] : memref<2000x128xf32, #tpu.memory_space<vmem>>, vector<2000x128xf32>
    tpu.vector_store %arg4[%swap3A_19, %swap3A_20], %mul3A_18 {strides = array<i32>} : memref<2000x128xf32, #tpu.memory_space<vmem>>, vector<2000x128xf32>,
    return
  }
  func.func @transform_0(%arg0: i32) -> (i32, i32) {
    %c0_i32 = arith.constant 0 : i32
    %c0_i32_0 = arith.constant 0 : i32
    return %arg0, %c0_i32 : i32, i32
  }
  func.func @transform_1(%arg0: i32) -> (i32, i32) {
    %c0_i32 = arith.constant 0 : i32
    %c0_i32_0 = arith.constant 0 : i32
    return %arg0, %c0_i32 : i32, i32
  }
  func.func @transform_2(%arg0: i32) -> (i32, i32) {
    %c0_i32 = arith.constant 0 : i32
    %c0_i32_0 = arith.constant 0 : i32
    return %arg0, %c0_i32 : i32, i32
  }
  func.func @transform_3(%arg0: i32) -> (i32, i32) {
    %c0_i32 = arith.constant 0 : i32
    %c0_i32_0 = arith.constant 0 : i32
    return %arg0, %c0_i32 : i32, i32
  }
  func.func @transform_4(%arg0: i32) -> (i32, i32) {
    %c0_i32 = arith.constant 0 : i32
    %c0_i32_0 = arith.constant 0 : i32
    return %arg0, %c0_i32 : i32, i32
  }
}

module attributes {stable_mosaic.version = 14 : i64} {
  func.func @_final_body(%arg0: i32, %arg1: memref<2000x1xf32, #tpu.memory_space<vmem>>, %arg2: memref<2000x128xf32, #tpu.memory_space<vmem>>, %arg3: memref<2x2000x128xf32, #tpu.memory_space<vmem>>, %arg4: memref<128x128xf32, #tpu.memory_space<vmem>>, %arg5: memref<1x128xf32, #tpu.memory_space<vmem>>, %arg6: memref<2000x128xf32, #tpu.memory_space<vmem>>) attributes {dimension_semantics = [#tpu.dimension_semantics<arbitrary>], iteration_bounds = array<i64: 5>, scalar_prefetch = 0 : i64, scratch_operands = 0 : i64, tpu.core_type = #tpu.core_type<tc>, window_params = [{transform_indices = @transform_0, window_bounds = array<i64: 2000, 1>}, {transform_indices = @transform_1, window_bounds = array<i64: 2000, 128>}, {transform_indices = @transform_2, window_bounds = array<i64: 2, 2000, 128>}, {pipeline_mode = #tpu.pipeline_mode<synchronous>, transform_indices = @transform_3, window_bounds = array<i64: 128, 128>}, {pipeline_mode = #tpu.pipeline_mode<synchronous>, transform_indices = @transform_4, window_bounds = array<i64: 1, 128>}, {transform_indices = @transform_5, window_bounds = array<i64: 2000, 128>}]} {
    %get3A = arith.constant 0 : index
    %get3A_0 = arith.constant 0 : index
    %get3A_1 = arith.constant 0 : index
    %get3A_2 = vector.load %arg3[%get3A, %get3A_0, %get3A_1] : memref<2x2000x128xf32, #tpu.memory_space<vmem>>, vector<1x2000x128xf32>
    %get3A_3 = vector.shape_cast %get3A_2 : vector<1x2000x128xf32> to vector<2000x128xf32>
    %get3A_4 = arith.constant 1 : index
    %get3A_5 = arith.constant 0 : index
    %get3A_6 = arith.constant 0 : index
    %get3A_7 = vector.load %arg3[%get3A_4, %get3A_5, %get3A_6] : memref<2x2000x128xf32, #tpu.memory_space<vmem>>, vector<1x2000x128xf32>
    %get3A_8 = vector.shape_cast %get3A_7 : vector<1x2000x128xf32> to vector<2000x128xf32>
    %add3A = arith.addf %get3A_3, %get3A_8 : vector<2000x128xf32>
    %get3A_9 = arith.constant 0 : index
    %get3A_10 = arith.constant 0 : index
    %get3A_11 = vector.load %arg2[%get3A_9, %get3A_10] : memref<2000x128xf32, #tpu.memory_space<vmem>>, vector<2000x128xf32>
    %add3A_12 = arith.addf %add3A, %get3A_11 : vector<2000x128xf32>
    %get3A_13 = arith.constant 0 : index
    %get3A_14 = arith.constant 0 : index
    %get3A_15 = vector.load %arg1[%get3A_13, %get3A_14] : memref<2000x1xf32, #tpu.memory_space<vmem>>, vector<2000x1xf32>
    %mul3A = vector.broadcast %get3A_15 : vector<2000x1xf32> to vector<2000x128xf32>
    %mul3A_16 = arith.mulf %add3A_12, %mul3A : vector<2000x128xf32>
    %get3A_17 = arith.constant 0 : index
    %get3A_18 = arith.constant 0 : index
    %get3A_19 = vector.load %arg4[%get3A_17, %get3A_18] : memref<128x128xf32, #tpu.memory_space<vmem>>, vector<128x128xf32>
    %dot_general3A = arith.constant dense<0.000000e+00> : vector<2000x128xf32>
    %dot_general3A_20 = tpu.matmul %mul3A_16, %get3A_19, %dot_general3A {dimension_numbers = #tpu.dot_dimension_numbers<[1], [0], [0], [1], [0, 0, 1, 1], [], []>, transpose_lhs_hint = false} : vector<2000x128xf32>, vector<128x128xf32>, vector<2000x128xf32> -> vector<2000x128xf32>
    %get3A_21 = arith.constant 0 : index
    %get3A_22 = arith.constant 0 : index
    %get3A_23 = vector.load %arg5[%get3A_21, %get3A_22] : memref<1x128xf32, #tpu.memory_space<vmem>>, vector<1x128xf32>
    %add3A_24 = vector.broadcast %get3A_23 : vector<1x128xf32> to vector<2000x128xf32>
    %add3A_25 = arith.addf %dot_general3A_20, %add3A_24 : vector<2000x128xf32>
    %max3A = arith.constant 0.000000e+00 : f32
    %max3A_26 = vector.broadcast %max3A : f32 to vector<2000x128xf32>
    %max3A_27 = arith.maximumf %add3A_25, %max3A_26 : vector<2000x128xf32>
    %swap3A = arith.constant 0 : index
    %swap3A_28 = arith.constant 0 : index
    %swap3A_29 = vector.load %arg6[%swap3A, %swap3A_28] : memref<2000x128xf32, #tpu.memory_space<vmem>>, vector<2000x128xf32>
    tpu.vector_store %arg6[%swap3A, %swap3A_28], %max3A_27 {strides = array<i32>} : memref<2000x128xf32, #tpu.memory_space<vmem>>, vector<2000x128xf32>,
    return
  }
  func.func @transform_0(%arg0: i32) -> (i32, i32) {
    %c0_i32 = arith.constant 0 : i32
    %c0_i32_0 = arith.constant 0 : i32
    return %arg0, %c0_i32 : i32, i32
  }
  func.func @transform_1(%arg0: i32) -> (i32, i32) {
    %c0_i32 = arith.constant 0 : i32
    %c0_i32_0 = arith.constant 0 : i32
    return %arg0, %c0_i32 : i32, i32
  }
  func.func @transform_2(%arg0: i32) -> (i32, i32, i32) {
    %c0_i32 = arith.constant 0 : i32
    %c0_i32_0 = arith.constant 0 : i32
    %c0_i32_1 = arith.constant 0 : i32
    return %c0_i32, %arg0, %c0_i32_0 : i32, i32, i32
  }
  func.func @transform_3(%arg0: i32) -> (i32, i32) {
    %c0_i32 = arith.constant 0 : i32
    %c0_i32_0 = arith.constant 0 : i32
    %c0_i32_1 = arith.constant 0 : i32
    return %c0_i32, %c0_i32_0 : i32, i32
  }
  func.func @transform_4(%arg0: i32) -> (i32, i32) {
    %c0_i32 = arith.constant 0 : i32
    %c0_i32_0 = arith.constant 0 : i32
    %c0_i32_1 = arith.constant 0 : i32
    return %c0_i32, %c0_i32_0 : i32, i32
  }
  func.func @transform_5(%arg0: i32) -> (i32, i32) {
    %c0_i32 = arith.constant 0 : i32
    %c0_i32_0 = arith.constant 0 : i32
    return %arg0, %c0_i32 : i32, i32
  }
}

</mosaic_0001>

<sc_bundles>
// kernel: kernel.6.cloned.1.call-start
scs
__scs_entry_jumppad:
0x0: {  	(pc) =	sbr.rel $0x88, $3  }
0x1: {  	(tag) =	ssettag $0x0;
	lr =	simm.s32 $0x1  }
0x2: {  	[smem:$0x3F9D] =	sst lr;
	_ =	strace $0xD0000000  }
0x3: {  	_ = 	snop  }
0x4: {  	_ = 	snop  }
0x5: {  	_ = 	snop  }
0x6: {  	_ = 	snop  }
0x7: {  	_ = 	snop  }
__scs_overlays_trampoline_lowered:
0x8: {  	[smem:$0x3FAC] =	sst s0  }
0x9: {  	[smem:$0x3FAD] =	sst s1  }
0xa: {  	[smem:$0x3FAE] =	sst s2  }
0xb: {  	[smem:$0x3FAF] =	sst s3  }
0xc: {  	[smem:$0x3FB0] =	sst s4  }
0xd: {  	[smem:$0x3FB1] =	sst s5  }
0xe: {  	[smem:$0x3FB2] =	sst s6  }
0xf: {  	[smem:$0x3FB3] =	sst s7  }
0x10: {  	[smem:$0x3FB4] =	sst s8  }
0x11: {  	[smem:$0x3FB5] =	sst s9;
	s0 =	simm.s32 @!p0 $0x0  }
0x12: {  	s1 =	sld [smem:$0x3F9B];
	s0 =	simm.s32 @p0 $0x1  }
0x13: {  	[smem:$0x3FB6] =	sst s0;
	s0 =	simm.s32 @!p1 $0x0  }
0x14: {  	s2 =	sld [smem:$0x3F9A];
	s0 =	simm.s32 @p1 $0x1  }
0x15: {  	[smem:$0x3FB7] =	sst s0;
	s0 =	simm.s32 @!p2 $0x0  }
0x16: {  	s3 =	sld [smem:$0x3FDB];
	s0 =	simm.s32 @p2 $0x1  }
0x17: {  	s4 =	simm.s32 $0x1BF5;
	[smem:$0x3FB9] =	sst s0  }
0x18: {  	s0 =	sld [smem:$0x3F9C];
	_ =	swait.ge [sflag:s4], $0x0  }
0x19: {  	s7 =	sld [smem:$0x3F9D]  }
0x1a: {  	s8 =	sadd.s32 $0xFFFFE003, lr  }
0x1b: {  	s9 =	sadd.s32 $0xFFFFFEF7, lr;
	s5 =	simm.s32 $0xFFFFFFFF;
	p2 =	slt.u32 s8, $0xFFFFF086  }
0x1c: {  	p1 =	slt.u32 s9, $0xF7A;
	s5 =	simm.s32 @!p2 $0x0  }
0x1d: {  	s5 =	simm.s32 @p1 $0x1;
	p0 =	seq.s32 s7, s2  }
0x1e: {  	s7 =	smul.u32 @!p0 $0xF7A, s2;
	p2 =	seq.s32 @!p0 s5, $0x0  }
0x1f: {  	s9 =	smul.u32 $0xF7A, s1;
	s8 =	simm.s32 @!p0 $0x1BF5;
	p2 =	por !p2, p0  }
0x20: {  	[sflag:s8] =	ssyncset.s32 @!p0 $0xFFFFF086;
	s6 =	sadd.s32 @!p0 s3, s7;
	s7 =	simm.s32 @!p0 $0x108  }
0x21: {  	s3 =	sadd.s32 s3, s9;
	s6 =	sadd.s32 @!p0 $0x88, s6;
	s7 =	simm.s32 @p2 $0x1082  }
0x22: {  	[simem:s7], [sflag:s8] =	dma.local @!p0 [hbm:s6], $0xF7A  }
0x23: {  	s9 =	sor.u32 $0xD0000000, s2;
	s6 =	simm.s32 $0x108;
	_ =	swait.ge @!p0 [sflag:s8], $0x0  }
0x24: {  	s3 =	sadd.s32 $0x88, s3;
	s6 =	simm.s32 @!p1 $0x1082;
	[sflag:s4] =	ssyncset.s32 $0xFFFFF086  }
0x25: {  	[simem:s6], [sflag:s4] =	dma.local [hbm:s3], $0xF7A  }
0x26: {  	[smem:$0x3F9D] =	sst s1;
	(tag) =	ssettag s2;
	_ =	strace s9  }
0x27: {  	s1 =	sld [smem:$0x3FAD]  }
0x28: {  	s2 =	sld [smem:$0x3FAE]  }
0x29: {  	s4 =	sld [smem:$0x3FB0]  }
0x2a: {  	p0 =	seq.s32 s5, $0x0;
	s5 =	sld [smem:$0x3FB1]  }
0x2b: {  	s6 =	sld [smem:$0x3FB2]  }
0x2c: {  	s7 =	sld [smem:$0x3FB3]  }
0x2d: {  	s3 =	simm.s32 $0x108;
	s8 =	sld [smem:$0x3FB4]  }
0x2e: {  	s3 =	simm.s32 @!p0 $0x1082;
	s9 =	sld [smem:$0x3FB5]  }
0x2f: {  	lr =	sadd.s32 s0, s3;
	s0 =	sld [smem:$0x3FAC]  }
0x30: {  	s3 =	sld [smem:$0x3FAF]  }
0x31: {  	[smem:$0x3FB8] =	sst s10  }
0x32: {  	s10 =	sld [smem:$0x3FB6];
	_ =	sdelay $0x3  }
0x33: {  	p0 =	seq.s32 s10, $0x1;
	s10 =	sld [smem:$0x3FB8];
	_ =	sdelay $0x3  }
0x34: {  	[smem:$0x3FB8] =	sst s10  }
0x35: {  	s10 =	sld [smem:$0x3FB7];
	_ =	sdelay $0x3  }
0x36: {  	p1 =	seq.s32 s10, $0x1;
	s10 =	sld [smem:$0x3FB8];
	_ =	sdelay $0x3  }
0x37: {  	[smem:$0x3FB8] =	sst s10  }
0x38: {  	s10 =	sld [smem:$0x3FB9]  }
0x39: {  	_ = 	snop;
	(pc) =	sbr.ind lr, $3  }
0x3a: {  	_ = 	snop  }
0x3b: {  	_ = 	snop  }
0x3c: {  	p2 =	seq.s32 s10, $0x1;
	s10 =	sld [smem:$0x3FB8]  }
0x3d: {  	_ =	shalt  }
0x3e: {  	_ =	shalt  }
0x3f: {  	_ =	shalt  }
0x40: {  	_ =	shalt  }
0x41: {  	_ =	shalt  }
0x42: {  	_ =	shalt  }
0x43: {  	_ =	shalt  }
0x44: {  	_ =	shalt  }
0x45: {  	_ =	shalt  }
0x46: {  	_ =	shalt  }
0x47: {  	_ =	shalt  }
0x48: {  	_ =	shalt  }
0x49: {  	_ =	shalt  }
0x4a: {  	_ =	shalt  }
0x4b: {  	_ =	shalt  }
0x4c: {  	_ =	shalt  }
0x4d: {  	_ =	shalt  }
0x4e: {  	_ =	shalt  }
0x4f: {  	_ =	shalt  }
0x50: {  	_ =	shalt  }
0x51: {  	_ =	shalt  }
0x52: {  	_ =	shalt  }
0x53: {  	_ =	shalt  }
0x54: {  	_ =	shalt  }
0x55: {  	_ =	shalt  }
0x56: {  	_ =	shalt  }
0x57: {  	_ =	shalt  }
0x58: {  	_ =	shalt  }
0x59: {  	_ =	shalt  }
0x5a: {  	_ =	shalt  }
0x5b: {  	_ =	shalt  }
0x5c: {  	_ =	shalt  }
0x5d: {  	_ =	shalt  }
0x5e: {  	_ =	shalt  }
0x5f: {  	_ =	shalt  }
0x60: {  	_ =	shalt  }
0x61: {  	_ =	shalt  }
0x62: {  	_ =	shalt  }
0x63: {  	_ =	shalt  }
0x64: {  	_ =	shalt  }
0x65: {  	_ =	shalt  }
0x66: {  	_ =	shalt  }
0x67: {  	_ =	shalt  }
0x68: {  	_ =	shalt  }
0x69: {  	_ =	shalt  }
0x6a: {  	_ =	shalt  }
0x6b: {  	_ =	shalt  }
0x6c: {  	_ =	shalt  }
0x6d: {  	_ =	shalt  }
0x6e: {  	_ =	shalt  }
0x6f: {  	_ =	shalt  }
0x70: {  	_ =	shalt  }
0x71: {  	_ =	shalt  }
0x72: {  	_ =	shalt  }
0x73: {  	_ =	shalt  }
0x74: {  	_ =	shalt  }
0x75: {  	_ =	shalt  }
0x76: {  	_ =	shalt  }
0x77: {  	_ =	shalt  }
0x78: {  	_ =	shalt  }
0x79: {  	_ =	shalt  }
0x7a: {  	_ =	shalt  }
0x7b: {  	_ =	shalt  }
0x7c: {  	_ =	shalt  }
0x7d: {  	_ =	shalt  }
0x7e: {  	_ =	shalt  }
0x7f: {  	_ =	shalt  }
0x80: {  	_ =	shalt  }
0x81: {  	_ =	shalt  }
0x82: {  	_ =	shalt  }
0x83: {  	_ =	shalt  }
0x84: {  	_ =	shalt  }
0x85: {  	_ =	shalt  }
0x86: {  	_ =	shalt  }
0x87: {  	_ =	shalt  }
.Lfunc_end0:
.L_simem_size_0:
called_computation_lowered:
.L_overlay_start_0:
0x88: {  	s2 =	sld [smem:$0x3FD9]  }
0x89: {  	s3 =	sld [smem:$0x3FFE];
	_ =	sdelay $0x1  }
0x8a: {  	s1 =	srdreg.scid  }
0x8b: {  	s0 =	sand.u32 $0x1, s1  }
0x8c: {  	s17 =	sshll.u32 s0, $0xA;
	s2 =	sadd.s32 s3, s2  }
0x8d: {  	s2 =	sadd.s32 s2, s17  }
0x8e: {  	[smem:$0x3FC4] =	sst s2  }
0x8f: {  	_ = 	snop  }
0x90: {  	s2 =	sld [smem:$0x3FD0];
	(tm) =	ssettm $0x1  }
0x91: {  	s18 =	sld [smem:$0x3FFB];
	_ =	sdelay $0x3  }
0x92: {  	_ =	strace s18  }
0x93: {  	s3 =	sld [smem:$0x3FFC];
	_ =	sdelay $0x3  }
0x94: {  	_ =	strace s3  }
0x95: {  	s3 =	sld [smem:$0x3FFD];
	_ =	sdelay $0x3  }
0x96: {  	_ =	strace s3  }
0x97: {  	_ =	strace $0x8FFFFFFF  }
0x98: {  	s19 =	sld [smem:$0x3FDB];
	_ =	sdelay $0x1  }
0x99: {  	s4 =	simm.s32 $_scs_section_size  }
0x9a: {  	s5 =	simm.s32 $_size__tile_overlayer_lowered;
	s6 =	simm.s32 $_tile_overlayer_lowered  }
0x9b: {  	s22 =	simm.s32 $0x1BFF;
	s21 =	sshll.u32 s6, $0x1;
	s3 =	sadd.s32 s4, s19  }
0x9c: {  	s7 =	simm.s32 $0x0;
	s20 =	sshll.u32 s5, $0x1;
	s5 =	sadd.s32 s21, s3  }
0x9d: {  	[timem:s7], [sflag:s22] =	dma.local [hbm:s5], s20  }
0x9e: {  	_ =	swait.ge [sflag:s22], s20  }
0x9f: {  	s4 =	ssub.s32 $0x0, s20;
	[sflag:s22] =	ssyncset.done $0x0  }
0xa0: {  	[sflag:s22] =	ssyncadd.s32 s4;
	_ =	sdelay $0x1  }
0xa1: {  	s23 =	simm.s32 $0x1B8B  }
0xa2: {  	_ =	swait.ge [sflag:s23], $0x1  }
0xa3: {  	[sflag:s23] =	ssyncset.done $0x0  }
0xa4: {  	s25 =	simm.s32 $0x1B8E;
	s24 =	sld [smem:$0x3FFE];
	[sflag:s23] =	ssyncadd.s32 $0xFFFFFFFF  }
0xa5: {  	s26 =	simm.s32 $execute0_lowered;
	[smem:$0x3FD2] =	sst s25  }
0xa6: {  	s5 =	sshll.u32 s26, $0x1;
	_ =	strace $0x80000046;
	[dreg:$0x1] =	wrdreg $0xFFFFFFFF  }
0xa7: {  	s28 =	simm.s32 $_size_execute0_lowered;
	s3 =	sadd.s32 s3, s5;
	[dreg:$0x0] =	wrdreg $0x0  }
0xa8: {  	s5 =	sshll.u32 s28, $0x1;
	[dreg:$0x2] =	wrdreg s3  }
0xa9: {  	[dreg:$0x3] =	wrdreg s5  }
0xaa: {  	[dreg:$0x4] =	wrdreg $0xC0  }
0xab: {  	_ =	task [dreg:s7], $0x5FFFF  }
0xac: {  	[dreg:$0x1] =	wrdreg $0xFFFFFFFF  }
0xad: {  	[dreg:$0x0] =	wrdreg $0x60  }
0xae: {  	[dreg:$0x2] =	wrdreg s24  }
0xaf: {  	[dreg:$0x3] =	wrdreg s2  }
0xb0: {  	[dreg:$0x4] =	wrdreg $0x16800  }
0xb1: {  	[dreg:$0x5] =	wrdreg $0x9  }
0xb2: {  	_ =	task.clear_ibuf [dreg:s7], $0x6FFFF;
	_ =	strace $0x90000046  }
0xb3: {  	s29 =	simm.s32 $0x9;
	_ =	strace $0x80000048  }
0xb4: {  	_ =	swait.ge [sflag:s29], $0x1  }
0xb5: {  	[sflag:s29] =	ssyncadd.s32 $0xFFFFFFFF  }
0xb6: {  	_ =	strace $0x90000048  }
0xb7: {  	_ =	sfence  }
0xb8: {  	s30 =	sld [smem:$0x0];
	_ =	sdelay $0x2  }
0xb9: {  	s31 =	sshll.u32 s1, $0xD;
	s1 =	sshrl.u32 s1, $0x2  }
0xba: {  	s3 =	sand.u32 $0x4000, s31;
	s1 =	sadd.s32 s1, s30  }
0xbb: {  	s0 =	sor.u32 s3, s0;
	s1 =	sshll.u32 s1, $0x11  }
0xbc: {  	s0 =	sor.u32 s1, s0  }
0xbd: {  	s0 =	sadd.s32 $0x8F2B, s0  }
0xbe: {  	[sflag:s0] =	ssyncadd.remote.s32 $0x1  }
0xbf: {  	_ =	sfence.sel $0xFFFF  }
0xc0: {  	[dreg:$0x0] =	wrdreg $0xFFFFFFFF;
	(pc) =	sbr.abs _section_cstart, $3  }
0xc1: {  	[dreg:$0x1] =	wrdreg $0xFFFFFFFF  }
0xc2: {  	_ =	task.clear_ibuf [dreg:s7], $0x2FFFF;
	_ =	strace $0x9FFFFFFF  }
0xc3: {  	(tm) =	ssettm $0x7FFFFFFF  }
tec
execute0_lowered:
.L_overlay_start_1:
0x0: {  	(tag) =	ssettag $0x1  }
0x1: {  	s1 =	rddreg [dreg:$0x0]  }
0x2: {  	s0 =	srdreg.scid;
	s4 =	rddreg [dreg:$0x1]  }
0x3: {  	s6 =	stileid.u32;
	s2 =	rddreg [dreg:$0x2];
	s0 =	sand.u32 $0x1, s0  }
0x4: {  	s3 =	sshll.u32 s0, $0x4;
	s29 =	ssub.s32 $0x2, s0;
	s0 =	smul.u32 $0x2800, s0  }
0x5: {  	s23 =	simm.s32 $0x0;
	s5 =	sor.u32 s6, s3;
	s6 =	smul.u32 $0x280, s6  }
0x6: {  	[smem:$0x7FF] =	sst s23;
	s5 =	smul.u32 $0x2800, s5  }
0x7: {  	s16 =	simm.s32 $0x1;
	_ =	strace $0x80000047;
	s0 =	sadd.s32 s6, s0  }
0x8: {  	s6 =	sadd.s32 s6, s2;
	s5 =	sshrl.u32 s5, $0x3;
	s0 =	sshrl.u32 s0, $0x3  }
0x9: {  	[dreg:$0x9] =	wrdreg s6;
	s1 =	sadd.s32 s5, s1;
	s0 =	sadd.s32 s4, s0  }
0xa: {  	s7 =	sshrl.u32 s29, $0x1;
	s8 =	sadd.s32 $0x1600, s1;
	[dreg:$0x8] =	wrdreg s0  }
0xb: {  	s6 =	simm.s32 $0x1400;
	s30 =	sadd.s32 $0x1880, s1;
	[dreg:$0x4] =	wrdreg s8  }
0xc: {  	s5 =	ssub.s32 s29, s7;
	s31 =	sadd.s32 $0xB600, s1;
	[dreg:$0x5] =	wrdreg s30  }
0xd: {  	s7 =	simm.s32 $0x2;
	s1 =	sadd.s32 $0xB880, s1;
	[dreg:$0x6] =	wrdreg s31  }
0xe: {  	v0 =	vimm.f32 $0.0e+00;
	v1 =	vimm.f32 $1.000000000e+00;
	s5 =	smax.u32 s5, $0x1;
	[dreg:$0x7] =	wrdreg s1;
	s8 =	simm.s32 $0x7D  }
.LBB2_1:
0xf: {  	[tilespmem:$0x1400] =	vst v0  }
0x10: {  	[tilespmem:$0x1410] =	vst v0  }
0x11: {  	[tilespmem:$0x1420] =	vst v0  }
0x12: {  	[tilespmem:$0x1430] =	vst v0  }
0x13: {  	[tilespmem:$0x1440] =	vst v0  }
0x14: {  	[tilespmem:$0x1450] =	vst v0  }
0x15: {  	[tilespmem:$0x1460] =	vst v0  }
0x16: {  	[tilespmem:$0x1470] =	vst v0  }
0x17: {  	[tilespmem:$0x1480] =	vst v0  }
0x18: {  	[tilespmem:$0x1490] =	vst v0  }
0x19: {  	[tilespmem:$0x14A0] =	vst v0  }
0x1a: {  	[tilespmem:$0x14B0] =	vst v0  }
0x1b: {  	[tilespmem:$0x14C0] =	vst v0  }
0x1c: {  	[tilespmem:$0x14D0] =	vst v0  }
0x1d: {  	[tilespmem:$0x14E0] =	vst v0  }
0x1e: {  	[tilespmem:$0x14F0] =	vst v0  }
0x1f: {  	[tilespmem:$0x1500] =	vst v0  }
0x20: {  	[tilespmem:$0x1510] =	vst v0  }
0x21: {  	[tilespmem:$0x1520] =	vst v0  }
0x22: {  	[tilespmem:$0x1530] =	vst v0  }
0x23: {  	[tilespmem:$0x1540] =	vst v0  }
0x24: {  	[tilespmem:$0x1550] =	vst v0  }
0x25: {  	[tilespmem:$0x1560] =	vst v0  }
0x26: {  	[tilespmem:$0x1570] =	vst v0  }
0x27: {  	[tilespmem:$0x1580] =	vst v0  }
0x28: {  	[tilespmem:$0x1590] =	vst v0  }
0x29: {  	[tilespmem:$0x15A0] =	vst v0  }
0x2a: {  	[tilespmem:$0x15B0] =	vst v0  }
0x2b: {  	[tilespmem:$0x15C0] =	vst v0  }
0x2c: {  	[tilespmem:$0x15D0] =	vst v0  }
0x2d: {  	[tilespmem:$0x15E0] =	vst v0  }
0x2e: {  	[tilespmem:$0x15F0] =	vst v0  }
0x2f: {  	[tilespmem:$0x1600] =	vst v0  }
0x30: {  	[tilespmem:$0x1610] =	vst v0  }
0x31: {  	[tilespmem:$0x1620] =	vst v0  }
0x32: {  	[tilespmem:$0x1630] =	vst v0  }
0x33: {  	[tilespmem:$0x1640] =	vst v0  }
0x34: {  	[tilespmem:$0x1650] =	vst v0  }
0x35: {  	[tilespmem:$0x1660] =	vst v0  }
0x36: {  	[tilespmem:$0x1670] =	vst v0;
	s0 =	rddreg [dreg:$0x9]  }
0x37: {  	[spmem:s0] =	stream.linear.scatter [tilespmem:s6], [sflag:$0x2], $0x280, $0x38;
	[tilespmem:$0x1900] =	vst v63  }
0x38: {  	_ =	swait.ge [sflag:s7], $0x280  }
0x39: {  	[sflag:s7] =	ssyncset.done $0x0  }
0x3a: {  	[sflag:s7] =	ssyncadd.s32 $0xFFFFFD80  }
0x3b: {  	[bflag:$0x0] =	sbarrier.arrive $0xFFFF  }
0x3c: {  	[tilespmem:$0x1400] =	vst v1  }
0x3d: {  	[tilespmem:$0x1410] =	vst v1  }
0x3e: {  	[tilespmem:$0x1420] =	vst v1  }
0x3f: {  	[tilespmem:$0x1430] =	vst v1  }
0x40: {  	[tilespmem:$0x1440] =	vst v1  }
0x41: {  	[tilespmem:$0x1450] =	vst v1  }
0x42: {  	[tilespmem:$0x1460] =	vst v1  }
0x43: {  	[tilespmem:$0x1470] =	vst v1  }
0x44: {  	[tilespmem:$0x1480] =	vst v1  }
0x45: {  	[tilespmem:$0x1490] =	vst v1  }
0x46: {  	[tilespmem:$0x14A0] =	vst v1  }
0x47: {  	[tilespmem:$0x14B0] =	vst v1  }
0x48: {  	[tilespmem:$0x14C0] =	vst v1  }
0x49: {  	[tilespmem:$0x14D0] =	vst v1  }
0x4a: {  	[tilespmem:$0x14E0] =	vst v1  }
0x4b: {  	[tilespmem:$0x14F0] =	vst v1  }
0x4c: {  	[tilespmem:$0x1500] =	vst v1  }
0x4d: {  	[tilespmem:$0x1510] =	vst v1  }
0x4e: {  	[tilespmem:$0x1520] =	vst v1  }
0x4f: {  	[tilespmem:$0x1530] =	vst v1  }
0x50: {  	[tilespmem:$0x1540] =	vst v1  }
0x51: {  	[tilespmem:$0x1550] =	vst v1  }
0x52: {  	[tilespmem:$0x1560] =	vst v1  }
0x53: {  	[tilespmem:$0x1570] =	vst v1  }
0x54: {  	[tilespmem:$0x1580] =	vst v1  }
0x55: {  	[tilespmem:$0x1590] =	vst v1  }
0x56: {  	[tilespmem:$0x15A0] =	vst v1  }
0x57: {  	[tilespmem:$0x15B0] =	vst v1  }
0x58: {  	[tilespmem:$0x15C0] =	vst v1  }
0x59: {  	[tilespmem:$0x15D0] =	vst v1  }
0x5a: {  	[tilespmem:$0x15E0] =	vst v1  }
0x5b: {  	[tilespmem:$0x15F0] =	vst v1  }
0x5c: {  	[tilespmem:$0x1600] =	vst v1  }
0x5d: {  	[tilespmem:$0x1610] =	vst v1  }
0x5e: {  	[tilespmem:$0x1620] =	vst v1  }
0x5f: {  	[tilespmem:$0x1630] =	vst v1  }
0x60: {  	[tilespmem:$0x1640] =	vst v1  }
0x61: {  	[tilespmem:$0x1650] =	vst v1  }
0x62: {  	[tilespmem:$0x1660] =	vst v1  }
0x63: {  	s25 =	rddreg [dreg:$0x4];
	[tilespmem:$0x1670] =	vst v1  }
0x64: {  	[tilespmem:s23], [sflag:$0x2] =	stream.linear.gather [hbm4b:s25+s23], $0x1400, $0x38;
	[tilespmem:$0x1900] =	vst v63  }
0x65: {  	_ =	swait.ge [sflag:s7], $0x1400  }
0x66: {  	[sflag:s7] =	ssyncset.done $0x0  }
0x67: {  	[sflag:s7] =	ssyncadd.s32 $0xFFFFEC00  }
0x68: {  	[spmem:s2] =	stream.indirect.scatter.add.f32 [tilespmem:s6], [sflag:$0x1], $0x1, s23, s8, $0xb8;
	[tilespmem:$0x1900] =	vst v63  }
0x69: {  	s10 =	simm.s32 $0x80  }
0x6a: {  	[spmem:s2] =	stream.indirect.scatter.add.f32 [tilespmem:s6], [sflag:$0x1], $0x1, s10, s8, $0xb8;
	[tilespmem:$0x1900] =	vst v63  }
0x6b: {  	s11 =	simm.s32 $0x100  }
0x6c: {  	[spmem:s2] =	stream.indirect.scatter.add.f32 [tilespmem:s6], [sflag:$0x1], $0x1, s11, s8, $0xb8;
	[tilespmem:$0x1900] =	vst v63  }
0x6d: {  	s12 =	simm.s32 $0x180  }
0x6e: {  	[spmem:s2] =	stream.indirect.scatter.add.f32 [tilespmem:s6], [sflag:$0x1], $0x1, s12, s8, $0xb8;
	[tilespmem:$0x1900] =	vst v63  }
0x6f: {  	s13 =	simm.s32 $0x200  }
0x70: {  	[spmem:s2] =	stream.indirect.scatter.add.f32 [tilespmem:s6], [sflag:$0x1], $0x1, s13, s8, $0xb8;
	[tilespmem:$0x1900] =	vst v63  }
0x71: {  	s14 =	simm.s32 $0x280  }
0x72: {  	[spmem:s2] =	stream.indirect.scatter.add.f32 [tilespmem:s6], [sflag:$0x1], $0x1, s14, s8, $0xb8;
	[tilespmem:$0x1900] =	vst v63  }
0x73: {  	s15 =	simm.s32 $0x300  }
0x74: {  	[spmem:s2] =	stream.indirect.scatter.add.f32 [tilespmem:s6], [sflag:$0x1], $0x1, s15, s8, $0xb8;
	[tilespmem:$0x1900] =	vst v63  }
0x75: {  	s17 =	simm.s32 $0x380  }
0x76: {  	[spmem:s2] =	stream.indirect.scatter.add.f32 [tilespmem:s6], [sflag:$0x1], $0x1, s17, s8, $0xb8;
	[tilespmem:$0x1900] =	vst v63  }
0x77: {  	_ =	swait.ge [sflag:s16], $0x7D  }
0x78: {  	[sflag:s16] =	ssyncset.done $0x0  }
0x79: {  	[sflag:s16] =	ssyncadd.s32 $0xFFFFFF83  }
0x7a: {  	_ =	swait.ge [sflag:s16], $0x7D  }
0x7b: {  	[sflag:s16] =	ssyncset.done $0x0  }
0x7c: {  	[sflag:s16] =	ssyncadd.s32 $0xFFFFFF83  }
0x7d: {  	_ =	swait.ge [sflag:s16], $0x7D  }
0x7e: {  	[sflag:s16] =	ssyncset.done $0x0  }
0x7f: {  	[sflag:s16] =	ssyncadd.s32 $0xFFFFFF83  }
0x80: {  	_ =	swait.ge [sflag:s16], $0x7D  }
0x81: {  	[sflag:s16] =	ssyncset.done $0x0  }
0x82: {  	[sflag:s16] =	ssyncadd.s32 $0xFFFFFF83  }
0x83: {  	_ =	swait.ge [sflag:s16], $0x7D  }
0x84: {  	[sflag:s16] =	ssyncset.done $0x0  }
0x85: {  	[sflag:s16] =	ssyncadd.s32 $0xFFFFFF83  }
0x86: {  	_ =	swait.ge [sflag:s16], $0x7D  }
0x87: {  	[sflag:s16] =	ssyncset.done $0x0  }
0x88: {  	[sflag:s16] =	ssyncadd.s32 $0xFFFFFF83  }
0x89: {  	_ =	swait.ge [sflag:s16], $0x7D  }
0x8a: {  	[sflag:s16] =	ssyncset.done $0x0  }
0x8b: {  	[sflag:s16] =	ssyncadd.s32 $0xFFFFFF83  }
0x8c: {  	_ =	swait.ge [sflag:s16], $0x7D  }
0x8d: {  	[sflag:s16] =	ssyncset.done $0x0  }
0x8e: {  	s18 =	simm.s32 $0x400;
	[sflag:s16] =	ssyncadd.s32 $0xFFFFFF83  }
0x8f: {  	[spmem:s2] =	stream.indirect.scatter.add.f32 [tilespmem:s6], [sflag:$0x1], $0x1, s18, s8, $0xb8;
	[tilespmem:$0x1900] =	vst v63  }
0x90: {  	s19 =	simm.s32 $0x480  }
0x91: {  	[spmem:s2] =	stream.indirect.scatter.add.f32 [tilespmem:s6], [sflag:$0x1], $0x1, s19, s8, $0xb8;
	[tilespmem:$0x1900] =	vst v63  }
0x92: {  	s20 =	simm.s32 $0x500  }
0x93: {  	[spmem:s2] =	stream.indirect.scatter.add.f32 [tilespmem:s6], [sflag:$0x1], $0x1, s20, s8, $0xb8;
	[tilespmem:$0x1900] =	vst v63  }
0x94: {  	s21 =	simm.s32 $0x580  }
0x95: {  	[spmem:s2] =	stream.indirect.scatter.add.f32 [tilespmem:s6], [sflag:$0x1], $0x1, s21, s8, $0xb8;
	[tilespmem:$0x1900] =	vst v63  }
0x96: {  	s22 =	simm.s32 $0x600  }
0x97: {  	[spmem:s2] =	stream.indirect.scatter.add.f32 [tilespmem:s6], [sflag:$0x1], $0x1, s22, s8, $0xb8;
	[tilespmem:$0x1900] =	vst v63  }
0x98: {  	s24 =	simm.s32 $0x680  }
0x99: {  	[spmem:s2] =	stream.indirect.scatter.add.f32 [tilespmem:s6], [sflag:$0x1], $0x1, s24, s8, $0xb8;
	[tilespmem:$0x1900] =	vst v63  }
0x9a: {  	s25 =	simm.s32 $0x700  }
0x9b: {  	[spmem:s2] =	stream.indirect.scatter.add.f32 [tilespmem:s6], [sflag:$0x1], $0x1, s25, s8, $0xb8;
	[tilespmem:$0x1900] =	vst v63  }
0x9c: {  	s26 =	simm.s32 $0x780  }
0x9d: {  	[spmem:s2] =	stream.indirect.scatter.add.f32 [tilespmem:s6], [sflag:$0x1], $0x1, s26, s8, $0xb8;
	[tilespmem:$0x1900] =	vst v63  }
0x9e: {  	_ =	swait.ge [sflag:s16], $0x7D  }
0x9f: {  	[sflag:s16] =	ssyncset.done $0x0  }
0xa0: {  	[sflag:s16] =	ssyncadd.s32 $0xFFFFFF83  }
0xa1: {  	_ =	swait.ge [sflag:s16], $0x7D  }
0xa2: {  	[sflag:s16] =	ssyncset.done $0x0  }
0xa3: {  	[sflag:s16] =	ssyncadd.s32 $0xFFFFFF83  }
0xa4: {  	_ =	swait.ge [sflag:s16], $0x7D  }
0xa5: {  	[sflag:s16] =	ssyncset.done $0x0  }
0xa6: {  	[sflag:s16] =	ssyncadd.s32 $0xFFFFFF83  }
0xa7: {  	_ =	swait.ge [sflag:s16], $0x7D  }
0xa8: {  	[sflag:s16] =	ssyncset.done $0x0  }
0xa9: {  	[sflag:s16] =	ssyncadd.s32 $0xFFFFFF83  }
0xaa: {  	_ =	swait.ge [sflag:s16], $0x7D  }
0xab: {  	[sflag:s16] =	ssyncset.done $0x0  }
0xac: {  	[sflag:s16] =	ssyncadd.s32 $0xFFFFFF83  }
0xad: {  	_ =	swait.ge [sflag:s16], $0x7D  }
0xae: {  	[sflag:s16] =	ssyncset.done $0x0  }
0xaf: {  	[sflag:s16] =	ssyncadd.s32 $0xFFFFFF83  }
0xb0: {  	_ =	swait.ge [sflag:s16], $0x7D  }
0xb1: {  	[sflag:s16] =	ssyncset.done $0x0  }
0xb2: {  	[sflag:s16] =	ssyncadd.s32 $0xFFFFFF83  }
0xb3: {  	_ =	swait.ge [sflag:s16], $0x7D  }
0xb4: {  	[sflag:s16] =	ssyncset.done $0x0  }
0xb5: {  	s28 =	simm.s32 $0x800;
	[sflag:s16] =	ssyncadd.s32 $0xFFFFFF83  }
0xb6: {  	[spmem:s2] =	stream.indirect.scatter.add.f32 [tilespmem:s6], [sflag:$0x1], $0x1, s28, s8, $0xb8;
	[tilespmem:$0x1900] =	vst v63  }
0xb7: {  	s29 =	simm.s32 $0x880  }
0xb8: {  	[spmem:s2] =	stream.indirect.scatter.add.f32 [tilespmem:s6], [sflag:$0x1], $0x1, s29, s8, $0xb8;
	[tilespmem:$0x1900] =	vst v63  }
0xb9: {  	s30 =	simm.s32 $0x900  }
0xba: {  	[spmem:s2] =	stream.indirect.scatter.add.f32 [tilespmem:s6], [sflag:$0x1], $0x1, s30, s8, $0xb8;
	[tilespmem:$0x1900] =	vst v63  }
0xbb: {  	s31 =	simm.s32 $0x980  }
0xbc: {  	[spmem:s2] =	stream.indirect.scatter.add.f32 [tilespmem:s6], [sflag:$0x1], $0x1, s31, s8, $0xb8;
	[tilespmem:$0x1900] =	vst v63  }
0xbd: {  	s11 =	simm.s32 $0xA00  }
0xbe: {  	[spmem:s2] =	stream.indirect.scatter.add.f32 [tilespmem:s6], [sflag:$0x1], $0x1, s11, s8, $0xb8;
	[tilespmem:$0x1900] =	vst v63  }
0xbf: {  	s12 =	simm.s32 $0xA80  }
0xc0: {  	[spmem:s2] =	stream.indirect.scatter.add.f32 [tilespmem:s6], [sflag:$0x1], $0x1, s12, s8, $0xb8;
	[tilespmem:$0x1900] =	vst v63  }
0xc1: {  	s13 =	simm.s32 $0xB00  }
0xc2: {  	[spmem:s2] =	stream.indirect.scatter.add.f32 [tilespmem:s6], [sflag:$0x1], $0x1, s13, s8, $0xb8;
	[tilespmem:$0x1900] =	vst v63  }
0xc3: {  	s15 =	simm.s32 $0xB80  }
0xc4: {  	[spmem:s2] =	stream.indirect.scatter.add.f32 [tilespmem:s6], [sflag:$0x1], $0x1, s15, s8, $0xb8;
	[tilespmem:$0x1900] =	vst v63  }
0xc5: {  	_ =	swait.ge [sflag:s16], $0x7D  }
0xc6: {  	[sflag:s16] =	ssyncset.done $0x0  }
0xc7: {  	[sflag:s16] =	ssyncadd.s32 $0xFFFFFF83  }
0xc8: {  	_ =	swait.ge [sflag:s16], $0x7D  }
0xc9: {  	[sflag:s16] =	ssyncset.done $0x0  }
0xca: {  	[sflag:s16] =	ssyncadd.s32 $0xFFFFFF83  }
0xcb: {  	_ =	swait.ge [sflag:s16], $0x7D  }
0xcc: {  	[sflag:s16] =	ssyncset.done $0x0  }
0xcd: {  	[sflag:s16] =	ssyncadd.s32 $0xFFFFFF83  }
0xce: {  	_ =	swait.ge [sflag:s16], $0x7D  }
0xcf: {  	[sflag:s16] =	ssyncset.done $0x0  }
0xd0: {  	[sflag:s16] =	ssyncadd.s32 $0xFFFFFF83  }
0xd1: {  	_ =	swait.ge [sflag:s16], $0x7D  }
0xd2: {  	[sflag:s16] =	ssyncset.done $0x0  }
0xd3: {  	[sflag:s16] =	ssyncadd.s32 $0xFFFFFF83  }
0xd4: {  	_ =	swait.ge [sflag:s16], $0x7D  }
0xd5: {  	[sflag:s16] =	ssyncset.done $0x0  }
0xd6: {  	[sflag:s16] =	ssyncadd.s32 $0xFFFFFF83  }
0xd7: {  	_ =	swait.ge [sflag:s16], $0x7D  }
0xd8: {  	[sflag:s16] =	ssyncset.done $0x0  }
0xd9: {  	[sflag:s16] =	ssyncadd.s32 $0xFFFFFF83  }
0xda: {  	_ =	swait.ge [sflag:s16], $0x7D  }
0xdb: {  	[sflag:s16] =	ssyncset.done $0x0  }
0xdc: {  	s17 =	simm.s32 $0xC00;
	[sflag:s16] =	ssyncadd.s32 $0xFFFFFF83  }
0xdd: {  	[spmem:s2] =	stream.indirect.scatter.add.f32 [tilespmem:s6], [sflag:$0x1], $0x1, s17, s8, $0xb8;
	[tilespmem:$0x1900] =	vst v63  }
0xde: {  	s18 =	simm.s32 $0xC80  }
0xdf: {  	[spmem:s2] =	stream.indirect.scatter.add.f32 [tilespmem:s6], [sflag:$0x1], $0x1, s18, s8, $0xb8;
	[tilespmem:$0x1900] =	vst v63  }
0xe0: {  	s19 =	simm.s32 $0xD00  }
0xe1: {  	[spmem:s2] =	stream.indirect.scatter.add.f32 [tilespmem:s6], [sflag:$0x1], $0x1, s19, s8, $0xb8;
	[tilespmem:$0x1900] =	vst v63  }
0xe2: {  	s20 =	simm.s32 $0xD80  }
0xe3: {  	[spmem:s2] =	stream.indirect.scatter.add.f32 [tilespmem:s6], [sflag:$0x1], $0x1, s20, s8, $0xb8;
	[tilespmem:$0x1900] =	vst v63  }
0xe4: {  	s21 =	simm.s32 $0xE00  }
0xe5: {  	[spmem:s2] =	stream.indirect.scatter.add.f32 [tilespmem:s6], [sflag:$0x1], $0x1, s21, s8, $0xb8;
	[tilespmem:$0x1900] =	vst v63  }
0xe6: {  	s22 =	simm.s32 $0xE80  }
0xe7: {  	[spmem:s2] =	stream.indirect.scatter.add.f32 [tilespmem:s6], [sflag:$0x1], $0x1, s22, s8, $0xb8;
	[tilespmem:$0x1900] =	vst v63  }
0xe8: {  	s24 =	simm.s32 $0xF00  }
0xe9: {  	[spmem:s2] =	stream.indirect.scatter.add.f32 [tilespmem:s6], [sflag:$0x1], $0x1, s24, s8, $0xb8;
	[tilespmem:$0x1900] =	vst v63  }
0xea: {  	s0 =	simm.s32 $0xF80  }
0xeb: {  	[spmem:s2] =	stream.indirect.scatter.add.f32 [tilespmem:s6], [sflag:$0x1], $0x1, s0, s8, $0xb8;
	[tilespmem:$0x1900] =	vst v63  }
0xec: {  	_ =	swait.ge [sflag:s16], $0x7D  }
0xed: {  	[sflag:s16] =	ssyncset.done $0x0  }
0xee: {  	[sflag:s16] =	ssyncadd.s32 $0xFFFFFF83  }
0xef: {  	_ =	swait.ge [sflag:s16], $0x7D  }
0xf0: {  	[sflag:s16] =	ssyncset.done $0x0  }
0xf1: {  	[sflag:s16] =	ssyncadd.s32 $0xFFFFFF83  }
0xf2: {  	_ =	swait.ge [sflag:s16], $0x7D  }
0xf3: {  	[sflag:s16] =	ssyncset.done $0x0  }
0xf4: {  	[sflag:s16] =	ssyncadd.s32 $0xFFFFFF83  }
0xf5: {  	_ =	swait.ge [sflag:s16], $0x7D  }
0xf6: {  	[sflag:s16] =	ssyncset.done $0x0  }
0xf7: {  	[sflag:s16] =	ssyncadd.s32 $0xFFFFFF83  }
0xf8: {  	_ =	swait.ge [sflag:s16], $0x7D  }
0xf9: {  	[sflag:s16] =	ssyncset.done $0x0  }
0xfa: {  	[sflag:s16] =	ssyncadd.s32 $0xFFFFFF83  }
0xfb: {  	_ =	swait.ge [sflag:s16], $0x7D  }
0xfc: {  	[sflag:s16] =	ssyncset.done $0x0  }
0xfd: {  	[sflag:s16] =	ssyncadd.s32 $0xFFFFFF83  }
0xfe: {  	_ =	swait.ge [sflag:s16], $0x7D  }
0xff: {  	[sflag:s16] =	ssyncset.done $0x0  }
0x100: {  	[sflag:s16] =	ssyncadd.s32 $0xFFFFFF83  }
0x101: {  	_ =	swait.ge [sflag:s16], $0x7D  }
0x102: {  	[sflag:s16] =	ssyncset.done $0x0  }
0x103: {  	s11 =	simm.s32 $0x1000;
	[sflag:s16] =	ssyncadd.s32 $0xFFFFFF83  }
0x104: {  	[spmem:s2] =	stream.indirect.scatter.add.f32 [tilespmem:s6], [sflag:$0x1], $0x1, s11, s8, $0xb8;
	[tilespmem:$0x1900] =	vst v63  }
0x105: {  	s12 =	simm.s32 $0x1080  }
0x106: {  	[spmem:s2] =	stream.indirect.scatter.add.f32 [tilespmem:s6], [sflag:$0x1], $0x1, s12, s8, $0xb8;
	[tilespmem:$0x1900] =	vst v63  }
0x107: {  	s13 =	simm.s32 $0x1100  }
0x108: {  	[spmem:s2] =	stream.indirect.scatter.add.f32 [tilespmem:s6], [sflag:$0x1], $0x1, s13, s8, $0xb8;
	[tilespmem:$0x1900] =	vst v63  }
0x109: {  	s15 =	simm.s32 $0x1180  }
0x10a: {  	[spmem:s2] =	stream.indirect.scatter.add.f32 [tilespmem:s6], [sflag:$0x1], $0x1, s15, s8, $0xb8;
	[tilespmem:$0x1900] =	vst v63  }
0x10b: {  	s17 =	simm.s32 $0x1200  }
0x10c: {  	[spmem:s2] =	stream.indirect.scatter.add.f32 [tilespmem:s6], [sflag:$0x1], $0x1, s17, s8, $0xb8;
	[tilespmem:$0x1900] =	vst v63  }
0x10d: {  	s18 =	simm.s32 $0x1280  }
0x10e: {  	[spmem:s2] =	stream.indirect.scatter.add.f32 [tilespmem:s6], [sflag:$0x1], $0x1, s18, s8, $0xb8;
	[tilespmem:$0x1900] =	vst v63  }
0x10f: {  	s19 =	simm.s32 $0x1300  }
0x110: {  	[spmem:s2] =	stream.indirect.scatter.add.f32 [tilespmem:s6], [sflag:$0x1], $0x1, s19, s8, $0xb8;
	[tilespmem:$0x1900] =	vst v63  }
0x111: {  	s20 =	simm.s32 $0x1380  }
0x112: {  	[spmem:s2] =	stream.indirect.scatter.add.f32 [tilespmem:s6], [sflag:$0x1], $0x1, s20, s8, $0xb8;
	[tilespmem:$0x1900] =	vst v63  }
0x113: {  	_ =	swait.ge [sflag:s16], $0x7D  }
0x114: {  	[sflag:s16] =	ssyncset.done $0x0  }
0x115: {  	[sflag:s16] =	ssyncadd.s32 $0xFFFFFF83  }
0x116: {  	_ =	swait.ge [sflag:s16], $0x7D  }
0x117: {  	[sflag:s16] =	ssyncset.done $0x0  }
0x118: {  	[sflag:s16] =	ssyncadd.s32 $0xFFFFFF83  }
0x119: {  	_ =	swait.ge [sflag:s16], $0x7D  }
0x11a: {  	[sflag:s16] =	ssyncset.done $0x0  }
0x11b: {  	[sflag:s16] =	ssyncadd.s32 $0xFFFFFF83  }
0x11c: {  	_ =	swait.ge [sflag:s16], $0x7D  }
0x11d: {  	[sflag:s16] =	ssyncset.done $0x0  }
0x11e: {  	[sflag:s16] =	ssyncadd.s32 $0xFFFFFF83  }
0x11f: {  	_ =	swait.ge [sflag:s16], $0x7D  }
0x120: {  	[sflag:s16] =	ssyncset.done $0x0  }
0x121: {  	[sflag:s16] =	ssyncadd.s32 $0xFFFFFF83  }
0x122: {  	_ =	swait.ge [sflag:s16], $0x7D  }
0x123: {  	[sflag:s16] =	ssyncset.done $0x0  }
0x124: {  	[sflag:s16] =	ssyncadd.s32 $0xFFFFFF83  }
0x125: {  	_ =	swait.ge [sflag:s16], $0x7D  }
0x126: {  	[sflag:s16] =	ssyncset.done $0x0  }
0x127: {  	[sflag:s16] =	ssyncadd.s32 $0xFFFFFF83  }
0x128: {  	_ =	swait.ge [sflag:s16], $0x7D  }
0x129: {  	[sflag:s16] =	ssyncset.done $0x0  }
0x12a: {  	s21 =	rddreg [dreg:$0x5];
	[sflag:s16] =	ssyncadd.s32 $0xFFFFFF83  }
0x12b: {  	[tilespmem:s23], [sflag:$0x2] =	stream.linear.gather [hbm4b:s21+s23], $0x1400, $0x38;
	[tilespmem:$0x1900] =	vst v63  }
0x12c: {  	_ =	swait.ge [sflag:s7], $0x1400  }
0x12d: {  	[sflag:s7] =	ssyncset.done $0x0  }
0x12e: {  	[sflag:s7] =	ssyncadd.s32 $0xFFFFEC00  }
0x12f: {  	[spmem:s2] =	stream.indirect.scatter.add.f32 [tilespmem:s6], [sflag:$0x1], $0x1, s23, s8, $0xb8;
	[tilespmem:$0x1900] =	vst v63  }
0x130: {  	s1 =	simm.s32 $0x80  }
0x131: {  	[spmem:s2] =	stream.indirect.scatter.add.f32 [tilespmem:s6], [sflag:$0x1], $0x1, s1, s8, $0xb8;
	[tilespmem:$0x1900] =	vst v63  }
0x132: {  	s3 =	simm.s32 $0x100  }
0x133: {  	[spmem:s2] =	stream.indirect.scatter.add.f32 [tilespmem:s6], [sflag:$0x1], $0x1, s3, s8, $0xb8;
	[tilespmem:$0x1900] =	vst v63  }
0x134: {  	s4 =	simm.s32 $0x180  }
0x135: {  	[spmem:s2] =	stream.indirect.scatter.add.f32 [tilespmem:s6], [sflag:$0x1], $0x1, s4, s8, $0xb8;
	[tilespmem:$0x1900] =	vst v63  }
0x136: {  	s9 =	simm.s32 $0x200  }
0x137: {  	[spmem:s2] =	stream.indirect.scatter.add.f32 [tilespmem:s6], [sflag:$0x1], $0x1, s9, s8, $0xb8;
	[tilespmem:$0x1900] =	vst v63  }
0x138: {  	s1 =	simm.s32 $0x280  }
0x139: {  	[spmem:s2] =	stream.indirect.scatter.add.f32 [tilespmem:s6], [sflag:$0x1], $0x1, s1, s8, $0xb8;
	[tilespmem:$0x1900] =	vst v63  }
0x13a: {  	s0 =	simm.s32 $0x300  }
0x13b: {  	[spmem:s2] =	stream.indirect.scatter.add.f32 [tilespmem:s6], [sflag:$0x1], $0x1, s0, s8, $0xb8;
	[tilespmem:$0x1900] =	vst v63  }
0x13c: {  	s10 =	simm.s32 $0x380  }
0x13d: {  	[spmem:s2] =	stream.indirect.scatter.add.f32 [tilespmem:s6], [sflag:$0x1], $0x1, s10, s8, $0xb8;
	[tilespmem:$0x1900] =	vst v63  }
0x13e: {  	_ =	swait.ge [sflag:s16], $0x7D  }
0x13f: {  	[sflag:s16] =	ssyncset.done $0x0  }
0x140: {  	[sflag:s16] =	ssyncadd.s32 $0xFFFFFF83  }
0x141: {  	_ =	swait.ge [sflag:s16], $0x7D  }
0x142: {  	[sflag:s16] =	ssyncset.done $0x0  }
0x143: {  	[sflag:s16] =	ssyncadd.s32 $0xFFFFFF83  }
0x144: {  	_ =	swait.ge [sflag:s16], $0x7D  }
0x145: {  	[sflag:s16] =	ssyncset.done $0x0  }
0x146: {  	[sflag:s16] =	ssyncadd.s32 $0xFFFFFF83  }
0x147: {  	_ =	swait.ge [sflag:s16], $0x7D  }
0x148: {  	[sflag:s16] =	ssyncset.done $0x0  }
0x149: {  	[sflag:s16] =	ssyncadd.s32 $0xFFFFFF83  }
0x14a: {  	_ =	swait.ge [sflag:s16], $0x7D  }
0x14b: {  	[sflag:s16] =	ssyncset.done $0x0  }
0x14c: {  	[sflag:s16] =	ssyncadd.s32 $0xFFFFFF83  }
0x14d: {  	_ =	swait.ge [sflag:s16], $0x7D  }
0x14e: {  	[sflag:s16] =	ssyncset.done $0x0  }
0x14f: {  	[sflag:s16] =	ssyncadd.s32 $0xFFFFFF83  }
0x150: {  	_ =	swait.ge [sflag:s16], $0x7D  }
0x151: {  	[sflag:s16] =	ssyncset.done $0x0  }
0x152: {  	[sflag:s16] =	ssyncadd.s32 $0xFFFFFF83  }
0x153: {  	_ =	swait.ge [sflag:s16], $0x7D  }
0x154: {  	[sflag:s16] =	ssyncset.done $0x0  }
0x155: {  	s3 =	simm.s32 $0x400;
	[sflag:s16] =	ssyncadd.s32 $0xFFFFFF83  }
0x156: {  	[spmem:s2] =	stream.indirect.scatter.add.f32 [tilespmem:s6], [sflag:$0x1], $0x1, s3, s8, $0xb8;
	[tilespmem:$0x1900] =	vst v63  }
0x157: {  	s4 =	simm.s32 $0x480  }
0x158: {  	[spmem:s2] =	stream.indirect.scatter.add.f32 [tilespmem:s6], [sflag:$0x1], $0x1, s4, s8, $0xb8;
	[tilespmem:$0x1900] =	vst v63  }
0x159: {  	s9 =	simm.s32 $0x500  }
0x15a: {  	[spmem:s2] =	stream.indirect.scatter.add.f32 [tilespmem:s6], [sflag:$0x1], $0x1, s9, s8, $0xb8;
	[tilespmem:$0x1900] =	vst v63  }
0x15b: {  	s10 =	simm.s32 $0x580  }
0x15c: {  	[spmem:s2] =	stream.indirect.scatter.add.f32 [tilespmem:s6], [sflag:$0x1], $0x1, s10, s8, $0xb8;
	[tilespmem:$0x1900] =	vst v63  }
0x15d: {  	s11 =	simm.s32 $0x600  }
0x15e: {  	[spmem:s2] =	stream.indirect.scatter.add.f32 [tilespmem:s6], [sflag:$0x1], $0x1, s11, s8, $0xb8;
	[tilespmem:$0x1900] =	vst v63  }
0x15f: {  	s12 =	simm.s32 $0x680  }
0x160: {  	[spmem:s2] =	stream.indirect.scatter.add.f32 [tilespmem:s6], [sflag:$0x1], $0x1, s12, s8, $0xb8;
	[tilespmem:$0x1900] =	vst v63  }
0x161: {  	s13 =	simm.s32 $0x700  }
0x162: {  	[spmem:s2] =	stream.indirect.scatter.add.f32 [tilespmem:s6], [sflag:$0x1], $0x1, s13, s8, $0xb8;
	[tilespmem:$0x1900] =	vst v63  }
0x163: {  	s14 =	simm.s32 $0x780  }
0x164: {  	[spmem:s2] =	stream.indirect.scatter.add.f32 [tilespmem:s6], [sflag:$0x1], $0x1, s14, s8, $0xb8;
	[tilespmem:$0x1900] =	vst v63  }
0x165: {  	_ =	swait.ge [sflag:s16], $0x7D  }
0x166: {  	[sflag:s16] =	ssyncset.done $0x0  }
0x167: {  	[sflag:s16] =	ssyncadd.s32 $0xFFFFFF83  }
0x168: {  	_ =	swait.ge [sflag:s16], $0x7D  }
0x169: {  	[sflag:s16] =	ssyncset.done $0x0  }
0x16a: {  	[sflag:s16] =	ssyncadd.s32 $0xFFFFFF83  }
0x16b: {  	_ =	swait.ge [sflag:s16], $0x7D  }
0x16c: {  	[sflag:s16] =	ssyncset.done $0x0  }
0x16d: {  	[sflag:s16] =	ssyncadd.s32 $0xFFFFFF83  }
0x16e: {  	_ =	swait.ge [sflag:s16], $0x7D  }
0x16f: {  	[sflag:s16] =	ssyncset.done $0x0  }
0x170: {  	[sflag:s16] =	ssyncadd.s32 $0xFFFFFF83  }
0x171: {  	_ =	swait.ge [sflag:s16], $0x7D  }
0x172: {  	[sflag:s16] =	ssyncset.done $0x0  }
0x173: {  	[sflag:s16] =	ssyncadd.s32 $0xFFFFFF83  }
0x174: {  	_ =	swait.ge [sflag:s16], $0x7D  }
0x175: {  	[sflag:s16] =	ssyncset.done $0x0  }
0x176: {  	[sflag:s16] =	ssyncadd.s32 $0xFFFFFF83  }
0x177: {  	_ =	swait.ge [sflag:s16], $0x7D  }
0x178: {  	[sflag:s16] =	ssyncset.done $0x0  }
0x179: {  	[sflag:s16] =	ssyncadd.s32 $0xFFFFFF83  }
0x17a: {  	_ =	swait.ge [sflag:s16], $0x7D  }
0x17b: {  	[sflag:s16] =	ssyncset.done $0x0  }
0x17c: {  	s14 =	simm.s32 $0x800;
	[sflag:s16] =	ssyncadd.s32 $0xFFFFFF83  }
0x17d: {  	[spmem:s2] =	stream.indirect.scatter.add.f32 [tilespmem:s6], [sflag:$0x1], $0x1, s14, s8, $0xb8;
	[tilespmem:$0x1900] =	vst v63  }
0x17e: {  	s15 =	simm.s32 $0x880  }
0x17f: {  	[spmem:s2] =	stream.indirect.scatter.add.f32 [tilespmem:s6], [sflag:$0x1], $0x1, s15, s8, $0xb8;
	[tilespmem:$0x1900] =	vst v63  }
0x180: {  	s17 =	simm.s32 $0x900  }
0x181: {  	[spmem:s2] =	stream.indirect.scatter.add.f32 [tilespmem:s6], [sflag:$0x1], $0x1, s17, s8, $0xb8;
	[tilespmem:$0x1900] =	vst v63  }
0x182: {  	s18 =	simm.s32 $0x980  }
0x183: {  	[spmem:s2] =	stream.indirect.scatter.add.f32 [tilespmem:s6], [sflag:$0x1], $0x1, s18, s8, $0xb8;
	[tilespmem:$0x1900] =	vst v63  }
0x184: {  	s19 =	simm.s32 $0xA00  }
0x185: {  	[spmem:s2] =	stream.indirect.scatter.add.f32 [tilespmem:s6], [sflag:$0x1], $0x1, s19, s8, $0xb8;
	[tilespmem:$0x1900] =	vst v63  }
0x186: {  	s20 =	simm.s32 $0xA80  }
0x187: {  	[spmem:s2] =	stream.indirect.scatter.add.f32 [tilespmem:s6], [sflag:$0x1], $0x1, s20, s8, $0xb8;
	[tilespmem:$0x1900] =	vst v63  }
0x188: {  	s21 =	simm.s32 $0xB00  }
0x189: {  	[spmem:s2] =	stream.indirect.scatter.add.f32 [tilespmem:s6], [sflag:$0x1], $0x1, s21, s8, $0xb8;
	[tilespmem:$0x1900] =	vst v63  }
0x18a: {  	s26 =	simm.s32 $0xB80  }
0x18b: {  	[spmem:s2] =	stream.indirect.scatter.add.f32 [tilespmem:s6], [sflag:$0x1], $0x1, s26, s8, $0xb8;
	[tilespmem:$0x1900] =	vst v63  }
0x18c: {  	_ =	swait.ge [sflag:s16], $0x7D  }
0x18d: {  	[sflag:s16] =	ssyncset.done $0x0  }
0x18e: {  	[sflag:s16] =	ssyncadd.s32 $0xFFFFFF83  }
0x18f: {  	_ =	swait.ge [sflag:s16], $0x7D  }
0x190: {  	[sflag:s16] =	ssyncset.done $0x0  }
0x191: {  	[sflag:s16] =	ssyncadd.s32 $0xFFFFFF83  }
0x192: {  	_ =	swait.ge [sflag:s16], $0x7D  }
0x193: {  	[sflag:s16] =	ssyncset.done $0x0  }
0x194: {  	[sflag:s16] =	ssyncadd.s32 $0xFFFFFF83  }
0x195: {  	_ =	swait.ge [sflag:s16], $0x7D  }
0x196: {  	[sflag:s16] =	ssyncset.done $0x0  }
0x197: {  	[sflag:s16] =	ssyncadd.s32 $0xFFFFFF83  }
0x198: {  	_ =	swait.ge [sflag:s16], $0x7D  }
0x199: {  	[sflag:s16] =	ssyncset.done $0x0  }
0x19a: {  	[sflag:s16] =	ssyncadd.s32 $0xFFFFFF83  }
0x19b: {  	_ =	swait.ge [sflag:s16], $0x7D  }
0x19c: {  	[sflag:s16] =	ssyncset.done $0x0  }
0x19d: {  	[sflag:s16] =	ssyncadd.s32 $0xFFFFFF83  }
0x19e: {  	_ =	swait.ge [sflag:s16], $0x7D  }
0x19f: {  	[sflag:s16] =	ssyncset.done $0x0  }
0x1a0: {  	[sflag:s16] =	ssyncadd.s32 $0xFFFFFF83  }
0x1a1: {  	_ =	swait.ge [sflag:s16], $0x7D  }
0x1a2: {  	[sflag:s16] =	ssyncset.done $0x0  }
0x1a3: {  	s28 =	simm.s32 $0xC00;
	[sflag:s16] =	ssyncadd.s32 $0xFFFFFF83  }
0x1a4: {  	[spmem:s2] =	stream.indirect.scatter.add.f32 [tilespmem:s6], [sflag:$0x1], $0x1, s28, s8, $0xb8;
	[tilespmem:$0x1900] =	vst v63  }
0x1a5: {  	s29 =	simm.s32 $0xC80  }
0x1a6: {  	[spmem:s2] =	stream.indirect.scatter.add.f32 [tilespmem:s6], [sflag:$0x1], $0x1, s29, s8, $0xb8;
	[tilespmem:$0x1900] =	vst v63  }
0x1a7: {  	s30 =	simm.s32 $0xD00  }
0x1a8: {  	[spmem:s2] =	stream.indirect.scatter.add.f32 [tilespmem:s6], [sflag:$0x1], $0x1, s30, s8, $0xb8;
	[tilespmem:$0x1900] =	vst v63  }
0x1a9: {  	s31 =	simm.s32 $0xD80  }
0x1aa: {  	[spmem:s2] =	stream.indirect.scatter.add.f32 [tilespmem:s6], [sflag:$0x1], $0x1, s31, s8, $0xb8;
	[tilespmem:$0x1900] =	vst v63  }
0x1ab: {  	s31 =	simm.s32 $0xE00  }
0x1ac: {  	[spmem:s2] =	stream.indirect.scatter.add.f32 [tilespmem:s6], [sflag:$0x1], $0x1, s31, s8, $0xb8;
	[tilespmem:$0x1900] =	vst v63  }
0x1ad: {  	s25 =	simm.s32 $0xE80  }
0x1ae: {  	[spmem:s2] =	stream.indirect.scatter.add.f32 [tilespmem:s6], [sflag:$0x1], $0x1, s25, s8, $0xb8;
	[tilespmem:$0x1900] =	vst v63  }
0x1af: {  	s25 =	simm.s32 $0xF00  }
0x1b0: {  	[spmem:s2] =	stream.indirect.scatter.add.f32 [tilespmem:s6], [sflag:$0x1], $0x1, s25, s8, $0xb8;
	[tilespmem:$0x1900] =	vst v63  }
0x1b1: {  	s22 =	simm.s32 $0xF80  }
0x1b2: {  	[spmem:s2] =	stream.indirect.scatter.add.f32 [tilespmem:s6], [sflag:$0x1], $0x1, s22, s8, $0xb8;
	[tilespmem:$0x1900] =	vst v63  }
0x1b3: {  	_ =	swait.ge [sflag:s16], $0x7D  }
0x1b4: {  	[sflag:s16] =	ssyncset.done $0x0  }
0x1b5: {  	[sflag:s16] =	ssyncadd.s32 $0xFFFFFF83  }
0x1b6: {  	_ =	swait.ge [sflag:s16], $0x7D  }
0x1b7: {  	[sflag:s16] =	ssyncset.done $0x0  }
0x1b8: {  	[sflag:s16] =	ssyncadd.s32 $0xFFFFFF83  }
0x1b9: {  	_ =	swait.ge [sflag:s16], $0x7D  }
0x1ba: {  	[sflag:s16] =	ssyncset.done $0x0  }
0x1bb: {  	[sflag:s16] =	ssyncadd.s32 $0xFFFFFF83  }
0x1bc: {  	_ =	swait.ge [sflag:s16], $0x7D  }
0x1bd: {  	[sflag:s16] =	ssyncset.done $0x0  }
0x1be: {  	[sflag:s16] =	ssyncadd.s32 $0xFFFFFF83  }
0x1bf: {  	_ =	swait.ge [sflag:s16], $0x7D  }
0x1c0: {  	[sflag:s16] =	ssyncset.done $0x0  }
0x1c1: {  	[sflag:s16] =	ssyncadd.s32 $0xFFFFFF83  }
0x1c2: {  	_ =	swait.ge [sflag:s16], $0x7D  }
0x1c3: {  	[sflag:s16] =	ssyncset.done $0x0  }
0x1c4: {  	[sflag:s16] =	ssyncadd.s32 $0xFFFFFF83  }
0x1c5: {  	_ =	swait.ge [sflag:s16], $0x7D  }
0x1c6: {  	[sflag:s16] =	ssyncset.done $0x0  }
0x1c7: {  	[sflag:s16] =	ssyncadd.s32 $0xFFFFFF83  }
0x1c8: {  	_ =	swait.ge [sflag:s16], $0x7D  }
0x1c9: {  	[sflag:s16] =	ssyncset.done $0x0  }
0x1ca: {  	s25 =	simm.s32 $0x1000;
	[sflag:s16] =	ssyncadd.s32 $0xFFFFFF83  }
0x1cb: {  	[spmem:s2] =	stream.indirect.scatter.add.f32 [tilespmem:s6], [sflag:$0x1], $0x1, s25, s8, $0xb8;
	[tilespmem:$0x1900] =	vst v63  }
0x1cc: {  	s25 =	simm.s32 $0x1080  }
0x1cd: {  	[spmem:s2] =	stream.indirect.scatter.add.f32 [tilespmem:s6], [sflag:$0x1], $0x1, s25, s8, $0xb8;
	[tilespmem:$0x1900] =	vst v63  }
0x1ce: {  	s25 =	simm.s32 $0x1100  }
0x1cf: {  	[spmem:s2] =	stream.indirect.scatter.add.f32 [tilespmem:s6], [sflag:$0x1], $0x1, s25, s8, $0xb8;
	[tilespmem:$0x1900] =	vst v63  }
0x1d0: {  	s25 =	simm.s32 $0x1180  }
0x1d1: {  	[spmem:s2] =	stream.indirect.scatter.add.f32 [tilespmem:s6], [sflag:$0x1], $0x1, s25, s8, $0xb8;
	[tilespmem:$0x1900] =	vst v63  }
0x1d2: {  	s25 =	simm.s32 $0x1200  }
0x1d3: {  	[spmem:s2] =	stream.indirect.scatter.add.f32 [tilespmem:s6], [sflag:$0x1], $0x1, s25, s8, $0xb8;
	[tilespmem:$0x1900] =	vst v63  }
0x1d4: {  	s25 =	simm.s32 $0x1280  }
0x1d5: {  	[spmem:s2] =	stream.indirect.scatter.add.f32 [tilespmem:s6], [sflag:$0x1], $0x1, s25, s8, $0xb8;
	[tilespmem:$0x1900] =	vst v63  }
0x1d6: {  	s25 =	simm.s32 $0x1300  }
0x1d7: {  	[spmem:s2] =	stream.indirect.scatter.add.f32 [tilespmem:s6], [sflag:$0x1], $0x1, s25, s8, $0xb8;
	[tilespmem:$0x1900] =	vst v63  }
0x1d8: {  	s24 =	simm.s32 $0x1380  }
0x1d9: {  	[spmem:s2] =	stream.indirect.scatter.add.f32 [tilespmem:s6], [sflag:$0x1], $0x1, s24, s8, $0xb8;
	[tilespmem:$0x1900] =	vst v63  }
0x1da: {  	_ =	swait.ge [sflag:s16], $0x7D  }
0x1db: {  	[sflag:s16] =	ssyncset.done $0x0  }
0x1dc: {  	[sflag:s16] =	ssyncadd.s32 $0xFFFFFF83  }
0x1dd: {  	_ =	swait.ge [sflag:s16], $0x7D  }
0x1de: {  	[sflag:s16] =	ssyncset.done $0x0  }
0x1df: {  	[sflag:s16] =	ssyncadd.s32 $0xFFFFFF83  }
0x1e0: {  	_ =	swait.ge [sflag:s16], $0x7D  }
0x1e1: {  	[sflag:s16] =	ssyncset.done $0x0  }
0x1e2: {  	[sflag:s16] =	ssyncadd.s32 $0xFFFFFF83  }
0x1e3: {  	_ =	swait.ge [sflag:s16], $0x7D  }
0x1e4: {  	[sflag:s16] =	ssyncset.done $0x0  }
0x1e5: {  	[sflag:s16] =	ssyncadd.s32 $0xFFFFFF83  }
0x1e6: {  	_ =	swait.ge [sflag:s16], $0x7D  }
0x1e7: {  	[sflag:s16] =	ssyncset.done $0x0  }
0x1e8: {  	[sflag:s16] =	ssyncadd.s32 $0xFFFFFF83  }
0x1e9: {  	_ =	swait.ge [sflag:s16], $0x7D  }
0x1ea: {  	[sflag:s16] =	ssyncset.done $0x0  }
0x1eb: {  	[sflag:s16] =	ssyncadd.s32 $0xFFFFFF83  }
0x1ec: {  	_ =	swait.ge [sflag:s16], $0x7D  }
0x1ed: {  	[sflag:s16] =	ssyncset.done $0x0  }
0x1ee: {  	[sflag:s16] =	ssyncadd.s32 $0xFFFFFF83  }
0x1ef: {  	_ =	swait.ge [sflag:s16], $0x7D  }
0x1f0: {  	[sflag:s16] =	ssyncset.done $0x0  }
0x1f1: {  	s24 =	rddreg [dreg:$0x6];
	[sflag:s16] =	ssyncadd.s32 $0xFFFFFF83  }
0x1f2: {  	[tilespmem:s23], [sflag:$0x2] =	stream.linear.gather [hbm4b:s24+s23], $0x1400, $0x38;
	[tilespmem:$0x1900] =	vst v63  }
0x1f3: {  	_ =	swait.ge [sflag:s7], $0x1400  }
0x1f4: {  	[sflag:s7] =	ssyncset.done $0x0  }
0x1f5: {  	[sflag:s7] =	ssyncadd.s32 $0xFFFFEC00  }
0x1f6: {  	[spmem:s2] =	stream.indirect.scatter.add.f32 [tilespmem:s6], [sflag:$0x1], $0x1, s23, s8, $0xb8;
	[tilespmem:$0x1900] =	vst v63  }
0x1f7: {  	s25 =	simm.s32 $0x80  }
0x1f8: {  	[spmem:s2] =	stream.indirect.scatter.add.f32 [tilespmem:s6], [sflag:$0x1], $0x1, s25, s8, $0xb8;
	[tilespmem:$0x1900] =	vst v63  }
0x1f9: {  	s24 =	simm.s32 $0x100  }
0x1fa: {  	[spmem:s2] =	stream.indirect.scatter.add.f32 [tilespmem:s6], [sflag:$0x1], $0x1, s24, s8, $0xb8;
	[tilespmem:$0x1900] =	vst v63  }
0x1fb: {  	s25 =	simm.s32 $0x180  }
0x1fc: {  	[spmem:s2] =	stream.indirect.scatter.add.f32 [tilespmem:s6], [sflag:$0x1], $0x1, s25, s8, $0xb8;
	[tilespmem:$0x1900] =	vst v63  }
0x1fd: {  	s22 =	simm.s32 $0x200  }
0x1fe: {  	[spmem:s2] =	stream.indirect.scatter.add.f32 [tilespmem:s6], [sflag:$0x1], $0x1, s22, s8, $0xb8;
	[tilespmem:$0x1900] =	vst v63  }
0x1ff: {  	_ = 	snop  }
0x200: {  	[spmem:s2] =	stream.indirect.scatter.add.f32 [tilespmem:s6], [sflag:$0x1], $0x1, s1, s8, $0xb8;
	[tilespmem:$0x1900] =	vst v63  }
0x201: {  	_ = 	snop  }
0x202: {  	[spmem:s2] =	stream.indirect.scatter.add.f32 [tilespmem:s6], [sflag:$0x1], $0x1, s0, s8, $0xb8;
	[tilespmem:$0x1900] =	vst v63  }
0x203: {  	s25 =	simm.s32 $0x380  }
0x204: {  	[spmem:s2] =	stream.indirect.scatter.add.f32 [tilespmem:s6], [sflag:$0x1], $0x1, s25, s8, $0xb8;
	[tilespmem:$0x1900] =	vst v63  }
0x205: {  	_ =	swait.ge [sflag:s16], $0x7D  }
0x206: {  	[sflag:s16] =	ssyncset.done $0x0  }
0x207: {  	[sflag:s16] =	ssyncadd.s32 $0xFFFFFF83  }
0x208: {  	_ =	swait.ge [sflag:s16], $0x7D  }
0x209: {  	[sflag:s16] =	ssyncset.done $0x0  }
0x20a: {  	[sflag:s16] =	ssyncadd.s32 $0xFFFFFF83  }
0x20b: {  	_ =	swait.ge [sflag:s16], $0x7D  }
0x20c: {  	[sflag:s16] =	ssyncset.done $0x0  }
0x20d: {  	[sflag:s16] =	ssyncadd.s32 $0xFFFFFF83  }
0x20e: {  	_ =	swait.ge [sflag:s16], $0x7D  }
0x20f: {  	[sflag:s16] =	ssyncset.done $0x0  }
0x210: {  	[sflag:s16] =	ssyncadd.s32 $0xFFFFFF83  }
0x211: {  	_ =	swait.ge [sflag:s16], $0x7D  }
0x212: {  	[sflag:s16] =	ssyncset.done $0x0  }
0x213: {  	[sflag:s16] =	ssyncadd.s32 $0xFFFFFF83  }
0x214: {  	_ =	swait.ge [sflag:s16], $0x7D  }
0x215: {  	[sflag:s16] =	ssyncset.done $0x0  }
0x216: {  	[sflag:s16] =	ssyncadd.s32 $0xFFFFFF83  }
0x217: {  	_ =	swait.ge [sflag:s16], $0x7D  }
0x218: {  	[sflag:s16] =	ssyncset.done $0x0  }
0x219: {  	[sflag:s16] =	ssyncadd.s32 $0xFFFFFF83  }
0x21a: {  	_ =	swait.ge [sflag:s16], $0x7D  }
0x21b: {  	[sflag:s16] =	ssyncset.done $0x0  }
0x21c: {  	[sflag:s16] =	ssyncadd.s32 $0xFFFFFF83  }
0x21d: {  	[spmem:s2] =	stream.indirect.scatter.add.f32 [tilespmem:s6], [sflag:$0x1], $0x1, s3, s8, $0xb8;
	[tilespmem:$0x1900] =	vst v63  }
0x21e: {  	_ = 	snop  }
0x21f: {  	[spmem:s2] =	stream.indirect.scatter.add.f32 [tilespmem:s6], [sflag:$0x1], $0x1, s4, s8, $0xb8;
	[tilespmem:$0x1900] =	vst v63  }
0x220: {  	_ = 	snop  }
0x221: {  	[spmem:s2] =	stream.indirect.scatter.add.f32 [tilespmem:s6], [sflag:$0x1], $0x1, s9, s8, $0xb8;
	[tilespmem:$0x1900] =	vst v63  }
0x222: {  	_ = 	snop  }
0x223: {  	[spmem:s2] =	stream.indirect.scatter.add.f32 [tilespmem:s6], [sflag:$0x1], $0x1, s10, s8, $0xb8;
	[tilespmem:$0x1900] =	vst v63  }
0x224: {  	_ = 	snop  }
0x225: {  	[spmem:s2] =	stream.indirect.scatter.add.f32 [tilespmem:s6], [sflag:$0x1], $0x1, s11, s8, $0xb8;
	[tilespmem:$0x1900] =	vst v63  }
0x226: {  	_ = 	snop  }
0x227: {  	[spmem:s2] =	stream.indirect.scatter.add.f32 [tilespmem:s6], [sflag:$0x1], $0x1, s12, s8, $0xb8;
	[tilespmem:$0x1900] =	vst v63  }
0x228: {  	_ = 	snop  }
0x229: {  	[spmem:s2] =	stream.indirect.scatter.add.f32 [tilespmem:s6], [sflag:$0x1], $0x1, s13, s8, $0xb8;
	[tilespmem:$0x1900] =	vst v63  }
0x22a: {  	s25 =	simm.s32 $0x780  }
0x22b: {  	[spmem:s2] =	stream.indirect.scatter.add.f32 [tilespmem:s6], [sflag:$0x1], $0x1, s25, s8, $0xb8;
	[tilespmem:$0x1900] =	vst v63  }
0x22c: {  	_ =	swait.ge [sflag:s16], $0x7D  }
0x22d: {  	[sflag:s16] =	ssyncset.done $0x0  }
0x22e: {  	[sflag:s16] =	ssyncadd.s32 $0xFFFFFF83  }
0x22f: {  	_ =	swait.ge [sflag:s16], $0x7D  }
0x230: {  	[sflag:s16] =	ssyncset.done $0x0  }
0x231: {  	[sflag:s16] =	ssyncadd.s32 $0xFFFFFF83  }
0x232: {  	_ =	swait.ge [sflag:s16], $0x7D  }
0x233: {  	[sflag:s16] =	ssyncset.done $0x0  }
0x234: {  	[sflag:s16] =	ssyncadd.s32 $0xFFFFFF83  }
0x235: {  	_ =	swait.ge [sflag:s16], $0x7D  }
0x236: {  	[sflag:s16] =	ssyncset.done $0x0  }
0x237: {  	[sflag:s16] =	ssyncadd.s32 $0xFFFFFF83  }
0x238: {  	_ =	swait.ge [sflag:s16], $0x7D  }
0x239: {  	[sflag:s16] =	ssyncset.done $0x0  }
0x23a: {  	[sflag:s16] =	ssyncadd.s32 $0xFFFFFF83  }
0x23b: {  	_ =	swait.ge [sflag:s16], $0x7D  }
0x23c: {  	[sflag:s16] =	ssyncset.done $0x0  }
0x23d: {  	[sflag:s16] =	ssyncadd.s32 $0xFFFFFF83  }
0x23e: {  	_ =	swait.ge [sflag:s16], $0x7D  }
0x23f: {  	[sflag:s16] =	ssyncset.done $0x0  }
0x240: {  	[sflag:s16] =	ssyncadd.s32 $0xFFFFFF83  }
0x241: {  	_ =	swait.ge [sflag:s16], $0x7D  }
0x242: {  	[sflag:s16] =	ssyncset.done $0x0  }
0x243: {  	[sflag:s16] =	ssyncadd.s32 $0xFFFFFF83  }
0x244: {  	[spmem:s2] =	stream.indirect.scatter.add.f32 [tilespmem:s6], [sflag:$0x1], $0x1, s14, s8, $0xb8;
	[tilespmem:$0x1900] =	vst v63  }
0x245: {  	_ = 	snop  }
0x246: {  	[spmem:s2] =	stream.indirect.scatter.add.f32 [tilespmem:s6], [sflag:$0x1], $0x1, s15, s8, $0xb8;
	[tilespmem:$0x1900] =	vst v63  }
0x247: {  	_ = 	snop  }
0x248: {  	[spmem:s2] =	stream.indirect.scatter.add.f32 [tilespmem:s6], [sflag:$0x1], $0x1, s17, s8, $0xb8;
	[tilespmem:$0x1900] =	vst v63  }
0x249: {  	_ = 	snop  }
0x24a: {  	[spmem:s2] =	stream.indirect.scatter.add.f32 [tilespmem:s6], [sflag:$0x1], $0x1, s18, s8, $0xb8;
	[tilespmem:$0x1900] =	vst v63  }
0x24b: {  	_ = 	snop  }
0x24c: {  	[spmem:s2] =	stream.indirect.scatter.add.f32 [tilespmem:s6], [sflag:$0x1], $0x1, s19, s8, $0xb8;
	[tilespmem:$0x1900] =	vst v63  }
0x24d: {  	_ = 	snop  }
0x24e: {  	[spmem:s2] =	stream.indirect.scatter.add.f32 [tilespmem:s6], [sflag:$0x1], $0x1, s20, s8, $0xb8;
	[tilespmem:$0x1900] =	vst v63  }
0x24f: {  	_ = 	snop  }
0x250: {  	[spmem:s2] =	stream.indirect.scatter.add.f32 [tilespmem:s6], [sflag:$0x1], $0x1, s21, s8, $0xb8;
	[tilespmem:$0x1900] =	vst v63  }
0x251: {  	s25 =	simm.s32 $0xB80  }
0x252: {  	[spmem:s2] =	stream.indirect.scatter.add.f32 [tilespmem:s6], [sflag:$0x1], $0x1, s25, s8, $0xb8;
	[tilespmem:$0x1900] =	vst v63  }
0x253: {  	_ =	swait.ge [sflag:s16], $0x7D  }
0x254: {  	[sflag:s16] =	ssyncset.done $0x0  }
0x255: {  	[sflag:s16] =	ssyncadd.s32 $0xFFFFFF83  }
0x256: {  	_ =	swait.ge [sflag:s16], $0x7D  }
0x257: {  	[sflag:s16] =	ssyncset.done $0x0  }
0x258: {  	[sflag:s16] =	ssyncadd.s32 $0xFFFFFF83  }
0x259: {  	_ =	swait.ge [sflag:s16], $0x7D  }
0x25a: {  	[sflag:s16] =	ssyncset.done $0x0  }
0x25b: {  	[sflag:s16] =	ssyncadd.s32 $0xFFFFFF83  }
0x25c: {  	_ =	swait.ge [sflag:s16], $0x7D  }
0x25d: {  	[sflag:s16] =	ssyncset.done $0x0  }
0x25e: {  	[sflag:s16] =	ssyncadd.s32 $0xFFFFFF83  }
0x25f: {  	_ =	swait.ge [sflag:s16], $0x7D  }
0x260: {  	[sflag:s16] =	ssyncset.done $0x0  }
0x261: {  	[sflag:s16] =	ssyncadd.s32 $0xFFFFFF83  }
0x262: {  	_ =	swait.ge [sflag:s16], $0x7D  }
0x263: {  	[sflag:s16] =	ssyncset.done $0x0  }
0x264: {  	[sflag:s16] =	ssyncadd.s32 $0xFFFFFF83  }
0x265: {  	_ =	swait.ge [sflag:s16], $0x7D  }
0x266: {  	[sflag:s16] =	ssyncset.done $0x0  }
0x267: {  	[sflag:s16] =	ssyncadd.s32 $0xFFFFFF83  }
0x268: {  	_ =	swait.ge [sflag:s16], $0x7D  }
0x269: {  	[sflag:s16] =	ssyncset.done $0x0  }
0x26a: {  	s26 =	simm.s32 $0xC00;
	[sflag:s16] =	ssyncadd.s32 $0xFFFFFF83  }
0x26b: {  	[spmem:s2] =	stream.indirect.scatter.add.f32 [tilespmem:s6], [sflag:$0x1], $0x1, s26, s8, $0xb8;
	[tilespmem:$0x1900] =	vst v63  }
0x26c: {  	s28 =	simm.s32 $0xC80  }
0x26d: {  	[spmem:s2] =	stream.indirect.scatter.add.f32 [tilespmem:s6], [sflag:$0x1], $0x1, s28, s8, $0xb8;
	[tilespmem:$0x1900] =	vst v63  }
0x26e: {  	s29 =	simm.s32 $0xD00  }
0x26f: {  	[spmem:s2] =	stream.indirect.scatter.add.f32 [tilespmem:s6], [sflag:$0x1], $0x1, s29, s8, $0xb8;
	[tilespmem:$0x1900] =	vst v63  }
0x270: {  	s30 =	simm.s32 $0xD80  }
0x271: {  	[spmem:s2] =	stream.indirect.scatter.add.f32 [tilespmem:s6], [sflag:$0x1], $0x1, s30, s8, $0xb8;
	[tilespmem:$0x1900] =	vst v63  }
0x272: {  	s31 =	simm.s32 $0xE00  }
0x273: {  	[spmem:s2] =	stream.indirect.scatter.add.f32 [tilespmem:s6], [sflag:$0x1], $0x1, s31, s8, $0xb8;
	[tilespmem:$0x1900] =	vst v63  }
0x274: {  	s31 =	simm.s32 $0xE80  }
0x275: {  	[spmem:s2] =	stream.indirect.scatter.add.f32 [tilespmem:s6], [sflag:$0x1], $0x1, s31, s8, $0xb8;
	[tilespmem:$0x1900] =	vst v63  }
0x276: {  	s25 =	simm.s32 $0xF00  }
0x277: {  	[spmem:s2] =	stream.indirect.scatter.add.f32 [tilespmem:s6], [sflag:$0x1], $0x1, s25, s8, $0xb8;
	[tilespmem:$0x1900] =	vst v63  }
0x278: {  	s25 =	simm.s32 $0xF80  }
0x279: {  	[spmem:s2] =	stream.indirect.scatter.add.f32 [tilespmem:s6], [sflag:$0x1], $0x1, s25, s8, $0xb8;
	[tilespmem:$0x1900] =	vst v63  }
0x27a: {  	_ =	swait.ge [sflag:s16], $0x7D  }
0x27b: {  	[sflag:s16] =	ssyncset.done $0x0  }
0x27c: {  	[sflag:s16] =	ssyncadd.s32 $0xFFFFFF83  }
0x27d: {  	_ =	swait.ge [sflag:s16], $0x7D  }
0x27e: {  	[sflag:s16] =	ssyncset.done $0x0  }
0x27f: {  	[sflag:s16] =	ssyncadd.s32 $0xFFFFFF83  }
0x280: {  	_ =	swait.ge [sflag:s16], $0x7D  }
0x281: {  	[sflag:s16] =	ssyncset.done $0x0  }
0x282: {  	[sflag:s16] =	ssyncadd.s32 $0xFFFFFF83  }
0x283: {  	_ =	swait.ge [sflag:s16], $0x7D  }
0x284: {  	[sflag:s16] =	ssyncset.done $0x0  }
0x285: {  	[sflag:s16] =	ssyncadd.s32 $0xFFFFFF83  }
0x286: {  	_ =	swait.ge [sflag:s16], $0x7D  }
0x287: {  	[sflag:s16] =	ssyncset.done $0x0  }
0x288: {  	[sflag:s16] =	ssyncadd.s32 $0xFFFFFF83  }
0x289: {  	_ =	swait.ge [sflag:s16], $0x7D  }
0x28a: {  	[sflag:s16] =	ssyncset.done $0x0  }
0x28b: {  	[sflag:s16] =	ssyncadd.s32 $0xFFFFFF83  }
0x28c: {  	_ =	swait.ge [sflag:s16], $0x7D  }
0x28d: {  	[sflag:s16] =	ssyncset.done $0x0  }
0x28e: {  	[sflag:s16] =	ssyncadd.s32 $0xFFFFFF83  }
0x28f: {  	_ =	swait.ge [sflag:s16], $0x7D  }
0x290: {  	[sflag:s16] =	ssyncset.done $0x0  }
0x291: {  	s25 =	simm.s32 $0x1000;
	[sflag:s16] =	ssyncadd.s32 $0xFFFFFF83  }
0x292: {  	[spmem:s2] =	stream.indirect.scatter.add.f32 [tilespmem:s6], [sflag:$0x1], $0x1, s25, s8, $0xb8;
	[tilespmem:$0x1900] =	vst v63  }
0x293: {  	s25 =	simm.s32 $0x1080  }
0x294: {  	[spmem:s2] =	stream.indirect.scatter.add.f32 [tilespmem:s6], [sflag:$0x1], $0x1, s25, s8, $0xb8;
	[tilespmem:$0x1900] =	vst v63  }
0x295: {  	s25 =	simm.s32 $0x1100  }
0x296: {  	[spmem:s2] =	stream.indirect.scatter.add.f32 [tilespmem:s6], [sflag:$0x1], $0x1, s25, s8, $0xb8;
	[tilespmem:$0x1900] =	vst v63  }
0x297: {  	s25 =	simm.s32 $0x1180  }
0x298: {  	[spmem:s2] =	stream.indirect.scatter.add.f32 [tilespmem:s6], [sflag:$0x1], $0x1, s25, s8, $0xb8;
	[tilespmem:$0x1900] =	vst v63  }
0x299: {  	s25 =	simm.s32 $0x1200  }
0x29a: {  	[spmem:s2] =	stream.indirect.scatter.add.f32 [tilespmem:s6], [sflag:$0x1], $0x1, s25, s8, $0xb8;
	[tilespmem:$0x1900] =	vst v63  }
0x29b: {  	s25 =	simm.s32 $0x1280  }
0x29c: {  	[spmem:s2] =	stream.indirect.scatter.add.f32 [tilespmem:s6], [sflag:$0x1], $0x1, s25, s8, $0xb8;
	[tilespmem:$0x1900] =	vst v63  }
0x29d: {  	s25 =	simm.s32 $0x1300  }
0x29e: {  	[spmem:s2] =	stream.indirect.scatter.add.f32 [tilespmem:s6], [sflag:$0x1], $0x1, s25, s8, $0xb8;
	[tilespmem:$0x1900] =	vst v63  }
0x29f: {  	s25 =	simm.s32 $0x1380  }
0x2a0: {  	[spmem:s2] =	stream.indirect.scatter.add.f32 [tilespmem:s6], [sflag:$0x1], $0x1, s25, s8, $0xb8;
	[tilespmem:$0x1900] =	vst v63  }
0x2a1: {  	_ =	swait.ge [sflag:s16], $0x7D  }
0x2a2: {  	[sflag:s16] =	ssyncset.done $0x0  }
0x2a3: {  	[sflag:s16] =	ssyncadd.s32 $0xFFFFFF83  }
0x2a4: {  	_ =	swait.ge [sflag:s16], $0x7D  }
0x2a5: {  	[sflag:s16] =	ssyncset.done $0x0  }
0x2a6: {  	[sflag:s16] =	ssyncadd.s32 $0xFFFFFF83  }
0x2a7: {  	_ =	swait.ge [sflag:s16], $0x7D  }
0x2a8: {  	[sflag:s16] =	ssyncset.done $0x0  }
0x2a9: {  	[sflag:s16] =	ssyncadd.s32 $0xFFFFFF83  }
0x2aa: {  	_ =	swait.ge [sflag:s16], $0x7D  }
0x2ab: {  	[sflag:s16] =	ssyncset.done $0x0  }
0x2ac: {  	[sflag:s16] =	ssyncadd.s32 $0xFFFFFF83  }
0x2ad: {  	_ =	swait.ge [sflag:s16], $0x7D  }
0x2ae: {  	[sflag:s16] =	ssyncset.done $0x0  }
0x2af: {  	[sflag:s16] =	ssyncadd.s32 $0xFFFFFF83  }
0x2b0: {  	_ =	swait.ge [sflag:s16], $0x7D  }
0x2b1: {  	[sflag:s16] =	ssyncset.done $0x0  }
0x2b2: {  	[sflag:s16] =	ssyncadd.s32 $0xFFFFFF83  }
0x2b3: {  	_ =	swait.ge [sflag:s16], $0x7D  }
0x2b4: {  	[sflag:s16] =	ssyncset.done $0x0  }
0x2b5: {  	[sflag:s16] =	ssyncadd.s32 $0xFFFFFF83  }
0x2b6: {  	_ =	swait.ge [sflag:s16], $0x7D  }
0x2b7: {  	[sflag:s16] =	ssyncset.done $0x0  }
0x2b8: {  	s25 =	rddreg [dreg:$0x7];
	[sflag:s16] =	ssyncadd.s32 $0xFFFFFF83  }
0x2b9: {  	[tilespmem:s23], [sflag:$0x2] =	stream.linear.gather [hbm4b:s25+s23], $0x1400, $0x38;
	[tilespmem:$0x1900] =	vst v63  }
0x2ba: {  	_ =	swait.ge [sflag:s7], $0x1400  }
0x2bb: {  	[sflag:s7] =	ssyncset.done $0x0  }
0x2bc: {  	[sflag:s7] =	ssyncadd.s32 $0xFFFFEC00  }
0x2bd: {  	[spmem:s2] =	stream.indirect.scatter.add.f32 [tilespmem:s6], [sflag:$0x1], $0x1, s23, s8, $0xb8;
	[tilespmem:$0x1900] =	vst v63  }
0x2be: {  	s25 =	simm.s32 $0x80  }
0x2bf: {  	[spmem:s2] =	stream.indirect.scatter.add.f32 [tilespmem:s6], [sflag:$0x1], $0x1, s25, s8, $0xb8;
	[tilespmem:$0x1900] =	vst v63  }
0x2c0: {  	s25 =	simm.s32 $0x100  }
0x2c1: {  	[spmem:s2] =	stream.indirect.scatter.add.f32 [tilespmem:s6], [sflag:$0x1], $0x1, s25, s8, $0xb8;
	[tilespmem:$0x1900] =	vst v63  }
0x2c2: {  	s25 =	simm.s32 $0x180  }
0x2c3: {  	[spmem:s2] =	stream.indirect.scatter.add.f32 [tilespmem:s6], [sflag:$0x1], $0x1, s25, s8, $0xb8;
	[tilespmem:$0x1900] =	vst v63  }
0x2c4: {  	s24 =	simm.s32 $0x200  }
0x2c5: {  	[spmem:s2] =	stream.indirect.scatter.add.f32 [tilespmem:s6], [sflag:$0x1], $0x1, s24, s8, $0xb8;
	[tilespmem:$0x1900] =	vst v63  }
0x2c6: {  	s1 =	simm.s32 $0x280  }
0x2c7: {  	[spmem:s2] =	stream.indirect.scatter.add.f32 [tilespmem:s6], [sflag:$0x1], $0x1, s1, s8, $0xb8;
	[tilespmem:$0x1900] =	vst v63  }
0x2c8: {  	s0 =	simm.s32 $0x300  }
0x2c9: {  	[spmem:s2] =	stream.indirect.scatter.add.f32 [tilespmem:s6], [sflag:$0x1], $0x1, s0, s8, $0xb8;
	[tilespmem:$0x1900] =	vst v63  }
0x2ca: {  	s1 =	simm.s32 $0x380  }
0x2cb: {  	[spmem:s2] =	stream.indirect.scatter.add.f32 [tilespmem:s6], [sflag:$0x1], $0x1, s1, s8, $0xb8;
	[tilespmem:$0x1900] =	vst v63  }
0x2cc: {  	_ =	swait.ge [sflag:s16], $0x7D  }
0x2cd: {  	[sflag:s16] =	ssyncset.done $0x0  }
0x2ce: {  	[sflag:s16] =	ssyncadd.s32 $0xFFFFFF83  }
0x2cf: {  	_ =	swait.ge [sflag:s16], $0x7D  }
0x2d0: {  	[sflag:s16] =	ssyncset.done $0x0  }
0x2d1: {  	[sflag:s16] =	ssyncadd.s32 $0xFFFFFF83  }
0x2d2: {  	_ =	swait.ge [sflag:s16], $0x7D  }
0x2d3: {  	[sflag:s16] =	ssyncset.done $0x0  }
0x2d4: {  	[sflag:s16] =	ssyncadd.s32 $0xFFFFFF83  }
0x2d5: {  	_ =	swait.ge [sflag:s16], $0x7D  }
0x2d6: {  	[sflag:s16] =	ssyncset.done $0x0  }
0x2d7: {  	[sflag:s16] =	ssyncadd.s32 $0xFFFFFF83  }
0x2d8: {  	_ =	swait.ge [sflag:s16], $0x7D  }
0x2d9: {  	[sflag:s16] =	ssyncset.done $0x0  }
0x2da: {  	[sflag:s16] =	ssyncadd.s32 $0xFFFFFF83  }
0x2db: {  	_ =	swait.ge [sflag:s16], $0x7D  }
0x2dc: {  	[sflag:s16] =	ssyncset.done $0x0  }
0x2dd: {  	[sflag:s16] =	ssyncadd.s32 $0xFFFFFF83  }
0x2de: {  	_ =	swait.ge [sflag:s16], $0x7D  }
0x2df: {  	[sflag:s16] =	ssyncset.done $0x0  }
0x2e0: {  	[sflag:s16] =	ssyncadd.s32 $0xFFFFFF83  }
0x2e1: {  	_ =	swait.ge [sflag:s16], $0x7D  }
0x2e2: {  	[sflag:s16] =	ssyncset.done $0x0  }
0x2e3: {  	s3 =	simm.s32 $0x400;
	[sflag:s16] =	ssyncadd.s32 $0xFFFFFF83  }
0x2e4: {  	[spmem:s2] =	stream.indirect.scatter.add.f32 [tilespmem:s6], [sflag:$0x1], $0x1, s3, s8, $0xb8;
	[tilespmem:$0x1900] =	vst v63  }
0x2e5: {  	s4 =	simm.s32 $0x480  }
0x2e6: {  	[spmem:s2] =	stream.indirect.scatter.add.f32 [tilespmem:s6], [sflag:$0x1], $0x1, s4, s8, $0xb8;
	[tilespmem:$0x1900] =	vst v63  }
0x2e7: {  	s9 =	simm.s32 $0x500  }
0x2e8: {  	[spmem:s2] =	stream.indirect.scatter.add.f32 [tilespmem:s6], [sflag:$0x1], $0x1, s9, s8, $0xb8;
	[tilespmem:$0x1900] =	vst v63  }
0x2e9: {  	s10 =	simm.s32 $0x580  }
0x2ea: {  	[spmem:s2] =	stream.indirect.scatter.add.f32 [tilespmem:s6], [sflag:$0x1], $0x1, s10, s8, $0xb8;
	[tilespmem:$0x1900] =	vst v63  }
0x2eb: {  	s11 =	simm.s32 $0x600  }
0x2ec: {  	[spmem:s2] =	stream.indirect.scatter.add.f32 [tilespmem:s6], [sflag:$0x1], $0x1, s11, s8, $0xb8;
	[tilespmem:$0x1900] =	vst v63  }
0x2ed: {  	s12 =	simm.s32 $0x680  }
0x2ee: {  	[spmem:s2] =	stream.indirect.scatter.add.f32 [tilespmem:s6], [sflag:$0x1], $0x1, s12, s8, $0xb8;
	[tilespmem:$0x1900] =	vst v63  }
0x2ef: {  	s13 =	simm.s32 $0x700  }
0x2f0: {  	[spmem:s2] =	stream.indirect.scatter.add.f32 [tilespmem:s6], [sflag:$0x1], $0x1, s13, s8, $0xb8;
	[tilespmem:$0x1900] =	vst v63  }
0x2f1: {  	s13 =	simm.s32 $0x780  }
0x2f2: {  	[spmem:s2] =	stream.indirect.scatter.add.f32 [tilespmem:s6], [sflag:$0x1], $0x1, s13, s8, $0xb8;
	[tilespmem:$0x1900] =	vst v63  }
0x2f3: {  	_ =	swait.ge [sflag:s16], $0x7D  }
0x2f4: {  	[sflag:s16] =	ssyncset.done $0x0  }
0x2f5: {  	[sflag:s16] =	ssyncadd.s32 $0xFFFFFF83  }
0x2f6: {  	_ =	swait.ge [sflag:s16], $0x7D  }
0x2f7: {  	[sflag:s16] =	ssyncset.done $0x0  }
0x2f8: {  	[sflag:s16] =	ssyncadd.s32 $0xFFFFFF83  }
0x2f9: {  	_ =	swait.ge [sflag:s16], $0x7D  }
0x2fa: {  	[sflag:s16] =	ssyncset.done $0x0  }
0x2fb: {  	[sflag:s16] =	ssyncadd.s32 $0xFFFFFF83  }
0x2fc: {  	_ =	swait.ge [sflag:s16], $0x7D  }
0x2fd: {  	[sflag:s16] =	ssyncset.done $0x0  }
0x2fe: {  	[sflag:s16] =	ssyncadd.s32 $0xFFFFFF83  }
0x2ff: {  	_ =	swait.ge [sflag:s16], $0x7D  }
0x300: {  	[sflag:s16] =	ssyncset.done $0x0  }
0x301: {  	[sflag:s16] =	ssyncadd.s32 $0xFFFFFF83  }
0x302: {  	_ =	swait.ge [sflag:s16], $0x7D  }
0x303: {  	[sflag:s16] =	ssyncset.done $0x0  }
0x304: {  	[sflag:s16] =	ssyncadd.s32 $0xFFFFFF83  }
0x305: {  	_ =	swait.ge [sflag:s16], $0x7D  }
0x306: {  	[sflag:s16] =	ssyncset.done $0x0  }
0x307: {  	[sflag:s16] =	ssyncadd.s32 $0xFFFFFF83  }
0x308: {  	_ =	swait.ge [sflag:s16], $0x7D  }
0x309: {  	[sflag:s16] =	ssyncset.done $0x0  }
0x30a: {  	s14 =	simm.s32 $0x800;
	[sflag:s16] =	ssyncadd.s32 $0xFFFFFF83  }
0x30b: {  	[spmem:s2] =	stream.indirect.scatter.add.f32 [tilespmem:s6], [sflag:$0x1], $0x1, s14, s8, $0xb8;
	[tilespmem:$0x1900] =	vst v63  }
0x30c: {  	s15 =	simm.s32 $0x880  }
0x30d: {  	[spmem:s2] =	stream.indirect.scatter.add.f32 [tilespmem:s6], [sflag:$0x1], $0x1, s15, s8, $0xb8;
	[tilespmem:$0x1900] =	vst v63  }
0x30e: {  	s17 =	simm.s32 $0x900  }
0x30f: {  	[spmem:s2] =	stream.indirect.scatter.add.f32 [tilespmem:s6], [sflag:$0x1], $0x1, s17, s8, $0xb8;
	[tilespmem:$0x1900] =	vst v63  }
0x310: {  	s18 =	simm.s32 $0x980  }
0x311: {  	[spmem:s2] =	stream.indirect.scatter.add.f32 [tilespmem:s6], [sflag:$0x1], $0x1, s18, s8, $0xb8;
	[tilespmem:$0x1900] =	vst v63  }
0x312: {  	s19 =	simm.s32 $0xA00  }
0x313: {  	[spmem:s2] =	stream.indirect.scatter.add.f32 [tilespmem:s6], [sflag:$0x1], $0x1, s19, s8, $0xb8;
	[tilespmem:$0x1900] =	vst v63  }
0x314: {  	s20 =	simm.s32 $0xA80  }
0x315: {  	[spmem:s2] =	stream.indirect.scatter.add.f32 [tilespmem:s6], [sflag:$0x1], $0x1, s20, s8, $0xb8;
	[tilespmem:$0x1900] =	vst v63  }
0x316: {  	s21 =	simm.s32 $0xB00  }
0x317: {  	[spmem:s2] =	stream.indirect.scatter.add.f32 [tilespmem:s6], [sflag:$0x1], $0x1, s21, s8, $0xb8;
	[tilespmem:$0x1900] =	vst v63  }
0x318: {  	s17 =	simm.s32 $0xB80  }
0x319: {  	[spmem:s2] =	stream.indirect.scatter.add.f32 [tilespmem:s6], [sflag:$0x1], $0x1, s17, s8, $0xb8;
	[tilespmem:$0x1900] =	vst v63  }
0x31a: {  	_ =	swait.ge [sflag:s16], $0x7D  }
0x31b: {  	[sflag:s16] =	ssyncset.done $0x0  }
0x31c: {  	[sflag:s16] =	ssyncadd.s32 $0xFFFFFF83  }
0x31d: {  	_ =	swait.ge [sflag:s16], $0x7D  }
0x31e: {  	[sflag:s16] =	ssyncset.done $0x0  }
0x31f: {  	[sflag:s16] =	ssyncadd.s32 $0xFFFFFF83  }
0x320: {  	_ =	swait.ge [sflag:s16], $0x7D  }
0x321: {  	[sflag:s16] =	ssyncset.done $0x0  }
0x322: {  	[sflag:s16] =	ssyncadd.s32 $0xFFFFFF83  }
0x323: {  	_ =	swait.ge [sflag:s16], $0x7D  }
0x324: {  	[sflag:s16] =	ssyncset.done $0x0  }
0x325: {  	[sflag:s16] =	ssyncadd.s32 $0xFFFFFF83  }
0x326: {  	_ =	swait.ge [sflag:s16], $0x7D  }
0x327: {  	[sflag:s16] =	ssyncset.done $0x0  }
0x328: {  	[sflag:s16] =	ssyncadd.s32 $0xFFFFFF83  }
0x329: {  	_ =	swait.ge [sflag:s16], $0x7D  }
0x32a: {  	[sflag:s16] =	ssyncset.done $0x0  }
0x32b: {  	[sflag:s16] =	ssyncadd.s32 $0xFFFFFF83  }
0x32c: {  	_ =	swait.ge [sflag:s16], $0x7D  }
0x32d: {  	[sflag:s16] =	ssyncset.done $0x0  }
0x32e: {  	[sflag:s16] =	ssyncadd.s32 $0xFFFFFF83  }
0x32f: {  	_ =	swait.ge [sflag:s16], $0x7D  }
0x330: {  	[sflag:s16] =	ssyncset.done $0x0  }
0x331: {  	s22 =	simm.s32 $0xC00;
	[sflag:s16] =	ssyncadd.s32 $0xFFFFFF83  }
0x332: {  	[spmem:s2] =	stream.indirect.scatter.add.f32 [tilespmem:s6], [sflag:$0x1], $0x1, s22, s8, $0xb8;
	[tilespmem:$0x1900] =	vst v63  }
0x333: {  	s26 =	simm.s32 $0xC80  }
0x334: {  	[spmem:s2] =	stream.indirect.scatter.add.f32 [tilespmem:s6], [sflag:$0x1], $0x1, s26, s8, $0xb8;
	[tilespmem:$0x1900] =	vst v63  }
0x335: {  	s28 =	simm.s32 $0xD00  }
0x336: {  	[spmem:s2] =	stream.indirect.scatter.add.f32 [tilespmem:s6], [sflag:$0x1], $0x1, s28, s8, $0xb8;
	[tilespmem:$0x1900] =	vst v63  }
0x337: {  	s29 =	simm.s32 $0xD80  }
0x338: {  	[spmem:s2] =	stream.indirect.scatter.add.f32 [tilespmem:s6], [sflag:$0x1], $0x1, s29, s8, $0xb8;
	[tilespmem:$0x1900] =	vst v63  }
0x339: {  	s30 =	simm.s32 $0xE00  }
0x33a: {  	[spmem:s2] =	stream.indirect.scatter.add.f32 [tilespmem:s6], [sflag:$0x1], $0x1, s30, s8, $0xb8;
	[tilespmem:$0x1900] =	vst v63  }
0x33b: {  	s31 =	simm.s32 $0xE80  }
0x33c: {  	[spmem:s2] =	stream.indirect.scatter.add.f32 [tilespmem:s6], [sflag:$0x1], $0x1, s31, s8, $0xb8;
	[tilespmem:$0x1900] =	vst v63  }
0x33d: {  	s18 =	simm.s32 $0xF00  }
0x33e: {  	[spmem:s2] =	stream.indirect.scatter.add.f32 [tilespmem:s6], [sflag:$0x1], $0x1, s18, s8, $0xb8;
	[tilespmem:$0x1900] =	vst v63  }
0x33f: {  	s19 =	simm.s32 $0xF80  }
0x340: {  	[spmem:s2] =	stream.indirect.scatter.add.f32 [tilespmem:s6], [sflag:$0x1], $0x1, s19, s8, $0xb8;
	[tilespmem:$0x1900] =	vst v63  }
0x341: {  	_ =	swait.ge [sflag:s16], $0x7D  }
0x342: {  	[sflag:s16] =	ssyncset.done $0x0  }
0x343: {  	[sflag:s16] =	ssyncadd.s32 $0xFFFFFF83  }
0x344: {  	_ =	swait.ge [sflag:s16], $0x7D  }
0x345: {  	[sflag:s16] =	ssyncset.done $0x0  }
0x346: {  	[sflag:s16] =	ssyncadd.s32 $0xFFFFFF83  }
0x347: {  	_ =	swait.ge [sflag:s16], $0x7D  }
0x348: {  	[sflag:s16] =	ssyncset.done $0x0  }
0x349: {  	[sflag:s16] =	ssyncadd.s32 $0xFFFFFF83  }
0x34a: {  	_ =	swait.ge [sflag:s16], $0x7D  }
0x34b: {  	[sflag:s16] =	ssyncset.done $0x0  }
0x34c: {  	[sflag:s16] =	ssyncadd.s32 $0xFFFFFF83  }
0x34d: {  	_ =	swait.ge [sflag:s16], $0x7D  }
0x34e: {  	[sflag:s16] =	ssyncset.done $0x0  }
0x34f: {  	[sflag:s16] =	ssyncadd.s32 $0xFFFFFF83  }
0x350: {  	_ =	swait.ge [sflag:s16], $0x7D  }
0x351: {  	[sflag:s16] =	ssyncset.done $0x0  }
0x352: {  	[sflag:s16] =	ssyncadd.s32 $0xFFFFFF83  }
0x353: {  	_ =	swait.ge [sflag:s16], $0x7D  }
0x354: {  	[sflag:s16] =	ssyncset.done $0x0  }
0x355: {  	[sflag:s16] =	ssyncadd.s32 $0xFFFFFF83  }
0x356: {  	_ =	swait.ge [sflag:s16], $0x7D  }
0x357: {  	[sflag:s16] =	ssyncset.done $0x0  }
0x358: {  	s20 =	simm.s32 $0x1000;
	[sflag:s16] =	ssyncadd.s32 $0xFFFFFF83  }
0x359: {  	[spmem:s2] =	stream.indirect.scatter.add.f32 [tilespmem:s6], [sflag:$0x1], $0x1, s20, s8, $0xb8;
	[tilespmem:$0x1900] =	vst v63  }
0x35a: {  	s21 =	simm.s32 $0x1080  }
0x35b: {  	[spmem:s2] =	stream.indirect.scatter.add.f32 [tilespmem:s6], [sflag:$0x1], $0x1, s21, s8, $0xb8;
	[tilespmem:$0x1900] =	vst v63  }
0x35c: {  	s22 =	simm.s32 $0x1100  }
0x35d: {  	[spmem:s2] =	stream.indirect.scatter.add.f32 [tilespmem:s6], [sflag:$0x1], $0x1, s22, s8, $0xb8;
	[tilespmem:$0x1900] =	vst v63  }
0x35e: {  	s24 =	simm.s32 $0x1180  }
0x35f: {  	[spmem:s2] =	stream.indirect.scatter.add.f32 [tilespmem:s6], [sflag:$0x1], $0x1, s24, s8, $0xb8;
	[tilespmem:$0x1900] =	vst v63  }
0x360: {  	s25 =	simm.s32 $0x1200  }
0x361: {  	[spmem:s2] =	stream.indirect.scatter.add.f32 [tilespmem:s6], [sflag:$0x1], $0x1, s25, s8, $0xb8;
	[tilespmem:$0x1900] =	vst v63  }
0x362: {  	s26 =	simm.s32 $0x1280  }
0x363: {  	[spmem:s2] =	stream.indirect.scatter.add.f32 [tilespmem:s6], [sflag:$0x1], $0x1, s26, s8, $0xb8;
	[tilespmem:$0x1900] =	vst v63  }
0x364: {  	s28 =	simm.s32 $0x1300  }
0x365: {  	[spmem:s2] =	stream.indirect.scatter.add.f32 [tilespmem:s6], [sflag:$0x1], $0x1, s28, s8, $0xb8;
	[tilespmem:$0x1900] =	vst v63  }
0x366: {  	s29 =	simm.s32 $0x1380  }
0x367: {  	[spmem:s2] =	stream.indirect.scatter.add.f32 [tilespmem:s6], [sflag:$0x1], $0x1, s29, s8, $0xb8;
	[tilespmem:$0x1900] =	vst v63  }
0x368: {  	_ =	swait.ge [sflag:s16], $0x7D  }
0x369: {  	[sflag:s16] =	ssyncset.done $0x0  }
0x36a: {  	[sflag:s16] =	ssyncadd.s32 $0xFFFFFF83  }
0x36b: {  	_ =	swait.ge [sflag:s16], $0x7D  }
0x36c: {  	[sflag:s16] =	ssyncset.done $0x0  }
0x36d: {  	[sflag:s16] =	ssyncadd.s32 $0xFFFFFF83  }
0x36e: {  	_ =	swait.ge [sflag:s16], $0x7D  }
0x36f: {  	[sflag:s16] =	ssyncset.done $0x0  }
0x370: {  	[sflag:s16] =	ssyncadd.s32 $0xFFFFFF83  }
0x371: {  	_ =	swait.ge [sflag:s16], $0x7D  }
0x372: {  	[sflag:s16] =	ssyncset.done $0x0  }
0x373: {  	[sflag:s16] =	ssyncadd.s32 $0xFFFFFF83  }
0x374: {  	_ =	swait.ge [sflag:s16], $0x7D  }
0x375: {  	[sflag:s16] =	ssyncset.done $0x0  }
0x376: {  	[sflag:s16] =	ssyncadd.s32 $0xFFFFFF83  }
0x377: {  	_ =	swait.ge [sflag:s16], $0x7D  }
0x378: {  	[sflag:s16] =	ssyncset.done $0x0  }
0x379: {  	[sflag:s16] =	ssyncadd.s32 $0xFFFFFF83  }
0x37a: {  	_ =	swait.ge [sflag:s16], $0x7D  }
0x37b: {  	[sflag:s16] =	ssyncset.done $0x0  }
0x37c: {  	[sflag:s16] =	ssyncadd.s32 $0xFFFFFF83  }
0x37d: {  	_ =	swait.ge [sflag:s16], $0x7D  }
0x37e: {  	[sflag:s16] =	ssyncset.done $0x0  }
0x37f: {  	[sflag:s16] =	ssyncadd.s32 $0xFFFFFF83  }
0x380: {  	[bflag:$0x0] =	sbarrier.arrive $0xFFFF  }
0x381: {  	s30 =	rddreg [dreg:$0x9]  }
0x382: {  	[tilespmem:s6], [sflag:$0x2] =	stream.linear.gather [spmem:s30], $0x280, $0x38;
	[tilespmem:$0x1900] =	vst v63  }
0x383: {  	_ =	swait.ge [sflag:s7], $0x280  }
0x384: {  	p0 =	sne.s32 s5, $0x1;
	[sflag:s7] =	ssyncset.done $0x0  }
.Ltmp0:
0x385: {  	s31 =	rddreg [dreg:$0x8];
	[sflag:s7] =	ssyncadd.s32 $0xFFFFFD80;
	(pc) =	sbr.rel @p0 .LBB2_1-.Ltmp0, $4  }
0x386: {  	[hbm4b:s31+s23] =	stream.linear.scatter [tilespmem:s6], [sflag:$0x2], $0x280, $0x38;
	[tilespmem:$0x1900] =	vst v63  }
0x387: {  	_ =	swait.ge [sflag:s7], $0x280  }
0x388: {  	[sflag:s7] =	ssyncset.done $0x0  }
0x389: {  	s5 =	sadd.s32 $0xFFFFFFFF, s5;
	[sflag:s7] =	ssyncadd.s32 $0xFFFFFD80  }
0x38a: {  	_ =	sfence.sel $0x180000  }
0x38b: {  	[bflag:$0x0] =	sbarrier.arrive $0xFFFF  }
0x38c: {  	_ =	strace $0x90000047  }
0x38d: {  	s0 =	stileid.u32;
	[bflag:$0x2] =	sbarrier.arrive $0xFFFF  }
0x38e: {  	p0 =	sne.s32 s0, $0x0;
	s0 =	rddreg [dreg:$0x3]  }
0x38f: {  	s0 =	sadd.s32 @!p0 $0x100000, s0  }
0x390: {  	[sflag:s0] =	ssyncadd.tile.s32 @!p0 $0x1;
	_ =	shalt  }
.Lfunc_end2:
_tile_overlayer_lowered:
.L_overlay_start_2:
0x391: {  	(tag) =	ssettag $0x2  }
0x392: {  	s0 =	rddreg [dreg:$0x0];
	s2 =	stileid.u32  }
0x393: {  	s1 =	rddreg [dreg:$0x1];
	p0 =	sne.s32 s2, $0x0  }
0x394: {  	s3 =	rddreg [dreg:$0x2];
	[bflag:$0x3] =	sbarrier.arrive $0xFFFF;
	s2 =	simm.s32 @!p0 $0x1C02  }
0x395: {  	[timem:s3], [sflag:s2] =	dma.local @!p0 [hbm:s0], s1  }
0x396: {  	s0 =	simm.s32 @!p0 $0x2  }
0x397: {  	_ =	swait.ge @!p0 [sflag:s0], s1  }
0x398: {  	s1 =	ssub.s32 @!p0 $0x0, s1;
	[sflag:s0] =	ssyncset.done @!p0 $0x0  }
0x399: {  	[sflag:s0] =	ssyncadd.s32 @!p0 s1  }
0x39a: {  	[bflag:$0x3] =	sbarrier.arrive $0xFFFF  }
0x39b: {  	_ =	shalt  }

// kernel: kernel.9.cloned.1.call-start
scs
__scs_entry_jumppad:
0x0: {  	(pc) =	sbr.rel $0x88, $3  }
0x1: {  	(tag) =	ssettag $0x0;
	lr =	simm.s32 $0x1  }
0x2: {  	[smem:$0x3F9D] =	sst lr;
	_ =	strace $0xD0000000  }
0x3: {  	_ = 	snop  }
0x4: {  	_ = 	snop  }
0x5: {  	_ = 	snop  }
0x6: {  	_ = 	snop  }
0x7: {  	_ = 	snop  }
__scs_overlays_trampoline_lowered:
0x8: {  	[smem:$0x3FAC] =	sst s0  }
0x9: {  	[smem:$0x3FAD] =	sst s1  }
0xa: {  	[smem:$0x3FAE] =	sst s2  }
0xb: {  	[smem:$0x3FAF] =	sst s3  }
0xc: {  	[smem:$0x3FB0] =	sst s4  }
0xd: {  	[smem:$0x3FB1] =	sst s5  }
0xe: {  	[smem:$0x3FB2] =	sst s6  }
0xf: {  	[smem:$0x3FB3] =	sst s7  }
0x10: {  	[smem:$0x3FB4] =	sst s8  }
0x11: {  	[smem:$0x3FB5] =	sst s9;
	s0 =	simm.s32 @!p0 $0x0  }
0x12: {  	s1 =	sld [smem:$0x3F9B];
	s0 =	simm.s32 @p0 $0x1  }
0x13: {  	[smem:$0x3FB6] =	sst s0;
	s0 =	simm.s32 @!p1 $0x0  }
0x14: {  	s2 =	sld [smem:$0x3F9A];
	s0 =	simm.s32 @p1 $0x1  }
0x15: {  	[smem:$0x3FB7] =	sst s0;
	s0 =	simm.s32 @!p2 $0x0  }
0x16: {  	s3 =	sld [smem:$0x3FDB];
	s0 =	simm.s32 @p2 $0x1  }
0x17: {  	s4 =	simm.s32 $0x1BF5;
	[smem:$0x3FB9] =	sst s0  }
0x18: {  	s0 =	sld [smem:$0x3F9C];
	_ =	swait.ge [sflag:s4], $0x0  }
0x19: {  	s7 =	sld [smem:$0x3F9D]  }
0x1a: {  	s8 =	sadd.s32 $0xFFFFE003, lr  }
0x1b: {  	s9 =	sadd.s32 $0xFFFFFEF7, lr;
	s5 =	simm.s32 $0xFFFFFFFF;
	p2 =	slt.u32 s8, $0xFFFFF086  }
0x1c: {  	p1 =	slt.u32 s9, $0xF7A;
	s5 =	simm.s32 @!p2 $0x0  }
0x1d: {  	s5 =	simm.s32 @p1 $0x1;
	p0 =	seq.s32 s7, s2  }
0x1e: {  	s7 =	smul.u32 @!p0 $0xF7A, s2;
	p2 =	seq.s32 @!p0 s5, $0x0  }
0x1f: {  	s9 =	smul.u32 $0xF7A, s1;
	s8 =	simm.s32 @!p0 $0x1BF5;
	p2 =	por !p2, p0  }
0x20: {  	[sflag:s8] =	ssyncset.s32 @!p0 $0xFFFFF086;
	s6 =	sadd.s32 @!p0 s3, s7;
	s7 =	simm.s32 @!p0 $0x108  }
0x21: {  	s3 =	sadd.s32 s3, s9;
	s6 =	sadd.s32 @!p0 $0x88, s6;
	s7 =	simm.s32 @p2 $0x1082  }
0x22: {  	[simem:s7], [sflag:s8] =	dma.local @!p0 [hbm:s6], $0xF7A  }
0x23: {  	s9 =	sor.u32 $0xD0000000, s2;
	s6 =	simm.s32 $0x108;
	_ =	swait.ge @!p0 [sflag:s8], $0x0  }
0x24: {  	s3 =	sadd.s32 $0x88, s3;
	s6 =	simm.s32 @!p1 $0x1082;
	[sflag:s4] =	ssyncset.s32 $0xFFFFF086  }
0x25: {  	[simem:s6], [sflag:s4] =	dma.local [hbm:s3], $0xF7A  }
0x26: {  	[smem:$0x3F9D] =	sst s1;
	(tag) =	ssettag s2;
	_ =	strace s9  }
0x27: {  	s1 =	sld [smem:$0x3FAD]  }
0x28: {  	s2 =	sld [smem:$0x3FAE]  }
0x29: {  	s4 =	sld [smem:$0x3FB0]  }
0x2a: {  	p0 =	seq.s32 s5, $0x0;
	s5 =	sld [smem:$0x3FB1]  }
0x2b: {  	s6 =	sld [smem:$0x3FB2]  }
0x2c: {  	s7 =	sld [smem:$0x3FB3]  }
0x2d: {  	s3 =	simm.s32 $0x108;
	s8 =	sld [smem:$0x3FB4]  }
0x2e: {  	s3 =	simm.s32 @!p0 $0x1082;
	s9 =	sld [smem:$0x3FB5]  }
0x2f: {  	lr =	sadd.s32 s0, s3;
	s0 =	sld [smem:$0x3FAC]  }
0x30: {  	s3 =	sld [smem:$0x3FAF]  }
0x31: {  	[smem:$0x3FB8] =	sst s10  }
0x32: {  	s10 =	sld [smem:$0x3FB6];
	_ =	sdelay $0x3  }
0x33: {  	p0 =	seq.s32 s10, $0x1;
	s10 =	sld [smem:$0x3FB8];
	_ =	sdelay $0x3  }
0x34: {  	[smem:$0x3FB8] =	sst s10  }
0x35: {  	s10 =	sld [smem:$0x3FB7];
	_ =	sdelay $0x3  }
0x36: {  	p1 =	seq.s32 s10, $0x1;
	s10 =	sld [smem:$0x3FB8];
	_ =	sdelay $0x3  }
0x37: {  	[smem:$0x3FB8] =	sst s10  }
0x38: {  	s10 =	sld [smem:$0x3FB9]  }
0x39: {  	_ = 	snop;
	(pc) =	sbr.ind lr, $3  }
0x3a: {  	_ = 	snop  }
0x3b: {  	_ = 	snop  }
0x3c: {  	p2 =	seq.s32 s10, $0x1;
	s10 =	sld [smem:$0x3FB8]  }
0x3d: {  	_ =	shalt  }
0x3e: {  	_ =	shalt  }
0x3f: {  	_ =	shalt  }
0x40: {  	_ =	shalt  }
0x41: {  	_ =	shalt  }
0x42: {  	_ =	shalt  }
0x43: {  	_ =	shalt  }
0x44: {  	_ =	shalt  }
0x45: {  	_ =	shalt  }
0x46: {  	_ =	shalt  }
0x47: {  	_ =	shalt  }
0x48: {  	_ =	shalt  }
0x49: {  	_ =	shalt  }
0x4a: {  	_ =	shalt  }
0x4b: {  	_ =	shalt  }
0x4c: {  	_ =	shalt  }
0x4d: {  	_ =	shalt  }
0x4e: {  	_ =	shalt  }
0x4f: {  	_ =	shalt  }
0x50: {  	_ =	shalt  }
0x51: {  	_ =	shalt  }
0x52: {  	_ =	shalt  }
0x53: {  	_ =	shalt  }
0x54: {  	_ =	shalt  }
0x55: {  	_ =	shalt  }
0x56: {  	_ =	shalt  }
0x57: {  	_ =	shalt  }
0x58: {  	_ =	shalt  }
0x59: {  	_ =	shalt  }
0x5a: {  	_ =	shalt  }
0x5b: {  	_ =	shalt  }
0x5c: {  	_ =	shalt  }
0x5d: {  	_ =	shalt  }
0x5e: {  	_ =	shalt  }
0x5f: {  	_ =	shalt  }
0x60: {  	_ =	shalt  }
0x61: {  	_ =	shalt  }
0x62: {  	_ =	shalt  }
0x63: {  	_ =	shalt  }
0x64: {  	_ =	shalt  }
0x65: {  	_ =	shalt  }
0x66: {  	_ =	shalt  }
0x67: {  	_ =	shalt  }
0x68: {  	_ =	shalt  }
0x69: {  	_ =	shalt  }
0x6a: {  	_ =	shalt  }
0x6b: {  	_ =	shalt  }
0x6c: {  	_ =	shalt  }
0x6d: {  	_ =	shalt  }
0x6e: {  	_ =	shalt  }
0x6f: {  	_ =	shalt  }
0x70: {  	_ =	shalt  }
0x71: {  	_ =	shalt  }
0x72: {  	_ =	shalt  }
0x73: {  	_ =	shalt  }
0x74: {  	_ =	shalt  }
0x75: {  	_ =	shalt  }
0x76: {  	_ =	shalt  }
0x77: {  	_ =	shalt  }
0x78: {  	_ =	shalt  }
0x79: {  	_ =	shalt  }
0x7a: {  	_ =	shalt  }
0x7b: {  	_ =	shalt  }
0x7c: {  	_ =	shalt  }
0x7d: {  	_ =	shalt  }
0x7e: {  	_ =	shalt  }
0x7f: {  	_ =	shalt  }
0x80: {  	_ =	shalt  }
0x81: {  	_ =	shalt  }
0x82: {  	_ =	shalt  }
0x83: {  	_ =	shalt  }
0x84: {  	_ =	shalt  }
0x85: {  	_ =	shalt  }
0x86: {  	_ =	shalt  }
0x87: {  	_ =	shalt  }
.Lfunc_end0:
.L_simem_size_0:
called_computation.1_lowered:
.L_overlay_start_0:
0x88: {  	s2 =	sld [smem:$0x3FD9]  }
0x89: {  	s3 =	sld [smem:$0x3FFE];
	_ =	sdelay $0x1  }
0x8a: {  	s1 =	srdreg.scid  }
0x8b: {  	s0 =	sand.u32 $0x1, s1  }
0x8c: {  	s17 =	sshll.u32 s0, $0xA;
	s2 =	sadd.s32 s3, s2  }
0x8d: {  	s2 =	sadd.s32 s2, s17  }
0x8e: {  	[smem:$0x3FC4] =	sst s2  }
0x8f: {  	_ = 	snop  }
0x90: {  	s2 =	sld [smem:$0x3FD0];
	(tm) =	ssettm $0x1  }
0x91: {  	s18 =	sld [smem:$0x3FFB];
	_ =	sdelay $0x3  }
0x92: {  	_ =	strace s18  }
0x93: {  	s3 =	sld [smem:$0x3FFC];
	_ =	sdelay $0x3  }
0x94: {  	_ =	strace s3  }
0x95: {  	s3 =	sld [smem:$0x3FFD];
	_ =	sdelay $0x3  }
0x96: {  	_ =	strace s3  }
0x97: {  	_ =	strace $0x8FFFFFFF  }
0x98: {  	s19 =	sld [smem:$0x3FDB];
	_ =	sdelay $0x1  }
0x99: {  	s4 =	simm.s32 $_scs_section_size  }
0x9a: {  	s5 =	simm.s32 $_size__tile_overlayer_lowered;
	s6 =	simm.s32 $_tile_overlayer_lowered  }
0x9b: {  	s22 =	simm.s32 $0x1BFF;
	s21 =	sshll.u32 s6, $0x1;
	s3 =	sadd.s32 s4, s19  }
0x9c: {  	s7 =	simm.s32 $0x0;
	s20 =	sshll.u32 s5, $0x1;
	s5 =	sadd.s32 s21, s3  }
0x9d: {  	[timem:s7], [sflag:s22] =	dma.local [hbm:s5], s20  }
0x9e: {  	_ =	swait.ge [sflag:s22], s20  }
0x9f: {  	s4 =	ssub.s32 $0x0, s20;
	[sflag:s22] =	ssyncset.done $0x0  }
0xa0: {  	[sflag:s22] =	ssyncadd.s32 s4;
	_ =	sdelay $0x1  }
0xa1: {  	s23 =	simm.s32 $0x1B8B  }
0xa2: {  	_ =	swait.ge [sflag:s23], $0x1  }
0xa3: {  	[sflag:s23] =	ssyncset.done $0x0  }
0xa4: {  	s25 =	simm.s32 $0x1B8E;
	s24 =	sld [smem:$0x3FFE];
	[sflag:s23] =	ssyncadd.s32 $0xFFFFFFFF  }
0xa5: {  	s26 =	simm.s32 $execute0_lowered;
	[smem:$0x3FD2] =	sst s25  }
0xa6: {  	s5 =	sshll.u32 s26, $0x1;
	_ =	strace $0x80000049;
	[dreg:$0x1] =	wrdreg $0xFFFFFFFF  }
0xa7: {  	s28 =	simm.s32 $_size_execute0_lowered;
	s3 =	sadd.s32 s3, s5;
	[dreg:$0x0] =	wrdreg $0x0  }
0xa8: {  	s5 =	sshll.u32 s28, $0x1;
	[dreg:$0x2] =	wrdreg s3  }
0xa9: {  	[dreg:$0x3] =	wrdreg s5  }
0xaa: {  	[dreg:$0x4] =	wrdreg $0xC0  }
0xab: {  	_ =	task [dreg:s7], $0x5FFFF  }
0xac: {  	[dreg:$0x1] =	wrdreg $0xFFFFFFFF  }
0xad: {  	[dreg:$0x0] =	wrdreg $0x60  }
0xae: {  	[dreg:$0x2] =	wrdreg s2  }
0xaf: {  	[dreg:$0x3] =	wrdreg s24  }
0xb0: {  	[dreg:$0x4] =	wrdreg $0xA8000  }
0xb1: {  	[dreg:$0x5] =	wrdreg $0x9  }
0xb2: {  	_ =	task.clear_ibuf [dreg:s7], $0x6FFFF;
	_ =	strace $0x90000049  }
0xb3: {  	s29 =	simm.s32 $0x9;
	_ =	strace $0x8000004B  }
0xb4: {  	_ =	swait.ge [sflag:s29], $0x1  }
0xb5: {  	[sflag:s29] =	ssyncadd.s32 $0xFFFFFFFF  }
0xb6: {  	_ =	strace $0x9000004B  }
0xb7: {  	_ =	sfence  }
0xb8: {  	s30 =	sld [smem:$0x0];
	_ =	sdelay $0x2  }
0xb9: {  	s31 =	sshll.u32 s1, $0xD;
	s1 =	sshrl.u32 s1, $0x2  }
0xba: {  	s3 =	sand.u32 $0x4000, s31;
	s1 =	sadd.s32 s1, s30  }
0xbb: {  	s0 =	sor.u32 s3, s0;
	s1 =	sshll.u32 s1, $0x11  }
0xbc: {  	s0 =	sor.u32 s1, s0  }
0xbd: {  	s0 =	sadd.s32 $0x8F2B, s0  }
0xbe: {  	[sflag:s0] =	ssyncadd.remote.s32 $0x1  }
0xbf: {  	_ =	sfence.sel $0xFFFF  }
0xc0: {  	[dreg:$0x0] =	wrdreg $0xFFFFFFFF;
	(pc) =	sbr.abs _section_cstart, $3  }
0xc1: {  	[dreg:$0x1] =	wrdreg $0xFFFFFFFF  }
0xc2: {  	_ =	task.clear_ibuf [dreg:s7], $0x2FFFF;
	_ =	strace $0x9FFFFFFF  }
0xc3: {  	(tm) =	ssettm $0x7FFFFFFF  }
tec
execute0_lowered:
.L_overlay_start_1:
0x0: {  	(tag) =	ssettag $0x1  }
0x1: {  	s1 =	rddreg [dreg:$0x0]  }
0x2: {  	s0 =	srdreg.scid;
	s6 =	rddreg [dreg:$0x1]  }
0x3: {  	s3 =	rddreg [dreg:$0x2];
	s4 =	simm.s32 $0x0;
	s19 =	simm.s32 $0x2800  }
0x4: {  	s20 =	simm.s32 $0x3;
	s21 =	simm.s32 $0x1400;
	s22 =	simm.s32 $0x7D  }
0x5: {  	s23 =	simm.s32 $0x80;
	s24 =	simm.s32 $0x6800;
	s5 =	sand.u32 $0x1, s0  }
0x6: {  	s25 =	simm.s32 $0x1;
	s0 =	stileid.u32;
	s8 =	smul.u32 $0x140000, s5  }
0x7: {  	s28 =	simm.s32 $0x2700;
	s2 =	sshll.u32 s5, $0x4;
	s9 =	smul.u32 $0x14000, s0  }
0x8: {  	s29 =	simm.s32 $0x2780;
	s31 =	smul.u32 $0x50000, s0;
	s2 =	sor.u32 s0, s2  }
0x9: {  	[smem:$0x7FF] =	sst s4;
	s5 =	ssub.s32 $0x2, s5;
	s7 =	smul.u32 $0x2800, s2  }
0xa: {  	_ =	strace $0x8000004A;
	s30 =	sshrl.u32 s5, $0x1;
	s26 =	sadd.s32 s9, s8  }
0xb: {  	s12 =	ssub.s32 s5, s30;
	s13 =	sshrl.u32 s31, $0x2;
	s7 =	sshrl.u32 s7, $0x3  }
0xc: {  	s10 =	sadd.s32 s7, s6;
	s7 =	sshrl.u32 s26, $0x3;
	s26 =	simm.s32 $0x2  }
0xd: {  	s11 =	sadd.s32 s7, s6;
	s5 =	sadd.s32 $0x1600, s10;
	s6 =	sadd.s32 $0xB600, s10  }
0xe: {  	s7 =	sadd.s32 $0x1880, s10;
	s8 =	sadd.s32 $0xB880, s10;
	s10 =	sadd.s32 s13, s3  }
0xf: {  	s9 =	sadd.s32 $0x15600, s11;
	s11 =	smax.u32 s12, $0x1;
	s12 =	sadd.s32 $0x2800, s10  }
0x10: {  	s13 =	sadd.s32 $0x5000, s10;
	s14 =	sadd.s32 $0x7800, s10;
	s15 =	sadd.s32 $0xA000, s10  }
0x11: {  	v0 =	vimm.f32 $0.0e+00;
	s16 =	sadd.s32 $0xC800, s10;
	s17 =	sadd.s32 $0xF000, s10;
	s18 =	sadd.s32 $0x11800, s10  }
.LBB2_1:
0x12: {  	s30 =	simm.s32 $0x70;
	s31 =	simm.s32 $0x3C0  }
.LBB2_2:
0x13: {  	p0 =	sne.s32 s31, $0xF9C0;
	[tilespmem:s30+$0x2800] =	vst v0  }
0x14: {  	[tilespmem:s30+$0x2790] =	vst v0  }
0x15: {  	[tilespmem:s30+$0x27A0] =	vst v0  }
.Ltmp0:
0x16: {  	[tilespmem:s30+$0x27B0] =	vst v0;
	(pc) =	sbr.rel @p0 .LBB2_2-.Ltmp0, $4  }
0x17: {  	[tilespmem:s30+$0x27C0] =	vst v0  }
0x18: {  	[tilespmem:s30+$0x27D0] =	vst v0  }
0x19: {  	[tilespmem:s30+$0x27E0] =	vst v0  }
0x1a: {  	[tilespmem:s30+$0x27F0] =	vst v0;
	s30 =	sshra.s32 s31, $0x2;
	s31 =	sadd.s32 $0x200, s31  }
0x1b: {  	[tilespmem:s30+$0x2800] =	vst v0  }
0x1c: {  	[tilespmem:s30+$0x2790] =	vst v0  }
0x1d: {  	[tilespmem:s30+$0x27A0] =	vst v0  }
0x1e: {  	[tilespmem:s30+$0x27B0] =	vst v0  }
0x1f: {  	[tilespmem:s30+$0x27C0] =	vst v0  }
0x20: {  	[tilespmem:s30+$0x27D0] =	vst v0  }
0x21: {  	[tilespmem:s30+$0x27E0] =	vst v0  }
0x22: {  	[tilespmem:s30+$0x27F0] =	vst v0  }
0x23: {  	[spmem:s10] =	stream.linear.scatter [tilespmem:s19], [sflag:$0x3], $0x2800, $0x38;
	[tilespmem:$0x1E800] =	vst v63  }
0x24: {  	_ =	swait.ge [sflag:s20], $0x2800  }
0x25: {  	[sflag:s20] =	ssyncset.done $0x0  }
0x26: {  	[sflag:s20] =	ssyncadd.s32 $0xFFFFD800  }
0x27: {  	[spmem:s12] =	stream.linear.scatter [tilespmem:s19], [sflag:$0x3], $0x2800, $0x38;
	[tilespmem:$0x1E800] =	vst v63  }
0x28: {  	_ =	swait.ge [sflag:s20], $0x2800  }
0x29: {  	[sflag:s20] =	ssyncset.done $0x0  }
0x2a: {  	[sflag:s20] =	ssyncadd.s32 $0xFFFFD800  }
0x2b: {  	[spmem:s13] =	stream.linear.scatter [tilespmem:s19], [sflag:$0x3], $0x2800, $0x38;
	[tilespmem:$0x1E800] =	vst v63  }
0x2c: {  	_ =	swait.ge [sflag:s20], $0x2800  }
0x2d: {  	[sflag:s20] =	ssyncset.done $0x0  }
0x2e: {  	[sflag:s20] =	ssyncadd.s32 $0xFFFFD800  }
0x2f: {  	[spmem:s14] =	stream.linear.scatter [tilespmem:s19], [sflag:$0x3], $0x2800, $0x38;
	[tilespmem:$0x1E800] =	vst v63  }
0x30: {  	_ =	swait.ge [sflag:s20], $0x2800  }
0x31: {  	[sflag:s20] =	ssyncset.done $0x0  }
0x32: {  	[sflag:s20] =	ssyncadd.s32 $0xFFFFD800  }
0x33: {  	[spmem:s15] =	stream.linear.scatter [tilespmem:s19], [sflag:$0x3], $0x2800, $0x38;
	[tilespmem:$0x1E800] =	vst v63  }
0x34: {  	_ =	swait.ge [sflag:s20], $0x2800  }
0x35: {  	[sflag:s20] =	ssyncset.done $0x0  }
0x36: {  	[sflag:s20] =	ssyncadd.s32 $0xFFFFD800  }
0x37: {  	[spmem:s16] =	stream.linear.scatter [tilespmem:s19], [sflag:$0x3], $0x2800, $0x38;
	[tilespmem:$0x1E800] =	vst v63  }
0x38: {  	_ =	swait.ge [sflag:s20], $0x2800  }
0x39: {  	[sflag:s20] =	ssyncset.done $0x0  }
0x3a: {  	[sflag:s20] =	ssyncadd.s32 $0xFFFFD800  }
0x3b: {  	[spmem:s17] =	stream.linear.scatter [tilespmem:s19], [sflag:$0x3], $0x2800, $0x38;
	[tilespmem:$0x1E800] =	vst v63  }
0x3c: {  	_ =	swait.ge [sflag:s20], $0x2800  }
0x3d: {  	[sflag:s20] =	ssyncset.done $0x0  }
0x3e: {  	[sflag:s20] =	ssyncadd.s32 $0xFFFFD800  }
0x3f: {  	[spmem:s18] =	stream.linear.scatter [tilespmem:s19], [sflag:$0x3], $0x2800, $0x38;
	[tilespmem:$0x1E800] =	vst v63  }
0x40: {  	_ =	swait.ge [sflag:s20], $0x2800  }
0x41: {  	[sflag:s20] =	ssyncset.done $0x0  }
0x42: {  	[sflag:s20] =	ssyncadd.s32 $0xFFFFD800  }
0x43: {  	s30 =	simm.s32 $0x0;
	[bflag:$0x0] =	sbarrier.arrive $0xFFFF  }
0x44: {  	[tilespmem:s30], [sflag:$0x3] =	stream.linear.gather [hbm4b:s5+s30], $0x1400, $0x38;
	[tilespmem:$0x1E800] =	vst v63  }
0x45: {  	_ =	swait.ge [sflag:s20], $0x1400  }
0x46: {  	[sflag:s20] =	ssyncset.done $0x0  }
0x47: {  	[sflag:s20] =	ssyncadd.s32 $0xFFFFEC00  }
0x48: {  	[tilespmem:s21], [sflag:$0x3] =	stream.linear.gather [hbm4b:s6+s30], $0x1400, $0x38;
	[tilespmem:$0x1E800] =	vst v63  }
0x49: {  	_ =	swait.ge [sflag:s20], $0x1400  }
0x4a: {  	[sflag:s20] =	ssyncset.done $0x0  }
0x4b: {  	[sflag:s20] =	ssyncadd.s32 $0xFFFFEC00  }
0x4c: {  	[tilespmem:s19], [sflag:$0x1] =	stream.indirect.gather [hbm4b:s1+s22], $0x80, s30, s22, $0xb8;
	[tilespmem:$0x1E800] =	vst v63  }
0x4d: {  	_ = 	snop  }
0x4e: {  	[tilespmem:s24], [sflag:$0x2] =	stream.indirect.gather [hbm4b:s1+s22], $0x80, s23, s22, $0xb8;
	[tilespmem:$0x1E800] =	vst v63  }
0x4f: {  	_ =	swait.ge [sflag:s25], $0x3E80  }
0x50: {  	[sflag:s25] =	ssyncset.done $0x0  }
0x51: {  	s30 =	simm.s32 $0x1400;
	[sflag:s25] =	ssyncadd.s32 $0xFFFFC180  }
0x52: {  	[spmem:s3] =	stream.indirect.scatter.add.f32 [tilespmem:s19], [sflag:$0x3], $0x80, s30, s22, $0xb8;
	[tilespmem:$0x1E800] =	vst v63  }
0x53: {  	_ =	swait.ge [sflag:s20], $0x3E80  }
0x54: {  	[sflag:s20] =	ssyncset.done $0x0  }
0x55: {  	s30 =	simm.s32 $0x100;
	[sflag:s20] =	ssyncadd.s32 $0xFFFFC180  }
0x56: {  	[tilespmem:s19], [sflag:$0x1] =	stream.indirect.gather [hbm4b:s1+s22], $0x80, s30, s22, $0xb8;
	[tilespmem:$0x1E800] =	vst v63  }
0x57: {  	_ =	swait.ge [sflag:s26], $0x3E80  }
0x58: {  	[sflag:s26] =	ssyncset.done $0x0  }
0x59: {  	s30 =	simm.s32 $0x1480;
	[sflag:s26] =	ssyncadd.s32 $0xFFFFC180  }
0x5a: {  	[spmem:s3] =	stream.indirect.scatter.add.f32 [tilespmem:s24], [sflag:$0x3], $0x80, s30, s22, $0xb8;
	[tilespmem:$0x1E800] =	vst v63  }
0x5b: {  	_ =	swait.ge [sflag:s20], $0x3E80  }
0x5c: {  	[sflag:s20] =	ssyncset.done $0x0  }
0x5d: {  	s31 =	simm.s32 $0x180;
	s30 =	simm.s32 $0x400;
	[sflag:s20] =	ssyncadd.s32 $0xFFFFC180  }
.LBB2_4:
0x5e: {  	[tilespmem:s24], [sflag:$0x2] =	stream.indirect.gather [hbm4b:s1+s22], $0x80, s31, s22, $0xb8;
	[tilespmem:$0x1E800] =	vst v63  }
0x5f: {  	s31 =	smov.u32 s30  }
0x60: {  	p0 =	sne.s32 s30, $0x4800;
	s30 =	sadd.s32 $0x400, s30;
	_ =	swait.ge [sflag:s25], $0x3E80  }
0x61: {  	s31 =	sshra.s32 s31, $0x2;
	[sflag:s25] =	ssyncset.done $0x0  }
0x62: {  	s2 =	sadd.s32 $0x1400, s31;
	[sflag:s25] =	ssyncadd.s32 $0xFFFFC180  }
0x63: {  	[spmem:s3] =	stream.indirect.scatter.add.f32 [tilespmem:s19], [sflag:$0x3], $0x80, s2, s22, $0xb8;
	[tilespmem:$0x1E800] =	vst v63  }
0x64: {  	_ =	swait.ge [sflag:s20], $0x3E80  }
0x65: {  	[sflag:s20] =	ssyncset.done $0x0  }
0x66: {  	s2 =	sadd.s32 $0x100, s31;
	[sflag:s20] =	ssyncadd.s32 $0xFFFFC180  }
0x67: {  	[tilespmem:s19], [sflag:$0x1] =	stream.indirect.gather [hbm4b:s1+s22], $0x80, s2, s22, $0xb8;
	[tilespmem:$0x1E800] =	vst v63  }
0x68: {  	_ =	swait.ge [sflag:s26], $0x3E80  }
0x69: {  	[sflag:s26] =	ssyncset.done $0x0  }
.Ltmp1:
0x6a: {  	s2 =	sadd.s32 $0x1480, s31;
	[sflag:s26] =	ssyncadd.s32 $0xFFFFC180;
	(pc) =	sbr.rel @p0 .LBB2_4-.Ltmp1, $4  }
0x6b: {  	[spmem:s3] =	stream.indirect.scatter.add.f32 [tilespmem:s24], [sflag:$0x3], $0x80, s2, s22, $0xb8;
	[tilespmem:$0x1E800] =	vst v63  }
0x6c: {  	_ =	swait.ge [sflag:s20], $0x3E80  }
0x6d: {  	[sflag:s20] =	ssyncset.done $0x0  }
0x6e: {  	s31 =	sadd.s32 $0x180, s31;
	[sflag:s20] =	ssyncadd.s32 $0xFFFFC180  }
0x6f: {  	[tilespmem:s24], [sflag:$0x2] =	stream.indirect.gather [hbm4b:s1+s22], $0x80, s31, s22, $0xb8;
	[tilespmem:$0x1E800] =	vst v63  }
0x70: {  	_ =	swait.ge [sflag:s25], $0x3E80  }
0x71: {  	[sflag:s25] =	ssyncset.done $0x0  }
0x72: {  	[sflag:s25] =	ssyncadd.s32 $0xFFFFC180  }
0x73: {  	[spmem:s3] =	stream.indirect.scatter.add.f32 [tilespmem:s19], [sflag:$0x3], $0x80, s28, s22, $0xb8;
	[tilespmem:$0x1E800] =	vst v63  }
0x74: {  	_ =	swait.ge [sflag:s20], $0x3E80  }
0x75: {  	[sflag:s20] =	ssyncset.done $0x0  }
0x76: {  	[sflag:s20] =	ssyncadd.s32 $0xFFFFC180  }
0x77: {  	_ =	swait.ge [sflag:s26], $0x3E80  }
0x78: {  	[sflag:s26] =	ssyncset.done $0x0  }
0x79: {  	[sflag:s26] =	ssyncadd.s32 $0xFFFFC180  }
0x7a: {  	[spmem:s3] =	stream.indirect.scatter.add.f32 [tilespmem:s24], [sflag:$0x3], $0x80, s29, s22, $0xb8;
	[tilespmem:$0x1E800] =	vst v63  }
0x7b: {  	_ =	swait.ge [sflag:s20], $0x3E80  }
0x7c: {  	[sflag:s20] =	ssyncset.done $0x0  }
0x7d: {  	s2 =	simm.s32 $0x0;
	[sflag:s20] =	ssyncadd.s32 $0xFFFFC180  }
0x7e: {  	[tilespmem:s2], [sflag:$0x3] =	stream.linear.gather [hbm4b:s7+s2], $0x1400, $0x38;
	[tilespmem:$0x1E800] =	vst v63  }
0x7f: {  	_ =	swait.ge [sflag:s20], $0x1400  }
0x80: {  	[sflag:s20] =	ssyncset.done $0x0  }
0x81: {  	[sflag:s20] =	ssyncadd.s32 $0xFFFFEC00  }
0x82: {  	[tilespmem:s21], [sflag:$0x3] =	stream.linear.gather [hbm4b:s8+s2], $0x1400, $0x38;
	[tilespmem:$0x1E800] =	vst v63  }
0x83: {  	_ =	swait.ge [sflag:s20], $0x1400  }
0x84: {  	[sflag:s20] =	ssyncset.done $0x0  }
0x85: {  	[sflag:s20] =	ssyncadd.s32 $0xFFFFEC00  }
0x86: {  	[tilespmem:s19], [sflag:$0x1] =	stream.indirect.gather [hbm4b:s1+s22], $0x80, s2, s22, $0xb8;
	[tilespmem:$0x1E800] =	vst v63  }
0x87: {  	_ = 	snop  }
0x88: {  	[tilespmem:s24], [sflag:$0x2] =	stream.indirect.gather [hbm4b:s1+s22], $0x80, s23, s22, $0xb8;
	[tilespmem:$0x1E800] =	vst v63  }
0x89: {  	_ =	swait.ge [sflag:s25], $0x3E80  }
0x8a: {  	[sflag:s25] =	ssyncset.done $0x0  }
0x8b: {  	s2 =	simm.s32 $0x1400;
	[sflag:s25] =	ssyncadd.s32 $0xFFFFC180  }
0x8c: {  	[spmem:s3] =	stream.indirect.scatter.add.f32 [tilespmem:s19], [sflag:$0x3], $0x80, s2, s22, $0xb8;
	[tilespmem:$0x1E800] =	vst v63  }
0x8d: {  	_ =	swait.ge [sflag:s20], $0x3E80  }
0x8e: {  	[sflag:s20] =	ssyncset.done $0x0  }
0x8f: {  	s2 =	simm.s32 $0x100;
	[sflag:s20] =	ssyncadd.s32 $0xFFFFC180  }
0x90: {  	[tilespmem:s19], [sflag:$0x1] =	stream.indirect.gather [hbm4b:s1+s22], $0x80, s2, s22, $0xb8;
	[tilespmem:$0x1E800] =	vst v63  }
0x91: {  	_ =	swait.ge [sflag:s26], $0x3E80  }
0x92: {  	[sflag:s26] =	ssyncset.done $0x0  }
0x93: {  	s2 =	simm.s32 $0x1480;
	[sflag:s26] =	ssyncadd.s32 $0xFFFFC180  }
0x94: {  	[spmem:s3] =	stream.indirect.scatter.add.f32 [tilespmem:s24], [sflag:$0x3], $0x80, s2, s22, $0xb8;
	[tilespmem:$0x1E800] =	vst v63  }
0x95: {  	_ =	swait.ge [sflag:s20], $0x3E80  }
0x96: {  	[sflag:s20] =	ssyncset.done $0x0  }
0x97: {  	s30 =	simm.s32 $0x400;
	s31 =	simm.s32 $0x180;
	[sflag:s20] =	ssyncadd.s32 $0xFFFFC180  }
.LBB2_6:
0x98: {  	[tilespmem:s24], [sflag:$0x2] =	stream.indirect.gather [hbm4b:s1+s22], $0x80, s31, s22, $0xb8;
	[tilespmem:$0x1E800] =	vst v63  }
0x99: {  	s2 =	smov.u32 s30  }
0x9a: {  	p0 =	sne.s32 s30, $0x4800;
	s30 =	sadd.s32 $0x400, s30;
	_ =	swait.ge [sflag:s25], $0x3E80  }
0x9b: {  	s2 =	sshra.s32 s2, $0x2;
	[sflag:s25] =	ssyncset.done $0x0  }
0x9c: {  	s31 =	sadd.s32 $0x1400, s2;
	[sflag:s25] =	ssyncadd.s32 $0xFFFFC180  }
0x9d: {  	[spmem:s3] =	stream.indirect.scatter.add.f32 [tilespmem:s19], [sflag:$0x3], $0x80, s31, s22, $0xb8;
	[tilespmem:$0x1E800] =	vst v63  }
0x9e: {  	_ =	swait.ge [sflag:s20], $0x3E80  }
0x9f: {  	[sflag:s20] =	ssyncset.done $0x0  }
0xa0: {  	s31 =	sadd.s32 $0x100, s2;
	[sflag:s20] =	ssyncadd.s32 $0xFFFFC180  }
0xa1: {  	[tilespmem:s19], [sflag:$0x1] =	stream.indirect.gather [hbm4b:s1+s22], $0x80, s31, s22, $0xb8;
	[tilespmem:$0x1E800] =	vst v63  }
0xa2: {  	_ =	swait.ge [sflag:s26], $0x3E80  }
0xa3: {  	[sflag:s26] =	ssyncset.done $0x0  }
.Ltmp2:
0xa4: {  	s31 =	sadd.s32 $0x1480, s2;
	[sflag:s26] =	ssyncadd.s32 $0xFFFFC180;
	(pc) =	sbr.rel @p0 .LBB2_6-.Ltmp2, $4  }
0xa5: {  	[spmem:s3] =	stream.indirect.scatter.add.f32 [tilespmem:s24], [sflag:$0x3], $0x80, s31, s22, $0xb8;
	[tilespmem:$0x1E800] =	vst v63  }
0xa6: {  	_ =	swait.ge [sflag:s20], $0x3E80  }
0xa7: {  	[sflag:s20] =	ssyncset.done $0x0  }
0xa8: {  	s31 =	sadd.s32 $0x180, s2;
	[sflag:s20] =	ssyncadd.s32 $0xFFFFC180  }
0xa9: {  	[tilespmem:s24], [sflag:$0x2] =	stream.indirect.gather [hbm4b:s1+s22], $0x80, s31, s22, $0xb8;
	[tilespmem:$0x1E800] =	vst v63  }
0xaa: {  	_ =	swait.ge [sflag:s25], $0x3E80  }
0xab: {  	[sflag:s25] =	ssyncset.done $0x0  }
0xac: {  	[sflag:s25] =	ssyncadd.s32 $0xFFFFC180  }
0xad: {  	[spmem:s3] =	stream.indirect.scatter.add.f32 [tilespmem:s19], [sflag:$0x3], $0x80, s28, s22, $0xb8;
	[tilespmem:$0x1E800] =	vst v63  }
0xae: {  	_ =	swait.ge [sflag:s20], $0x3E80  }
0xaf: {  	[sflag:s20] =	ssyncset.done $0x0  }
0xb0: {  	[sflag:s20] =	ssyncadd.s32 $0xFFFFC180  }
0xb1: {  	_ =	swait.ge [sflag:s26], $0x3E80  }
0xb2: {  	[sflag:s26] =	ssyncset.done $0x0  }
0xb3: {  	[sflag:s26] =	ssyncadd.s32 $0xFFFFC180  }
0xb4: {  	[spmem:s3] =	stream.indirect.scatter.add.f32 [tilespmem:s24], [sflag:$0x3], $0x80, s29, s22, $0xb8;
	[tilespmem:$0x1E800] =	vst v63  }
0xb5: {  	_ =	swait.ge [sflag:s20], $0x3E80  }
0xb6: {  	s2 =	sshll.u32 s0, $0x6;
	s4 =	sadd.s32 $0x1, s4;
	[sflag:s20] =	ssyncset.done $0x0  }
0xb7: {  	s30 =	sshrl.u32 s10, $0x3;
	p0 =	sne.s32 s4, s11;
	[sflag:s20] =	ssyncadd.s32 $0xFFFFC180  }
.Ltmp3:
0xb8: {  	s2 =	sor.u32 $0x1C03, s2;
	[bflag:$0x0] =	sbarrier.arrive $0xFFFF;
	(pc) =	sbr.rel @p0 .LBB2_1-.Ltmp3, $4  }
0xb9: {  	[hbm:s9], [sflag:s2] =	dma.local [spmem:s30], $0x2800  }
0xba: {  	_ =	swait.ge [sflag:s20], $0x2800  }
0xbb: {  	[sflag:s20] =	ssyncset.done $0x0  }
0xbc: {  	[sflag:s20] =	ssyncadd.s32 $0xFFFFD800  }
0xbd: {  	_ =	sfence.sel $0x180000  }
0xbe: {  	[bflag:$0x0] =	sbarrier.arrive $0xFFFF  }
0xbf: {  	_ =	strace $0x9000004A  }
0xc0: {  	[bflag:$0x2] =	sbarrier.arrive $0xFFFF  }
0xc1: {  	p0 =	sne.s32 s0, $0x0;
	s0 =	rddreg [dreg:$0x3]  }
0xc2: {  	s0 =	sadd.s32 @!p0 $0x100000, s0  }
0xc3: {  	[sflag:s0] =	ssyncadd.tile.s32 @!p0 $0x1;
	_ =	shalt  }
.Lfunc_end2:
_tile_overlayer_lowered:
.L_overlay_start_2:
0xc4: {  	(tag) =	ssettag $0x2  }
0xc5: {  	s0 =	rddreg [dreg:$0x0];
	s2 =	stileid.u32  }
0xc6: {  	s1 =	rddreg [dreg:$0x1];
	p0 =	sne.s32 s2, $0x0  }
0xc7: {  	s3 =	rddreg [dreg:$0x2];
	[bflag:$0x3] =	sbarrier.arrive $0xFFFF;
	s2 =	simm.s32 @!p0 $0x1C03  }
0xc8: {  	[timem:s3], [sflag:s2] =	dma.local @!p0 [hbm:s0], s1  }
0xc9: {  	s0 =	simm.s32 @!p0 $0x3  }
0xca: {  	_ =	swait.ge @!p0 [sflag:s0], s1  }
0xcb: {  	s1 =	ssub.s32 @!p0 $0x0, s1;
	[sflag:s0] =	ssyncset.done @!p0 $0x0  }
0xcc: {  	[sflag:s0] =	ssyncadd.s32 @!p0 s1  }
0xcd: {  	[bflag:$0x3] =	sbarrier.arrive $0xFFFF  }
0xce: {  	_ =	shalt  }

</sc_bundles>
